<compile_context>
chip_gen: v7x
topology: tpu7x:2x2x1
jax: 0.10.2.dev20260603
libtpu: 0.0.44.dev20260713+nightly
codegen_flags: <defaults>
</compile_context>

<pallas_src>
import functools

import jax
import jax.numpy as jnp
from jax import lax
from jax.experimental import pallas as pl
from jax.experimental.pallas import tpu as pltpu
from jax.experimental.pallas import tpu_sc as plsc

N = 10000
E = 320000
D = 128
DH = D // 2

NC = 2
NS = 16
CH = 128
K = 160
NBUF = 5
E_PAD = NS * K * CH
N_PAD = 10240
STRIPE = N_PAD // NS
DW = 8


def _sc_aggregate(x, src_r, dst_r, za, zd, ones):
    mesh = plsc.VectorSubcoreMesh(core_axis_name="c", subcore_axis_name="s")

    @functools.partial(
        pl.kernel,
        out_type=[
            jax.ShapeDtypeStruct((N_PAD, D), jnp.float32),
            jax.ShapeDtypeStruct((NC, N_PAD, DW), jnp.float32),
        ],
        mesh=mesh,
        scratch_types=[
            pltpu.VMEM((K, CH), jnp.int32),
            pltpu.VMEM((K, CH), jnp.int32),
            pltpu.VMEM((NBUF, CH, DH), jnp.float32),
            pltpu.VMEM((CH, DW), jnp.float32),
            pltpu.VMEM((CH, DW), jnp.float32),
            pltpu.VMEM_SHARED((N_PAD, DH), jnp.float32),
            pltpu.VMEM_SHARED((N_PAD, DW), jnp.float32),
            pltpu.SemaphoreType.DMA((NBUF,)),
            pltpu.SemaphoreType.DMA((NBUF,)),
            pltpu.SemaphoreType.DMA,
        ],
        compiler_params=pltpu.CompilerParams(use_tc_tiling_on_sc=False),
    )
    def run(x_hbm, src_hbm, dst_hbm, za_hbm, zd_hbm, ones_hbm,
            agg_out, deg_out,
            src_v, dst_v, rows_v, ones_v, degst_v, agg_sh, deg_sh,
            gsem, ssem, dsem):
        c = lax.axis_index("c")
        s = lax.axis_index("s")
        pltpu.sync_copy(za_hbm, rows_v.at[0])
        pltpu.sync_copy(zd_hbm, degst_v)
        for t in range(STRIPE // CH):
            off = s * STRIPE + t * CH
            pltpu.sync_copy(rows_v.at[0], agg_sh.at[pl.ds(off, CH)])
            pltpu.sync_copy(degst_v, deg_sh.at[pl.ds(off, CH)])
        pltpu.sync_copy(ones_hbm, ones_v)

        pltpu.sync_copy(src_hbm.at[c, s], src_v)
        pltpu.sync_copy(dst_hbm.at[s], dst_v)

        plsc.subcore_barrier()

        for b in range(NBUF):
            pltpu.async_copy(
                x_hbm.at[src_v.at[b]], rows_v.at[b], gsem.at[b])

        def step(i, carry):
            for b in range(NBUF):
                ck = i * NBUF + b
                pltpu.make_async_copy(
                    x_hbm.at[src_v.at[ck]], rows_v.at[b], gsem.at[b]).wait()
                pltpu.async_copy(
                    rows_v.at[b], agg_sh.at[dst_v.at[ck]], ssem.at[b],
                    add=True)

                @pl.when(ck % NC == c)
                def _():
                    pltpu.async_copy(
                        ones_v, deg_sh.at[dst_v.at[ck]], dsem, add=True)

                @pl.when(ck + NBUF < K)
                def _():
                    pltpu.make_async_copy(
                        rows_v.at[b], agg_sh.at[dst_v.at[ck]],
                        ssem.at[b]).wait()
                    pltpu.async_copy(
                        x_hbm.at[src_v.at[ck + NBUF]], rows_v.at[b],
                        gsem.at[b])

            return carry

        lax.fori_loop(0, K // NBUF, step, 0)

        for b in range(NBUF):
            pltpu.make_async_copy(
                rows_v.at[b], agg_sh.at[dst_v.at[0]], ssem.at[b]).wait()

        def dwait(i, carry):
            pltpu.make_async_copy(
                ones_v, deg_sh.at[dst_v.at[0]], dsem).wait()
            return carry

        lax.fori_loop(0, K // NC, dwait, 0)

        plsc.subcore_barrier()

        for t in range(STRIPE // CH):
            off = s * STRIPE + t * CH
            pltpu.sync_copy(agg_sh.at[pl.ds(off, CH)], rows_v.at[0])
            pltpu.sync_copy(
                rows_v.at[0],
                agg_out.at[pl.ds(off, CH), pl.ds(c * DH, DH)])
            pltpu.sync_copy(deg_sh.at[pl.ds(off, CH)], degst_v)
            pltpu.sync_copy(degst_v, deg_out.at[c, pl.ds(off, CH)])

    return run(x, src_r, dst_r, za, zd, ones)


def _tc_body(x_ref, a_ref, d_ref, ws_ref, wn_ref, bs_ref, bn_ref, o_ref):
    xb = x_ref[...]
    deg = jnp.maximum(d_ref[0] + d_ref[1], 1.0)
    h = (jnp.dot(xb, ws_ref[...], preferred_element_type=jnp.float32)
         + jnp.dot(a_ref[...] / deg, wn_ref[...],
                   preferred_element_type=jnp.float32)
         + bs_ref[...] + bn_ref[...])
    o_ref[...] = jnp.maximum(h, 0.0)


def kernel(x, edge_index, W_self, b_self, W_neigh, b_neigh):
    src = edge_index[0].astype(jnp.int32)
    dst = edge_index[1].astype(jnp.int32)
    pad_e = E_PAD - E
    src = jnp.concatenate([src, jnp.zeros((pad_e,), jnp.int32)])
    pad_dst = N + (jnp.arange(pad_e, dtype=jnp.int32) % (N_PAD - N))
    dst = jnp.concatenate([dst, pad_dst])
    src_r = src.reshape(NS, K, CH)
    dst_r = dst.reshape(NS, K, CH)
    xh = jnp.concatenate([x[:, :DH], x[:, DH:]], axis=0)
    src2 = jnp.stack([src_r, src_r + N])
    za = jnp.zeros((CH, DH), jnp.float32)
    zd = jnp.zeros((CH, DW), jnp.float32)
    ones = jnp.ones((CH, DW), jnp.float32)

    agg_p, deg_p = _sc_aggregate(xh, src2, dst_r, za, zd, ones)
    deg1 = deg_p[:, :, :1]

    R = 1000
    h = pl.pallas_call(
        _tc_body,
        grid=(N // R,),
        in_specs=[
            pl.BlockSpec((R, D), lambda i: (i, 0)),
            pl.BlockSpec((R, D), lambda i: (i, 0)),
            pl.BlockSpec((2, R, 1), lambda i: (0, i, 0)),
            pl.BlockSpec((D, D), lambda i: (0, 0)),
            pl.BlockSpec((D, D), lambda i: (0, 0)),
            pl.BlockSpec((1, D), lambda i: (0, 0)),
            pl.BlockSpec((1, D), lambda i: (0, 0)),
        ],
        out_specs=pl.BlockSpec((R, D), lambda i: (i, 0)),
        out_shape=jax.ShapeDtypeStruct((N, D), jnp.float32),
    )(x, agg_p, deg1, W_self.T, W_neigh.T,
      b_self.reshape(1, D), b_neigh.reshape(1, D))
    return h

# --- scband reference (transcript-rebuilt; emitter-appended) ---
"""Pipeline reference for scband-graph-sagelayer-75222057222467 (READ-ONLY COPY).

The authoritative reference and input builder live on the scoring server;
editing this copy changes nothing except your own understanding.
"""

import jax, jax.numpy as jnp
import numpy as np

N = 10000
E = 320000
D_IN = 128
D_OUT = 128

def setup_inputs(seed: int = 0) -> dict:
    key = jax.random.key(seed)
    k1, k2, k3, k4, k5, k6 = jax.random.split(key, 6)
    x = jax.random.normal(k1, (N, D_IN), dtype=jnp.float32)
    edge_index = jax.random.randint(k2, (2, E), 0, N, dtype=jnp.int64)
    # Linear params (torch nn.Linear default init: U(-1/sqrt(fan_in), 1/sqrt(fan_in)))
    bound = 1.0 / np.sqrt(D_IN)
    W_self = jax.random.uniform(k3, (D_OUT, D_IN), minval=-bound, maxval=bound, dtype=jnp.float32)
    b_self = jax.random.uniform(k4, (D_OUT,), minval=-bound, maxval=bound, dtype=jnp.float32)
    W_neigh = jax.random.uniform(k5, (D_OUT, D_IN), minval=-bound, maxval=bound, dtype=jnp.float32)
    b_neigh = jax.random.uniform(k6, (D_OUT,), minval=-bound, maxval=bound, dtype=jnp.float32)
    return {"x": x, "edge_index": edge_index, "W_self": W_self, "b_self": b_self, "W_neigh": W_neigh, "b_neigh": b_neigh}

def reference(x, edge_index, W_self, b_self, W_neigh, b_neigh):
    src = edge_index[0]
    dst = edge_index[1]
    # scatter-add aggregation: agg[dst] += x[src]
    gathered = jnp.take(x, src, axis=0)
    agg = jnp.zeros_like(x).at[dst].add(gathered)
    # degree normalization with clamp_min(1)
    deg = jnp.bincount(dst, length=N).astype(x.dtype)
    deg = jnp.clip(deg, 1.0, None)[:, None]
    agg = agg / deg
    h = x @ W_self.T + b_self + agg @ W_neigh.T + b_neigh
    h = jax.nn.relu(h)
    # dropout p=0.0 (eval / identity)
    return h

if __name__ == "__main__":
    import jax
    _d = setup_inputs()
    print(jax.jit(kernel)(*tuple(_d.values())))

</pallas_src>

<mosaic_0001>
#map = affine_map<(d0, d1) -> (0, 0)>
#map1 = affine_map<(d0, d1) -> (0, 0, 0, 0)>
#map2 = affine_map<(d0, d1) -> (0, 0, 0)>
module attributes {stable_mosaic.version = 14 : i64} {
  func.func @run(%arg0: i32, %arg1: i32, %arg2: memref<20000x64xf32, #tpu.memory_space<hbm>>, %arg3: memref<2x16x160x128xi32, #tpu.memory_space<hbm>>, %arg4: memref<16x160x128xi32, #tpu.memory_space<hbm>>, %arg5: memref<128x64xf32, #tpu.memory_space<hbm>>, %arg6: memref<128x8xf32, #tpu.memory_space<hbm>>, %arg7: memref<128x8xf32, #tpu.memory_space<hbm>>, %arg8: memref<10240x128xf32, #tpu.memory_space<hbm>>, %arg9: memref<2x10240x8xf32, #tpu.memory_space<hbm>>, %arg10: memref<160x128xi32, #tpu.memory_space<vmem>>, %arg11: memref<160x128xi32, #tpu.memory_space<vmem>>, %arg12: memref<5x128x64xf32, #tpu.memory_space<vmem>>, %arg13: memref<128x8xf32, #tpu.memory_space<vmem>>, %arg14: memref<128x8xf32, #tpu.memory_space<vmem>>, %arg15: memref<10240x64xf32, #tpu.memory_space<vmem_shared>>, %arg16: memref<10240x8xf32, #tpu.memory_space<vmem_shared>>, %arg17: memref<5x!tpu.dma_semaphore, #tpu.memory_space<semaphore_mem>>, %arg18: memref<5x!tpu.dma_semaphore, #tpu.memory_space<semaphore_mem>>, %arg19: memref<!tpu.dma_semaphore, #tpu.memory_space<semaphore_mem>>) attributes {dimension_semantics = [#tpu.dimension_semantics<core_parallel>, #tpu.dimension_semantics<subcore_parallel>], iteration_bounds = array<i64: 2, 16>, scalar_prefetch = 0 : i64, scratch_operands = 10 : i64, tpu.core_type = #tpu.core_type<sc_vector_subcore>, window_params = [{transform_indices = #map}, {transform_indices = #map1}, {transform_indices = #map2}, {transform_indices = #map}, {transform_indices = #map}, {transform_indices = #map}, {transform_indices = #map}, {transform_indices = #map2}]} {
    %run_scoped3A = arith.constant 0 : i32
    "tpu.region"() ({
      %run_scoped3A_223 = tpu.sem_alloc : memref<!tpu.dma_semaphore, #tpu.memory_space<semaphore_mem>>
      %dma_start3A_224 = arith.constant 0 : i32
      %dma_start3A_225 = arith.constant 0 : i32
      %dma_start3A_226 = tpu.memref_slice %arg12[%run_scoped3A, %dma_start3A_224, %dma_start3A_225] : memref<5x128x64xf32, #tpu.memory_space<vmem>> -> memref<1x128x64xf32, #tpu.memory_space<vmem>>
      %dma_start3A_227 = tpu.memref_squeeze %dma_start3A_226 : memref<1x128x64xf32, #tpu.memory_space<vmem>> -> memref<128x64xf32, #tpu.memory_space<vmem>>
      %dma_start3A_228 = arith.constant 0 : i32
      %dma_start3A_229 = arith.constant 0 : i32
      %dma_start3A_230 = tpu.memref_slice %arg12[%run_scoped3A, %dma_start3A_228, %dma_start3A_229] : memref<5x128x64xf32, #tpu.memory_space<vmem>> -> memref<1x128x64xf32, #tpu.memory_space<vmem>>
      %dma_start3A_231 = tpu.memref_squeeze %dma_start3A_230 : memref<1x128x64xf32, #tpu.memory_space<vmem>> -> memref<128x64xf32, #tpu.memory_space<vmem>>
      tpu.enqueue_dma source(%arg5 : memref<128x64xf32, #tpu.memory_space<hbm>>) target(%dma_start3A_231 : memref<128x64xf32, #tpu.memory_space<vmem>>) target_semaphore(%run_scoped3A_223 : memref<!tpu.dma_semaphore, #tpu.memory_space<semaphore_mem>>)
      %dma_wait3A_232 = arith.constant 0 : i32
      %dma_wait3A_233 = arith.constant 0 : i32
      %dma_wait3A_234 = tpu.memref_slice %arg12[%run_scoped3A, %dma_wait3A_232, %dma_wait3A_233] : memref<5x128x64xf32, #tpu.memory_space<vmem>> -> memref<1x128x64xf32, #tpu.memory_space<vmem>>
      %dma_wait3A_235 = tpu.memref_squeeze %dma_wait3A_234 : memref<1x128x64xf32, #tpu.memory_space<vmem>> -> memref<128x64xf32, #tpu.memory_space<vmem>>
      %dma_wait3A_236 = arith.constant 0 : i32
      %dma_wait3A_237 = arith.constant 0 : i32
      %dma_wait3A_238 = tpu.memref_slice %arg12[%run_scoped3A, %dma_wait3A_236, %dma_wait3A_237] : memref<5x128x64xf32, #tpu.memory_space<vmem>> -> memref<1x128x64xf32, #tpu.memory_space<vmem>>
      %dma_wait3A_239 = tpu.memref_squeeze %dma_wait3A_238 : memref<1x128x64xf32, #tpu.memory_space<vmem>> -> memref<128x64xf32, #tpu.memory_space<vmem>>
      tpu.wait_dma2 semaphore(%run_scoped3A_223 : memref<!tpu.dma_semaphore, #tpu.memory_space<semaphore_mem>>) src(%arg5 : memref<128x64xf32, #tpu.memory_space<hbm>>) dst(%dma_wait3A_239 : memref<128x64xf32, #tpu.memory_space<vmem>>)
      tpu.yield
    }) : () -> ()
    "tpu.region"() ({
      %run_scoped3A_223 = tpu.sem_alloc : memref<!tpu.dma_semaphore, #tpu.memory_space<semaphore_mem>>
      tpu.enqueue_dma source(%arg6 : memref<128x8xf32, #tpu.memory_space<hbm>>) target(%arg14 : memref<128x8xf32, #tpu.memory_space<vmem>>) target_semaphore(%run_scoped3A_223 : memref<!tpu.dma_semaphore, #tpu.memory_space<semaphore_mem>>)
      tpu.wait_dma2 semaphore(%run_scoped3A_223 : memref<!tpu.dma_semaphore, #tpu.memory_space<semaphore_mem>>) src(%arg6 : memref<128x8xf32, #tpu.memory_space<hbm>>) dst(%arg14 : memref<128x8xf32, #tpu.memory_space<vmem>>)
      tpu.yield
    }) : () -> ()
    %mul3A = arith.constant 640 : i32
    %mul3A_0 = arith.muli %arg1, %mul3A : i32
    %add3A = arith.constant 0 : i32
    %add3A_1 = arith.addi %mul3A_0, %add3A : i32
    %run_scoped3A_2 = arith.constant 0 : i32
    "tpu.region"() ({
      %run_scoped3A_223 = tpu.sem_alloc : memref<!tpu.dma_semaphore, #tpu.memory_space<semaphore_mem>>
      %dma_start3A_224 = arith.constant 0 : i32
      %dma_start3A_225 = arith.constant 0 : i32
      %dma_start3A_226 = tpu.memref_slice %arg12[%run_scoped3A_2, %dma_start3A_224, %dma_start3A_225] : memref<5x128x64xf32, #tpu.memory_space<vmem>> -> memref<1x128x64xf32, #tpu.memory_space<vmem>>
      %dma_start3A_227 = tpu.memref_squeeze %dma_start3A_226 : memref<1x128x64xf32, #tpu.memory_space<vmem>> -> memref<128x64xf32, #tpu.memory_space<vmem>>
      %dma_start3A_228 = arith.constant 0 : i32
      %dma_start3A_229 = tpu.memref_slice %arg15[%add3A_1, %dma_start3A_228] : memref<10240x64xf32, #tpu.memory_space<vmem_shared>> -> memref<128x64xf32, #tpu.memory_space<vmem_shared>>
      %dma_start3A_230 = arith.constant 0 : i32
      %dma_start3A_231 = tpu.memref_slice %arg15[%add3A_1, %dma_start3A_230] : memref<10240x64xf32, #tpu.memory_space<vmem_shared>> -> memref<128x64xf32, #tpu.memory_space<vmem_shared>>
      %dma_start3A_232 = arith.constant 0 : i32
      %dma_start3A_233 = arith.constant 0 : i32
      %dma_start3A_234 = tpu.memref_slice %arg12[%run_scoped3A_2, %dma_start3A_232, %dma_start3A_233] : memref<5x128x64xf32, #tpu.memory_space<vmem>> -> memref<1x128x64xf32, #tpu.memory_space<vmem>>
      %dma_start3A_235 = tpu.memref_squeeze %dma_start3A_234 : memref<1x128x64xf32, #tpu.memory_space<vmem>> -> memref<128x64xf32, #tpu.memory_space<vmem>>
      tpu.enqueue_dma source(%dma_start3A_235 : memref<128x64xf32, #tpu.memory_space<vmem>>) target(%dma_start3A_231 : memref<128x64xf32, #tpu.memory_space<vmem_shared>>) target_semaphore(%run_scoped3A_223 : memref<!tpu.dma_semaphore, #tpu.memory_space<semaphore_mem>>)
      %dma_wait3A_236 = arith.constant 0 : i32
      %dma_wait3A_237 = arith.constant 0 : i32
      %dma_wait3A_238 = tpu.memref_slice %arg12[%run_scoped3A_2, %dma_wait3A_236, %dma_wait3A_237] : memref<5x128x64xf32, #tpu.memory_space<vmem>> -> memref<1x128x64xf32, #tpu.memory_space<vmem>>
      %dma_wait3A_239 = tpu.memref_squeeze %dma_wait3A_238 : memref<1x128x64xf32, #tpu.memory_space<vmem>> -> memref<128x64xf32, #tpu.memory_space<vmem>>
      %dma_wait3A_240 = arith.constant 0 : i32
      %dma_wait3A_241 = tpu.memref_slice %arg15[%add3A_1, %dma_wait3A_240] : memref<10240x64xf32, #tpu.memory_space<vmem_shared>> -> memref<128x64xf32, #tpu.memory_space<vmem_shared>>
      %dma_wait3A_242 = arith.constant 0 : i32
      %dma_wait3A_243 = tpu.memref_slice %arg15[%add3A_1, %dma_wait3A_242] : memref<10240x64xf32, #tpu.memory_space<vmem_shared>> -> memref<128x64xf32, #tpu.memory_space<vmem_shared>>
      %dma_wait3A_244 = arith.constant 0 : i32
      %dma_wait3A_245 = arith.constant 0 : i32
      %dma_wait3A_246 = tpu.memref_slice %arg12[%run_scoped3A_2, %dma_wait3A_244, %dma_wait3A_245] : memref<5x128x64xf32, #tpu.memory_space<vmem>> -> memref<1x128x64xf32, #tpu.memory_space<vmem>>
      %dma_wait3A_247 = tpu.memref_squeeze %dma_wait3A_246 : memref<1x128x64xf32, #tpu.memory_space<vmem>> -> memref<128x64xf32, #tpu.memory_space<vmem>>
      tpu.wait_dma2 semaphore(%run_scoped3A_223 : memref<!tpu.dma_semaphore, #tpu.memory_space<semaphore_mem>>) src(%dma_wait3A_247 : memref<128x64xf32, #tpu.memory_space<vmem>>) dst(%dma_wait3A_243 : memref<128x64xf32, #tpu.memory_space<vmem_shared>>)
      tpu.yield
    }) : () -> ()
    "tpu.region"() ({
      %run_scoped3A_223 = tpu.sem_alloc : memref<!tpu.dma_semaphore, #tpu.memory_space<semaphore_mem>>
      %dma_start3A_224 = arith.constant 0 : i32
      %dma_start3A_225 = tpu.memref_slice %arg16[%add3A_1, %dma_start3A_224] : memref<10240x8xf32, #tpu.memory_space<vmem_shared>> -> memref<128x8xf32, #tpu.memory_space<vmem_shared>>
      %dma_start3A_226 = arith.constant 0 : i32
      %dma_start3A_227 = tpu.memref_slice %arg16[%add3A_1, %dma_start3A_226] : memref<10240x8xf32, #tpu.memory_space<vmem_shared>> -> memref<128x8xf32, #tpu.memory_space<vmem_shared>>
      tpu.enqueue_dma source(%arg14 : memref<128x8xf32, #tpu.memory_space<vmem>>) target(%dma_start3A_227 : memref<128x8xf32, #tpu.memory_space<vmem_shared>>) target_semaphore(%run_scoped3A_223 : memref<!tpu.dma_semaphore, #tpu.memory_space<semaphore_mem>>)
      %dma_wait3A_228 = arith.constant 0 : i32
      %dma_wait3A_229 = tpu.memref_slice %arg16[%add3A_1, %dma_wait3A_228] : memref<10240x8xf32, #tpu.memory_space<vmem_shared>> -> memref<128x8xf32, #tpu.memory_space<vmem_shared>>
      %dma_wait3A_230 = arith.constant 0 : i32
      %dma_wait3A_231 = tpu.memref_slice %arg16[%add3A_1, %dma_wait3A_230] : memref<10240x8xf32, #tpu.memory_space<vmem_shared>> -> memref<128x8xf32, #tpu.memory_space<vmem_shared>>
      tpu.wait_dma2 semaphore(%run_scoped3A_223 : memref<!tpu.dma_semaphore, #tpu.memory_space<semaphore_mem>>) src(%arg14 : memref<128x8xf32, #tpu.memory_space<vmem>>) dst(%dma_wait3A_231 : memref<128x8xf32, #tpu.memory_space<vmem_shared>>)
      tpu.yield
    }) : () -> ()
    %mul3A_3 = arith.constant 640 : i32
    %mul3A_4 = arith.muli %arg1, %mul3A_3 : i32
    %add3A_5 = arith.constant 128 : i32
    %add3A_6 = arith.addi %mul3A_4, %add3A_5 : i32
    %run_scoped3A_7 = arith.constant 0 : i32
    "tpu.region"() ({
      %run_scoped3A_223 = tpu.sem_alloc : memref<!tpu.dma_semaphore, #tpu.memory_space<semaphore_mem>>
      %dma_start3A_224 = arith.constant 0 : i32
      %dma_start3A_225 = arith.constant 0 : i32
      %dma_start3A_226 = tpu.memref_slice %arg12[%run_scoped3A_7, %dma_start3A_224, %dma_start3A_225] : memref<5x128x64xf32, #tpu.memory_space<vmem>> -> memref<1x128x64xf32, #tpu.memory_space<vmem>>
      %dma_start3A_227 = tpu.memref_squeeze %dma_start3A_226 : memref<1x128x64xf32, #tpu.memory_space<vmem>> -> memref<128x64xf32, #tpu.memory_space<vmem>>
      %dma_start3A_228 = arith.constant 0 : i32
      %dma_start3A_229 = tpu.memref_slice %arg15[%add3A_6, %dma_start3A_228] : memref<10240x64xf32, #tpu.memory_space<vmem_shared>> -> memref<128x64xf32, #tpu.memory_space<vmem_shared>>
      %dma_start3A_230 = arith.constant 0 : i32
      %dma_start3A_231 = tpu.memref_slice %arg15[%add3A_6, %dma_start3A_230] : memref<10240x64xf32, #tpu.memory_space<vmem_shared>> -> memref<128x64xf32, #tpu.memory_space<vmem_shared>>
      %dma_start3A_232 = arith.constant 0 : i32
      %dma_start3A_233 = arith.constant 0 : i32
      %dma_start3A_234 = tpu.memref_slice %arg12[%run_scoped3A_7, %dma_start3A_232, %dma_start3A_233] : memref<5x128x64xf32, #tpu.memory_space<vmem>> -> memref<1x128x64xf32, #tpu.memory_space<vmem>>
      %dma_start3A_235 = tpu.memref_squeeze %dma_start3A_234 : memref<1x128x64xf32, #tpu.memory_space<vmem>> -> memref<128x64xf32, #tpu.memory_space<vmem>>
      tpu.enqueue_dma source(%dma_start3A_235 : memref<128x64xf32, #tpu.memory_space<vmem>>) target(%dma_start3A_231 : memref<128x64xf32, #tpu.memory_space<vmem_shared>>) target_semaphore(%run_scoped3A_223 : memref<!tpu.dma_semaphore, #tpu.memory_space<semaphore_mem>>)
      %dma_wait3A_236 = arith.constant 0 : i32
      %dma_wait3A_237 = arith.constant 0 : i32
      %dma_wait3A_238 = tpu.memref_slice %arg12[%run_scoped3A_7, %dma_wait3A_236, %dma_wait3A_237] : memref<5x128x64xf32, #tpu.memory_space<vmem>> -> memref<1x128x64xf32, #tpu.memory_space<vmem>>
      %dma_wait3A_239 = tpu.memref_squeeze %dma_wait3A_238 : memref<1x128x64xf32, #tpu.memory_space<vmem>> -> memref<128x64xf32, #tpu.memory_space<vmem>>
      %dma_wait3A_240 = arith.constant 0 : i32
      %dma_wait3A_241 = tpu.memref_slice %arg15[%add3A_6, %dma_wait3A_240] : memref<10240x64xf32, #tpu.memory_space<vmem_shared>> -> memref<128x64xf32, #tpu.memory_space<vmem_shared>>
      %dma_wait3A_242 = arith.constant 0 : i32
      %dma_wait3A_243 = tpu.memref_slice %arg15[%add3A_6, %dma_wait3A_242] : memref<10240x64xf32, #tpu.memory_space<vmem_shared>> -> memref<128x64xf32, #tpu.memory_space<vmem_shared>>
      %dma_wait3A_244 = arith.constant 0 : i32
      %dma_wait3A_245 = arith.constant 0 : i32
      %dma_wait3A_246 = tpu.memref_slice %arg12[%run_scoped3A_7, %dma_wait3A_244, %dma_wait3A_245] : memref<5x128x64xf32, #tpu.memory_space<vmem>> -> memref<1x128x64xf32, #tpu.memory_space<vmem>>
      %dma_wait3A_247 = tpu.memref_squeeze %dma_wait3A_246 : memref<1x128x64xf32, #tpu.memory_space<vmem>> -> memref<128x64xf32, #tpu.memory_space<vmem>>
      tpu.wait_dma2 semaphore(%run_scoped3A_223 : memref<!tpu.dma_semaphore, #tpu.memory_space<semaphore_mem>>) src(%dma_wait3A_247 : memref<128x64xf32, #tpu.memory_space<vmem>>) dst(%dma_wait3A_243 : memref<128x64xf32, #tpu.memory_space<vmem_shared>>)
      tpu.yield
    }) : () -> ()
    "tpu.region"() ({
      %run_scoped3A_223 = tpu.sem_alloc : memref<!tpu.dma_semaphore, #tpu.memory_space<semaphore_mem>>
      %dma_start3A_224 = arith.constant 0 : i32
      %dma_start3A_225 = tpu.memref_slice %arg16[%add3A_6, %dma_start3A_224] : memref<10240x8xf32, #tpu.memory_space<vmem_shared>> -> memref<128x8xf32, #tpu.memory_space<vmem_shared>>
      %dma_start3A_226 = arith.constant 0 : i32
      %dma_start3A_227 = tpu.memref_slice %arg16[%add3A_6, %dma_start3A_226] : memref<10240x8xf32, #tpu.memory_space<vmem_shared>> -> memref<128x8xf32, #tpu.memory_space<vmem_shared>>
      tpu.enqueue_dma source(%arg14 : memref<128x8xf32, #tpu.memory_space<vmem>>) target(%dma_start3A_227 : memref<128x8xf32, #tpu.memory_space<vmem_shared>>) target_semaphore(%run_scoped3A_223 : memref<!tpu.dma_semaphore, #tpu.memory_space<semaphore_mem>>)
      %dma_wait3A_228 = arith.constant 0 : i32
      %dma_wait3A_229 = tpu.memref_slice %arg16[%add3A_6, %dma_wait3A_228] : memref<10240x8xf32, #tpu.memory_space<vmem_shared>> -> memref<128x8xf32, #tpu.memory_space<vmem_shared>>
      %dma_wait3A_230 = arith.constant 0 : i32
      %dma_wait3A_231 = tpu.memref_slice %arg16[%add3A_6, %dma_wait3A_230] : memref<10240x8xf32, #tpu.memory_space<vmem_shared>> -> memref<128x8xf32, #tpu.memory_space<vmem_shared>>
      tpu.wait_dma2 semaphore(%run_scoped3A_223 : memref<!tpu.dma_semaphore, #tpu.memory_space<semaphore_mem>>) src(%arg14 : memref<128x8xf32, #tpu.memory_space<vmem>>) dst(%dma_wait3A_231 : memref<128x8xf32, #tpu.memory_space<vmem_shared>>)
      tpu.yield
    }) : () -> ()
    %mul3A_8 = arith.constant 640 : i32
    %mul3A_9 = arith.muli %arg1, %mul3A_8 : i32
    %add3A_10 = arith.constant 256 : i32
    %add3A_11 = arith.addi %mul3A_9, %add3A_10 : i32
    %run_scoped3A_12 = arith.constant 0 : i32
    "tpu.region"() ({
      %run_scoped3A_223 = tpu.sem_alloc : memref<!tpu.dma_semaphore, #tpu.memory_space<semaphore_mem>>
      %dma_start3A_224 = arith.constant 0 : i32
      %dma_start3A_225 = arith.constant 0 : i32
      %dma_start3A_226 = tpu.memref_slice %arg12[%run_scoped3A_12, %dma_start3A_224, %dma_start3A_225] : memref<5x128x64xf32, #tpu.memory_space<vmem>> -> memref<1x128x64xf32, #tpu.memory_space<vmem>>
      %dma_start3A_227 = tpu.memref_squeeze %dma_start3A_226 : memref<1x128x64xf32, #tpu.memory_space<vmem>> -> memref<128x64xf32, #tpu.memory_space<vmem>>
      %dma_start3A_228 = arith.constant 0 : i32
      %dma_start3A_229 = tpu.memref_slice %arg15[%add3A_11, %dma_start3A_228] : memref<10240x64xf32, #tpu.memory_space<vmem_shared>> -> memref<128x64xf32, #tpu.memory_space<vmem_shared>>
      %dma_start3A_230 = arith.constant 0 : i32
      %dma_start3A_231 = tpu.memref_slice %arg15[%add3A_11, %dma_start3A_230] : memref<10240x64xf32, #tpu.memory_space<vmem_shared>> -> memref<128x64xf32, #tpu.memory_space<vmem_shared>>
      %dma_start3A_232 = arith.constant 0 : i32
      %dma_start3A_233 = arith.constant 0 : i32
      %dma_start3A_234 = tpu.memref_slice %arg12[%run_scoped3A_12, %dma_start3A_232, %dma_start3A_233] : memref<5x128x64xf32, #tpu.memory_space<vmem>> -> memref<1x128x64xf32, #tpu.memory_space<vmem>>
      %dma_start3A_235 = tpu.memref_squeeze %dma_start3A_234 : memref<1x128x64xf32, #tpu.memory_space<vmem>> -> memref<128x64xf32, #tpu.memory_space<vmem>>
      tpu.enqueue_dma source(%dma_start3A_235 : memref<128x64xf32, #tpu.memory_space<vmem>>) target(%dma_start3A_231 : memref<128x64xf32, #tpu.memory_space<vmem_shared>>) target_semaphore(%run_scoped3A_223 : memref<!tpu.dma_semaphore, #tpu.memory_space<semaphore_mem>>)
      %dma_wait3A_236 = arith.constant 0 : i32
      %dma_wait3A_237 = arith.constant 0 : i32
      %dma_wait3A_238 = tpu.memref_slice %arg12[%run_scoped3A_12, %dma_wait3A_236, %dma_wait3A_237] : memref<5x128x64xf32, #tpu.memory_space<vmem>> -> memref<1x128x64xf32, #tpu.memory_space<vmem>>
      %dma_wait3A_239 = tpu.memref_squeeze %dma_wait3A_238 : memref<1x128x64xf32, #tpu.memory_space<vmem>> -> memref<128x64xf32, #tpu.memory_space<vmem>>
      %dma_wait3A_240 = arith.constant 0 : i32
      %dma_wait3A_241 = tpu.memref_slice %arg15[%add3A_11, %dma_wait3A_240] : memref<10240x64xf32, #tpu.memory_space<vmem_shared>> -> memref<128x64xf32, #tpu.memory_space<vmem_shared>>
      %dma_wait3A_242 = arith.constant 0 : i32
      %dma_wait3A_243 = tpu.memref_slice %arg15[%add3A_11, %dma_wait3A_242] : memref<10240x64xf32, #tpu.memory_space<vmem_shared>> -> memref<128x64xf32, #tpu.memory_space<vmem_shared>>
      %dma_wait3A_244 = arith.constant 0 : i32
      %dma_wait3A_245 = arith.constant 0 : i32
      %dma_wait3A_246 = tpu.memref_slice %arg12[%run_scoped3A_12, %dma_wait3A_244, %dma_wait3A_245] : memref<5x128x64xf32, #tpu.memory_space<vmem>> -> memref<1x128x64xf32, #tpu.memory_space<vmem>>
      %dma_wait3A_247 = tpu.memref_squeeze %dma_wait3A_246 : memref<1x128x64xf32, #tpu.memory_space<vmem>> -> memref<128x64xf32, #tpu.memory_space<vmem>>
      tpu.wait_dma2 semaphore(%run_scoped3A_223 : memref<!tpu.dma_semaphore, #tpu.memory_space<semaphore_mem>>) src(%dma_wait3A_247 : memref<128x64xf32, #tpu.memory_space<vmem>>) dst(%dma_wait3A_243 : memref<128x64xf32, #tpu.memory_space<vmem_shared>>)
      tpu.yield
    }) : () -> ()
    "tpu.region"() ({
      %run_scoped3A_223 = tpu.sem_alloc : memref<!tpu.dma_semaphore, #tpu.memory_space<semaphore_mem>>
      %dma_start3A_224 = arith.constant 0 : i32
      %dma_start3A_225 = tpu.memref_slice %arg16[%add3A_11, %dma_start3A_224] : memref<10240x8xf32, #tpu.memory_space<vmem_shared>> -> memref<128x8xf32, #tpu.memory_space<vmem_shared>>
      %dma_start3A_226 = arith.constant 0 : i32
      %dma_start3A_227 = tpu.memref_slice %arg16[%add3A_11, %dma_start3A_226] : memref<10240x8xf32, #tpu.memory_space<vmem_shared>> -> memref<128x8xf32, #tpu.memory_space<vmem_shared>>
      tpu.enqueue_dma source(%arg14 : memref<128x8xf32, #tpu.memory_space<vmem>>) target(%dma_start3A_227 : memref<128x8xf32, #tpu.memory_space<vmem_shared>>) target_semaphore(%run_scoped3A_223 : memref<!tpu.dma_semaphore, #tpu.memory_space<semaphore_mem>>)
      %dma_wait3A_228 = arith.constant 0 : i32
      %dma_wait3A_229 = tpu.memref_slice %arg16[%add3A_11, %dma_wait3A_228] : memref<10240x8xf32, #tpu.memory_space<vmem_shared>> -> memref<128x8xf32, #tpu.memory_space<vmem_shared>>
      %dma_wait3A_230 = arith.constant 0 : i32
      %dma_wait3A_231 = tpu.memref_slice %arg16[%add3A_11, %dma_wait3A_230] : memref<10240x8xf32, #tpu.memory_space<vmem_shared>> -> memref<128x8xf32, #tpu.memory_space<vmem_shared>>
      tpu.wait_dma2 semaphore(%run_scoped3A_223 : memref<!tpu.dma_semaphore, #tpu.memory_space<semaphore_mem>>) src(%arg14 : memref<128x8xf32, #tpu.memory_space<vmem>>) dst(%dma_wait3A_231 : memref<128x8xf32, #tpu.memory_space<vmem_shared>>)
      tpu.yield
    }) : () -> ()
    %mul3A_13 = arith.constant 640 : i32
    %mul3A_14 = arith.muli %arg1, %mul3A_13 : i32
    %add3A_15 = arith.constant 384 : i32
    %add3A_16 = arith.addi %mul3A_14, %add3A_15 : i32
    %run_scoped3A_17 = arith.constant 0 : i32
    "tpu.region"() ({
      %run_scoped3A_223 = tpu.sem_alloc : memref<!tpu.dma_semaphore, #tpu.memory_space<semaphore_mem>>
      %dma_start3A_224 = arith.constant 0 : i32
      %dma_start3A_225 = arith.constant 0 : i32
      %dma_start3A_226 = tpu.memref_slice %arg12[%run_scoped3A_17, %dma_start3A_224, %dma_start3A_225] : memref<5x128x64xf32, #tpu.memory_space<vmem>> -> memref<1x128x64xf32, #tpu.memory_space<vmem>>
      %dma_start3A_227 = tpu.memref_squeeze %dma_start3A_226 : memref<1x128x64xf32, #tpu.memory_space<vmem>> -> memref<128x64xf32, #tpu.memory_space<vmem>>
      %dma_start3A_228 = arith.constant 0 : i32
      %dma_start3A_229 = tpu.memref_slice %arg15[%add3A_16, %dma_start3A_228] : memref<10240x64xf32, #tpu.memory_space<vmem_shared>> -> memref<128x64xf32, #tpu.memory_space<vmem_shared>>
      %dma_start3A_230 = arith.constant 0 : i32
      %dma_start3A_231 = tpu.memref_slice %arg15[%add3A_16, %dma_start3A_230] : memref<10240x64xf32, #tpu.memory_space<vmem_shared>> -> memref<128x64xf32, #tpu.memory_space<vmem_shared>>
      %dma_start3A_232 = arith.constant 0 : i32
      %dma_start3A_233 = arith.constant 0 : i32
      %dma_start3A_234 = tpu.memref_slice %arg12[%run_scoped3A_17, %dma_start3A_232, %dma_start3A_233] : memref<5x128x64xf32, #tpu.memory_space<vmem>> -> memref<1x128x64xf32, #tpu.memory_space<vmem>>
      %dma_start3A_235 = tpu.memref_squeeze %dma_start3A_234 : memref<1x128x64xf32, #tpu.memory_space<vmem>> -> memref<128x64xf32, #tpu.memory_space<vmem>>
      tpu.enqueue_dma source(%dma_start3A_235 : memref<128x64xf32, #tpu.memory_space<vmem>>) target(%dma_start3A_231 : memref<128x64xf32, #tpu.memory_space<vmem_shared>>) target_semaphore(%run_scoped3A_223 : memref<!tpu.dma_semaphore, #tpu.memory_space<semaphore_mem>>)
      %dma_wait3A_236 = arith.constant 0 : i32
      %dma_wait3A_237 = arith.constant 0 : i32
      %dma_wait3A_238 = tpu.memref_slice %arg12[%run_scoped3A_17, %dma_wait3A_236, %dma_wait3A_237] : memref<5x128x64xf32, #tpu.memory_space<vmem>> -> memref<1x128x64xf32, #tpu.memory_space<vmem>>
      %dma_wait3A_239 = tpu.memref_squeeze %dma_wait3A_238 : memref<1x128x64xf32, #tpu.memory_space<vmem>> -> memref<128x64xf32, #tpu.memory_space<vmem>>
      %dma_wait3A_240 = arith.constant 0 : i32
      %dma_wait3A_241 = tpu.memref_slice %arg15[%add3A_16, %dma_wait3A_240] : memref<10240x64xf32, #tpu.memory_space<vmem_shared>> -> memref<128x64xf32, #tpu.memory_space<vmem_shared>>
      %dma_wait3A_242 = arith.constant 0 : i32
      %dma_wait3A_243 = tpu.memref_slice %arg15[%add3A_16, %dma_wait3A_242] : memref<10240x64xf32, #tpu.memory_space<vmem_shared>> -> memref<128x64xf32, #tpu.memory_space<vmem_shared>>
      %dma_wait3A_244 = arith.constant 0 : i32
      %dma_wait3A_245 = arith.constant 0 : i32
      %dma_wait3A_246 = tpu.memref_slice %arg12[%run_scoped3A_17, %dma_wait3A_244, %dma_wait3A_245] : memref<5x128x64xf32, #tpu.memory_space<vmem>> -> memref<1x128x64xf32, #tpu.memory_space<vmem>>
      %dma_wait3A_247 = tpu.memref_squeeze %dma_wait3A_246 : memref<1x128x64xf32, #tpu.memory_space<vmem>> -> memref<128x64xf32, #tpu.memory_space<vmem>>
      tpu.wait_dma2 semaphore(%run_scoped3A_223 : memref<!tpu.dma_semaphore, #tpu.memory_space<semaphore_mem>>) src(%dma_wait3A_247 : memref<128x64xf32, #tpu.memory_space<vmem>>) dst(%dma_wait3A_243 : memref<128x64xf32, #tpu.memory_space<vmem_shared>>)
      tpu.yield
    }) : () -> ()
    "tpu.region"() ({
      %run_scoped3A_223 = tpu.sem_alloc : memref<!tpu.dma_semaphore, #tpu.memory_space<semaphore_mem>>
      %dma_start3A_224 = arith.constant 0 : i32
      %dma_start3A_225 = tpu.memref_slice %arg16[%add3A_16, %dma_start3A_224] : memref<10240x8xf32, #tpu.memory_space<vmem_shared>> -> memref<128x8xf32, #tpu.memory_space<vmem_shared>>
      %dma_start3A_226 = arith.constant 0 : i32
      %dma_start3A_227 = tpu.memref_slice %arg16[%add3A_16, %dma_start3A_226] : memref<10240x8xf32, #tpu.memory_space<vmem_shared>> -> memref<128x8xf32, #tpu.memory_space<vmem_shared>>
      tpu.enqueue_dma source(%arg14 : memref<128x8xf32, #tpu.memory_space<vmem>>) target(%dma_start3A_227 : memref<128x8xf32, #tpu.memory_space<vmem_shared>>) target_semaphore(%run_scoped3A_223 : memref<!tpu.dma_semaphore, #tpu.memory_space<semaphore_mem>>)
      %dma_wait3A_228 = arith.constant 0 : i32
      %dma_wait3A_229 = tpu.memref_slice %arg16[%add3A_16, %dma_wait3A_228] : memref<10240x8xf32, #tpu.memory_space<vmem_shared>> -> memref<128x8xf32, #tpu.memory_space<vmem_shared>>
      %dma_wait3A_230 = arith.constant 0 : i32
      %dma_wait3A_231 = tpu.memref_slice %arg16[%add3A_16, %dma_wait3A_230] : memref<10240x8xf32, #tpu.memory_space<vmem_shared>> -> memref<128x8xf32, #tpu.memory_space<vmem_shared>>
      tpu.wait_dma2 semaphore(%run_scoped3A_223 : memref<!tpu.dma_semaphore, #tpu.memory_space<semaphore_mem>>) src(%arg14 : memref<128x8xf32, #tpu.memory_space<vmem>>) dst(%dma_wait3A_231 : memref<128x8xf32, #tpu.memory_space<vmem_shared>>)
      tpu.yield
    }) : () -> ()
    %mul3A_18 = arith.constant 640 : i32
    %mul3A_19 = arith.muli %arg1, %mul3A_18 : i32
    %add3A_20 = arith.constant 512 : i32
    %add3A_21 = arith.addi %mul3A_19, %add3A_20 : i32
    %run_scoped3A_22 = arith.constant 0 : i32
    "tpu.region"() ({
      %run_scoped3A_223 = tpu.sem_alloc : memref<!tpu.dma_semaphore, #tpu.memory_space<semaphore_mem>>
      %dma_start3A_224 = arith.constant 0 : i32
      %dma_start3A_225 = arith.constant 0 : i32
      %dma_start3A_226 = tpu.memref_slice %arg12[%run_scoped3A_22, %dma_start3A_224, %dma_start3A_225] : memref<5x128x64xf32, #tpu.memory_space<vmem>> -> memref<1x128x64xf32, #tpu.memory_space<vmem>>
      %dma_start3A_227 = tpu.memref_squeeze %dma_start3A_226 : memref<1x128x64xf32, #tpu.memory_space<vmem>> -> memref<128x64xf32, #tpu.memory_space<vmem>>
      %dma_start3A_228 = arith.constant 0 : i32
      %dma_start3A_229 = tpu.memref_slice %arg15[%add3A_21, %dma_start3A_228] : memref<10240x64xf32, #tpu.memory_space<vmem_shared>> -> memref<128x64xf32, #tpu.memory_space<vmem_shared>>
      %dma_start3A_230 = arith.constant 0 : i32
      %dma_start3A_231 = tpu.memref_slice %arg15[%add3A_21, %dma_start3A_230] : memref<10240x64xf32, #tpu.memory_space<vmem_shared>> -> memref<128x64xf32, #tpu.memory_space<vmem_shared>>
      %dma_start3A_232 = arith.constant 0 : i32
      %dma_start3A_233 = arith.constant 0 : i32
      %dma_start3A_234 = tpu.memref_slice %arg12[%run_scoped3A_22, %dma_start3A_232, %dma_start3A_233] : memref<5x128x64xf32, #tpu.memory_space<vmem>> -> memref<1x128x64xf32, #tpu.memory_space<vmem>>
      %dma_start3A_235 = tpu.memref_squeeze %dma_start3A_234 : memref<1x128x64xf32, #tpu.memory_space<vmem>> -> memref<128x64xf32, #tpu.memory_space<vmem>>
      tpu.enqueue_dma source(%dma_start3A_235 : memref<128x64xf32, #tpu.memory_space<vmem>>) target(%dma_start3A_231 : memref<128x64xf32, #tpu.memory_space<vmem_shared>>) target_semaphore(%run_scoped3A_223 : memref<!tpu.dma_semaphore, #tpu.memory_space<semaphore_mem>>)
      %dma_wait3A_236 = arith.constant 0 : i32
      %dma_wait3A_237 = arith.constant 0 : i32
      %dma_wait3A_238 = tpu.memref_slice %arg12[%run_scoped3A_22, %dma_wait3A_236, %dma_wait3A_237] : memref<5x128x64xf32, #tpu.memory_space<vmem>> -> memref<1x128x64xf32, #tpu.memory_space<vmem>>
      %dma_wait3A_239 = tpu.memref_squeeze %dma_wait3A_238 : memref<1x128x64xf32, #tpu.memory_space<vmem>> -> memref<128x64xf32, #tpu.memory_space<vmem>>
      %dma_wait3A_240 = arith.constant 0 : i32
      %dma_wait3A_241 = tpu.memref_slice %arg15[%add3A_21, %dma_wait3A_240] : memref<10240x64xf32, #tpu.memory_space<vmem_shared>> -> memref<128x64xf32, #tpu.memory_space<vmem_shared>>
      %dma_wait3A_242 = arith.constant 0 : i32
      %dma_wait3A_243 = tpu.memref_slice %arg15[%add3A_21, %dma_wait3A_242] : memref<10240x64xf32, #tpu.memory_space<vmem_shared>> -> memref<128x64xf32, #tpu.memory_space<vmem_shared>>
      %dma_wait3A_244 = arith.constant 0 : i32
      %dma_wait3A_245 = arith.constant 0 : i32
      %dma_wait3A_246 = tpu.memref_slice %arg12[%run_scoped3A_22, %dma_wait3A_244, %dma_wait3A_245] : memref<5x128x64xf32, #tpu.memory_space<vmem>> -> memref<1x128x64xf32, #tpu.memory_space<vmem>>
      %dma_wait3A_247 = tpu.memref_squeeze %dma_wait3A_246 : memref<1x128x64xf32, #tpu.memory_space<vmem>> -> memref<128x64xf32, #tpu.memory_space<vmem>>
      tpu.wait_dma2 semaphore(%run_scoped3A_223 : memref<!tpu.dma_semaphore, #tpu.memory_space<semaphore_mem>>) src(%dma_wait3A_247 : memref<128x64xf32, #tpu.memory_space<vmem>>) dst(%dma_wait3A_243 : memref<128x64xf32, #tpu.memory_space<vmem_shared>>)
      tpu.yield
    }) : () -> ()
    "tpu.region"() ({
      %run_scoped3A_223 = tpu.sem_alloc : memref<!tpu.dma_semaphore, #tpu.memory_space<semaphore_mem>>
      %dma_start3A_224 = arith.constant 0 : i32
      %dma_start3A_225 = tpu.memref_slice %arg16[%add3A_21, %dma_start3A_224] : memref<10240x8xf32, #tpu.memory_space<vmem_shared>> -> memref<128x8xf32, #tpu.memory_space<vmem_shared>>
      %dma_start3A_226 = arith.constant 0 : i32
      %dma_start3A_227 = tpu.memref_slice %arg16[%add3A_21, %dma_start3A_226] : memref<10240x8xf32, #tpu.memory_space<vmem_shared>> -> memref<128x8xf32, #tpu.memory_space<vmem_shared>>
      tpu.enqueue_dma source(%arg14 : memref<128x8xf32, #tpu.memory_space<vmem>>) target(%dma_start3A_227 : memref<128x8xf32, #tpu.memory_space<vmem_shared>>) target_semaphore(%run_scoped3A_223 : memref<!tpu.dma_semaphore, #tpu.memory_space<semaphore_mem>>)
      %dma_wait3A_228 = arith.constant 0 : i32
      %dma_wait3A_229 = tpu.memref_slice %arg16[%add3A_21, %dma_wait3A_228] : memref<10240x8xf32, #tpu.memory_space<vmem_shared>> -> memref<128x8xf32, #tpu.memory_space<vmem_shared>>
      %dma_wait3A_230 = arith.constant 0 : i32
      %dma_wait3A_231 = tpu.memref_slice %arg16[%add3A_21, %dma_wait3A_230] : memref<10240x8xf32, #tpu.memory_space<vmem_shared>> -> memref<128x8xf32, #tpu.memory_space<vmem_shared>>
      tpu.wait_dma2 semaphore(%run_scoped3A_223 : memref<!tpu.dma_semaphore, #tpu.memory_space<semaphore_mem>>) src(%arg14 : memref<128x8xf32, #tpu.memory_space<vmem>>) dst(%dma_wait3A_231 : memref<128x8xf32, #tpu.memory_space<vmem_shared>>)
      tpu.yield
    }) : () -> ()
    "tpu.region"() ({
      %run_scoped3A_223 = tpu.sem_alloc : memref<!tpu.dma_semaphore, #tpu.memory_space<semaphore_mem>>
      tpu.enqueue_dma source(%arg7 : memref<128x8xf32, #tpu.memory_space<hbm>>) target(%arg13 : memref<128x8xf32, #tpu.memory_space<vmem>>) target_semaphore(%run_scoped3A_223 : memref<!tpu.dma_semaphore, #tpu.memory_space<semaphore_mem>>)
      tpu.wait_dma2 semaphore(%run_scoped3A_223 : memref<!tpu.dma_semaphore, #tpu.memory_space<semaphore_mem>>) src(%arg7 : memref<128x8xf32, #tpu.memory_space<hbm>>) dst(%arg13 : memref<128x8xf32, #tpu.memory_space<vmem>>)
      tpu.yield
    }) : () -> ()
    "tpu.region"() ({
      %run_scoped3A_223 = tpu.sem_alloc : memref<!tpu.dma_semaphore, #tpu.memory_space<semaphore_mem>>
      %dma_start3A_224 = arith.constant 0 : i32
      %dma_start3A_225 = arith.constant 0 : i32
      %dma_start3A_226 = tpu.memref_slice %arg3[%arg0, %arg1, %dma_start3A_224, %dma_start3A_225] : memref<2x16x160x128xi32, #tpu.memory_space<hbm>> -> memref<1x1x160x128xi32, #tpu.memory_space<hbm>>
      %dma_start3A_227 = tpu.memref_squeeze %dma_start3A_226 : memref<1x1x160x128xi32, #tpu.memory_space<hbm>> -> memref<160x128xi32, #tpu.memory_space<hbm>>
      %dma_start3A_228 = arith.constant 0 : i32
      %dma_start3A_229 = arith.constant 0 : i32
      %dma_start3A_230 = tpu.memref_slice %arg3[%arg0, %arg1, %dma_start3A_228, %dma_start3A_229] : memref<2x16x160x128xi32, #tpu.memory_space<hbm>> -> memref<1x1x160x128xi32, #tpu.memory_space<hbm>>
      %dma_start3A_231 = tpu.memref_squeeze %dma_start3A_230 : memref<1x1x160x128xi32, #tpu.memory_space<hbm>> -> memref<160x128xi32, #tpu.memory_space<hbm>>
      tpu.enqueue_dma source(%dma_start3A_231 : memref<160x128xi32, #tpu.memory_space<hbm>>) target(%arg10 : memref<160x128xi32, #tpu.memory_space<vmem>>) target_semaphore(%run_scoped3A_223 : memref<!tpu.dma_semaphore, #tpu.memory_space<semaphore_mem>>)
      %dma_wait3A_232 = arith.constant 0 : i32
      %dma_wait3A_233 = arith.constant 0 : i32
      %dma_wait3A_234 = tpu.memref_slice %arg3[%arg0, %arg1, %dma_wait3A_232, %dma_wait3A_233] : memref<2x16x160x128xi32, #tpu.memory_space<hbm>> -> memref<1x1x160x128xi32, #tpu.memory_space<hbm>>
      %dma_wait3A_235 = tpu.memref_squeeze %dma_wait3A_234 : memref<1x1x160x128xi32, #tpu.memory_space<hbm>> -> memref<160x128xi32, #tpu.memory_space<hbm>>
      %dma_wait3A_236 = arith.constant 0 : i32
      %dma_wait3A_237 = arith.constant 0 : i32
      %dma_wait3A_238 = tpu.memref_slice %arg3[%arg0, %arg1, %dma_wait3A_236, %dma_wait3A_237] : memref<2x16x160x128xi32, #tpu.memory_space<hbm>> -> memref<1x1x160x128xi32, #tpu.memory_space<hbm>>
      %dma_wait3A_239 = tpu.memref_squeeze %dma_wait3A_238 : memref<1x1x160x128xi32, #tpu.memory_space<hbm>> -> memref<160x128xi32, #tpu.memory_space<hbm>>
      tpu.wait_dma2 semaphore(%run_scoped3A_223 : memref<!tpu.dma_semaphore, #tpu.memory_space<semaphore_mem>>) src(%dma_wait3A_239 : memref<160x128xi32, #tpu.memory_space<hbm>>) dst(%arg10 : memref<160x128xi32, #tpu.memory_space<vmem>>)
      tpu.yield
    }) : () -> ()
    "tpu.region"() ({
      %run_scoped3A_223 = tpu.sem_alloc : memref<!tpu.dma_semaphore, #tpu.memory_space<semaphore_mem>>
      %dma_start3A_224 = arith.constant 0 : i32
      %dma_start3A_225 = arith.constant 0 : i32
      %dma_start3A_226 = tpu.memref_slice %arg4[%arg1, %dma_start3A_224, %dma_start3A_225] : memref<16x160x128xi32, #tpu.memory_space<hbm>> -> memref<1x160x128xi32, #tpu.memory_space<hbm>>
      %dma_start3A_227 = tpu.memref_squeeze %dma_start3A_226 : memref<1x160x128xi32, #tpu.memory_space<hbm>> -> memref<160x128xi32, #tpu.memory_space<hbm>>
      %dma_start3A_228 = arith.constant 0 : i32
      %dma_start3A_229 = arith.constant 0 : i32
      %dma_start3A_230 = tpu.memref_slice %arg4[%arg1, %dma_start3A_228, %dma_start3A_229] : memref<16x160x128xi32, #tpu.memory_space<hbm>> -> memref<1x160x128xi32, #tpu.memory_space<hbm>>
      %dma_start3A_231 = tpu.memref_squeeze %dma_start3A_230 : memref<1x160x128xi32, #tpu.memory_space<hbm>> -> memref<160x128xi32, #tpu.memory_space<hbm>>
      tpu.enqueue_dma source(%dma_start3A_231 : memref<160x128xi32, #tpu.memory_space<hbm>>) target(%arg11 : memref<160x128xi32, #tpu.memory_space<vmem>>) target_semaphore(%run_scoped3A_223 : memref<!tpu.dma_semaphore, #tpu.memory_space<semaphore_mem>>)
      %dma_wait3A_232 = arith.constant 0 : i32
      %dma_wait3A_233 = arith.constant 0 : i32
      %dma_wait3A_234 = tpu.memref_slice %arg4[%arg1, %dma_wait3A_232, %dma_wait3A_233] : memref<16x160x128xi32, #tpu.memory_space<hbm>> -> memref<1x160x128xi32, #tpu.memory_space<hbm>>
      %dma_wait3A_235 = tpu.memref_squeeze %dma_wait3A_234 : memref<1x160x128xi32, #tpu.memory_space<hbm>> -> memref<160x128xi32, #tpu.memory_space<hbm>>
      %dma_wait3A_236 = arith.constant 0 : i32
      %dma_wait3A_237 = arith.constant 0 : i32
      %dma_wait3A_238 = tpu.memref_slice %arg4[%arg1, %dma_wait3A_236, %dma_wait3A_237] : memref<16x160x128xi32, #tpu.memory_space<hbm>> -> memref<1x160x128xi32, #tpu.memory_space<hbm>>
      %dma_wait3A_239 = tpu.memref_squeeze %dma_wait3A_238 : memref<1x160x128xi32, #tpu.memory_space<hbm>> -> memref<160x128xi32, #tpu.memory_space<hbm>>
      tpu.wait_dma2 semaphore(%run_scoped3A_223 : memref<!tpu.dma_semaphore, #tpu.memory_space<semaphore_mem>>) src(%dma_wait3A_239 : memref<160x128xi32, #tpu.memory_space<hbm>>) dst(%arg11 : memref<160x128xi32, #tpu.memory_space<vmem>>)
      tpu.yield
    }) : () -> ()
    %barrier3A = arith.constant 0 : index
    tpu.barrier barrier_id(%barrier3A)
    %dma_start3A = arith.constant 0 : i32
    %dma_start3A_23 = arith.constant 0 : i32
    %dma_start3A_24 = arith.constant 0 : i32
    %dma_start3A_25 = arith.constant 0 : i32
    %dma_start3A_26 = arith.constant 0 : i32
    %dma_start3A_27 = tpu.memref_slice %arg12[%dma_start3A_23, %dma_start3A_25, %dma_start3A_26] : memref<5x128x64xf32, #tpu.memory_space<vmem>> -> memref<1x128x64xf32, #tpu.memory_space<vmem>>
    %dma_start3A_28 = tpu.memref_squeeze %dma_start3A_27 : memref<1x128x64xf32, #tpu.memory_space<vmem>> -> memref<128x64xf32, #tpu.memory_space<vmem>>
    %dma_start3A_29 = arith.constant 0 : i32
    %dma_start3A_30 = tpu.memref_slice %arg10[%dma_start3A, %dma_start3A_29] : memref<160x128xi32, #tpu.memory_space<vmem>> -> memref<1x128xi32, #tpu.memory_space<vmem>>
    %dma_start3A_31 = tpu.memref_squeeze %dma_start3A_30 : memref<1x128xi32, #tpu.memory_space<vmem>> -> memref<128xi32, #tpu.memory_space<vmem>>
    %dma_start3A_32 = arith.constant 0 : i32
    %dma_start3A_33 = arith.constant 0 : i32
    %dma_start3A_34 = tpu.memref_slice %arg2[%dma_start3A_32, %dma_start3A_33] : memref<20000x64xf32, #tpu.memory_space<hbm>> -> memref<20000x64xf32, #tpu.memory_space<hbm>>
    %dma_start3A_35 = tpu.memref_slice %arg17[%dma_start3A_24] : memref<5x!tpu.dma_semaphore, #tpu.memory_space<semaphore_mem>> -> memref<1x!tpu.dma_semaphore, #tpu.memory_space<semaphore_mem>>
    %dma_start3A_36 = tpu.memref_squeeze %dma_start3A_35 : memref<1x!tpu.dma_semaphore, #tpu.memory_space<semaphore_mem>> -> memref<!tpu.dma_semaphore, #tpu.memory_space<semaphore_mem>>
    tpu.enqueue_indirect_dma source(%dma_start3A_34 : memref<20000x64xf32, #tpu.memory_space<hbm>>) target(%dma_start3A_28 : memref<128x64xf32, #tpu.memory_space<vmem>>) offsets(%dma_start3A_31 : memref<128xi32, #tpu.memory_space<vmem>>) semaphore(%dma_start3A_36 : memref<!tpu.dma_semaphore, #tpu.memory_space<semaphore_mem>>)
    %dma_start3A_37 = arith.constant 1 : i32
    %dma_start3A_38 = arith.constant 1 : i32
    %dma_start3A_39 = arith.constant 1 : i32
    %dma_start3A_40 = arith.constant 0 : i32
    %dma_start3A_41 = arith.constant 0 : i32
    %dma_start3A_42 = tpu.memref_slice %arg12[%dma_start3A_38, %dma_start3A_40, %dma_start3A_41] : memref<5x128x64xf32, #tpu.memory_space<vmem>> -> memref<1x128x64xf32, #tpu.memory_space<vmem>>
    %dma_start3A_43 = tpu.memref_squeeze %dma_start3A_42 : memref<1x128x64xf32, #tpu.memory_space<vmem>> -> memref<128x64xf32, #tpu.memory_space<vmem>>
    %dma_start3A_44 = arith.constant 0 : i32
    %dma_start3A_45 = tpu.memref_slice %arg10[%dma_start3A_37, %dma_start3A_44] : memref<160x128xi32, #tpu.memory_space<vmem>> -> memref<1x128xi32, #tpu.memory_space<vmem>>
    %dma_start3A_46 = tpu.memref_squeeze %dma_start3A_45 : memref<1x128xi32, #tpu.memory_space<vmem>> -> memref<128xi32, #tpu.memory_space<vmem>>
    %dma_start3A_47 = arith.constant 0 : i32
    %dma_start3A_48 = arith.constant 0 : i32
    %dma_start3A_49 = tpu.memref_slice %arg2[%dma_start3A_47, %dma_start3A_48] : memref<20000x64xf32, #tpu.memory_space<hbm>> -> memref<20000x64xf32, #tpu.memory_space<hbm>>
    %dma_start3A_50 = tpu.memref_slice %arg17[%dma_start3A_39] : memref<5x!tpu.dma_semaphore, #tpu.memory_space<semaphore_mem>> -> memref<1x!tpu.dma_semaphore, #tpu.memory_space<semaphore_mem>>
    %dma_start3A_51 = tpu.memref_squeeze %dma_start3A_50 : memref<1x!tpu.dma_semaphore, #tpu.memory_space<semaphore_mem>> -> memref<!tpu.dma_semaphore, #tpu.memory_space<semaphore_mem>>
    tpu.enqueue_indirect_dma source(%dma_start3A_49 : memref<20000x64xf32, #tpu.memory_space<hbm>>) target(%dma_start3A_43 : memref<128x64xf32, #tpu.memory_space<vmem>>) offsets(%dma_start3A_46 : memref<128xi32, #tpu.memory_space<vmem>>) semaphore(%dma_start3A_51 : memref<!tpu.dma_semaphore, #tpu.memory_space<semaphore_mem>>)
    %dma_start3A_52 = arith.constant 2 : i32
    %dma_start3A_53 = arith.constant 2 : i32
    %dma_start3A_54 = arith.constant 2 : i32
    %dma_start3A_55 = arith.constant 0 : i32
    %dma_start3A_56 = arith.constant 0 : i32
    %dma_start3A_57 = tpu.memref_slice %arg12[%dma_start3A_53, %dma_start3A_55, %dma_start3A_56] : memref<5x128x64xf32, #tpu.memory_space<vmem>> -> memref<1x128x64xf32, #tpu.memory_space<vmem>>
    %dma_start3A_58 = tpu.memref_squeeze %dma_start3A_57 : memref<1x128x64xf32, #tpu.memory_space<vmem>> -> memref<128x64xf32, #tpu.memory_space<vmem>>
    %dma_start3A_59 = arith.constant 0 : i32
    %dma_start3A_60 = tpu.memref_slice %arg10[%dma_start3A_52, %dma_start3A_59] : memref<160x128xi32, #tpu.memory_space<vmem>> -> memref<1x128xi32, #tpu.memory_space<vmem>>
    %dma_start3A_61 = tpu.memref_squeeze %dma_start3A_60 : memref<1x128xi32, #tpu.memory_space<vmem>> -> memref<128xi32, #tpu.memory_space<vmem>>
    %dma_start3A_62 = arith.constant 0 : i32
    %dma_start3A_63 = arith.constant 0 : i32
    %dma_start3A_64 = tpu.memref_slice %arg2[%dma_start3A_62, %dma_start3A_63] : memref<20000x64xf32, #tpu.memory_space<hbm>> -> memref<20000x64xf32, #tpu.memory_space<hbm>>
    %dma_start3A_65 = tpu.memref_slice %arg17[%dma_start3A_54] : memref<5x!tpu.dma_semaphore, #tpu.memory_space<semaphore_mem>> -> memref<1x!tpu.dma_semaphore, #tpu.memory_space<semaphore_mem>>
    %dma_start3A_66 = tpu.memref_squeeze %dma_start3A_65 : memref<1x!tpu.dma_semaphore, #tpu.memory_space<semaphore_mem>> -> memref<!tpu.dma_semaphore, #tpu.memory_space<semaphore_mem>>
    tpu.enqueue_indirect_dma source(%dma_start3A_64 : memref<20000x64xf32, #tpu.memory_space<hbm>>) target(%dma_start3A_58 : memref<128x64xf32, #tpu.memory_space<vmem>>) offsets(%dma_start3A_61 : memref<128xi32, #tpu.memory_space<vmem>>) semaphore(%dma_start3A_66 : memref<!tpu.dma_semaphore, #tpu.memory_space<semaphore_mem>>)
    %dma_start3A_67 = arith.constant 3 : i32
    %dma_start3A_68 = arith.constant 3 : i32
    %dma_start3A_69 = arith.constant 3 : i32
    %dma_start3A_70 = arith.constant 0 : i32
    %dma_start3A_71 = arith.constant 0 : i32
    %dma_start3A_72 = tpu.memref_slice %arg12[%dma_start3A_68, %dma_start3A_70, %dma_start3A_71] : memref<5x128x64xf32, #tpu.memory_space<vmem>> -> memref<1x128x64xf32, #tpu.memory_space<vmem>>
    %dma_start3A_73 = tpu.memref_squeeze %dma_start3A_72 : memref<1x128x64xf32, #tpu.memory_space<vmem>> -> memref<128x64xf32, #tpu.memory_space<vmem>>
    %dma_start3A_74 = arith.constant 0 : i32
    %dma_start3A_75 = tpu.memref_slice %arg10[%dma_start3A_67, %dma_start3A_74] : memref<160x128xi32, #tpu.memory_space<vmem>> -> memref<1x128xi32, #tpu.memory_space<vmem>>
    %dma_start3A_76 = tpu.memref_squeeze %dma_start3A_75 : memref<1x128xi32, #tpu.memory_space<vmem>> -> memref<128xi32, #tpu.memory_space<vmem>>
    %dma_start3A_77 = arith.constant 0 : i32
    %dma_start3A_78 = arith.constant 0 : i32
    %dma_start3A_79 = tpu.memref_slice %arg2[%dma_start3A_77, %dma_start3A_78] : memref<20000x64xf32, #tpu.memory_space<hbm>> -> memref<20000x64xf32, #tpu.memory_space<hbm>>
    %dma_start3A_80 = tpu.memref_slice %arg17[%dma_start3A_69] : memref<5x!tpu.dma_semaphore, #tpu.memory_space<semaphore_mem>> -> memref<1x!tpu.dma_semaphore, #tpu.memory_space<semaphore_mem>>
    %dma_start3A_81 = tpu.memref_squeeze %dma_start3A_80 : memref<1x!tpu.dma_semaphore, #tpu.memory_space<semaphore_mem>> -> memref<!tpu.dma_semaphore, #tpu.memory_space<semaphore_mem>>
    tpu.enqueue_indirect_dma source(%dma_start3A_79 : memref<20000x64xf32, #tpu.memory_space<hbm>>) target(%dma_start3A_73 : memref<128x64xf32, #tpu.memory_space<vmem>>) offsets(%dma_start3A_76 : memref<128xi32, #tpu.memory_space<vmem>>) semaphore(%dma_start3A_81 : memref<!tpu.dma_semaphore, #tpu.memory_space<semaphore_mem>>)
    %dma_start3A_82 = arith.constant 4 : i32
    %dma_start3A_83 = arith.constant 4 : i32
    %dma_start3A_84 = arith.constant 4 : i32
    %dma_start3A_85 = arith.constant 0 : i32
    %dma_start3A_86 = arith.constant 0 : i32
    %dma_start3A_87 = tpu.memref_slice %arg12[%dma_start3A_83, %dma_start3A_85, %dma_start3A_86] : memref<5x128x64xf32, #tpu.memory_space<vmem>> -> memref<1x128x64xf32, #tpu.memory_space<vmem>>
    %dma_start3A_88 = tpu.memref_squeeze %dma_start3A_87 : memref<1x128x64xf32, #tpu.memory_space<vmem>> -> memref<128x64xf32, #tpu.memory_space<vmem>>
    %dma_start3A_89 = arith.constant 0 : i32
    %dma_start3A_90 = tpu.memref_slice %arg10[%dma_start3A_82, %dma_start3A_89] : memref<160x128xi32, #tpu.memory_space<vmem>> -> memref<1x128xi32, #tpu.memory_space<vmem>>
    %dma_start3A_91 = tpu.memref_squeeze %dma_start3A_90 : memref<1x128xi32, #tpu.memory_space<vmem>> -> memref<128xi32, #tpu.memory_space<vmem>>
    %dma_start3A_92 = arith.constant 0 : i32
    %dma_start3A_93 = arith.constant 0 : i32
    %dma_start3A_94 = tpu.memref_slice %arg2[%dma_start3A_92, %dma_start3A_93] : memref<20000x64xf32, #tpu.memory_space<hbm>> -> memref<20000x64xf32, #tpu.memory_space<hbm>>
    %dma_start3A_95 = tpu.memref_slice %arg17[%dma_start3A_84] : memref<5x!tpu.dma_semaphore, #tpu.memory_space<semaphore_mem>> -> memref<1x!tpu.dma_semaphore, #tpu.memory_space<semaphore_mem>>
    %dma_start3A_96 = tpu.memref_squeeze %dma_start3A_95 : memref<1x!tpu.dma_semaphore, #tpu.memory_space<semaphore_mem>> -> memref<!tpu.dma_semaphore, #tpu.memory_space<semaphore_mem>>
    tpu.enqueue_indirect_dma source(%dma_start3A_94 : memref<20000x64xf32, #tpu.memory_space<hbm>>) target(%dma_start3A_88 : memref<128x64xf32, #tpu.memory_space<vmem>>) offsets(%dma_start3A_91 : memref<128xi32, #tpu.memory_space<vmem>>) semaphore(%dma_start3A_96 : memref<!tpu.dma_semaphore, #tpu.memory_space<semaphore_mem>>)
    %scan3A = arith.constant 0 : i32
    %scan3A_97 = arith.constant 0 : i32
    %scan3A_98 = arith.constant 32 : i32
    %scan3A_99 = arith.addi %scan3A_97, %scan3A_98 : i32
    %scan3A_100 = arith.constant 1 : i32
    scf.for %scan3A_223 = %scan3A_97 to %scan3A_99 step %scan3A_100  : i32 {
      %mul3A_224 = arith.constant 5 : i32
      %mul3A_225 = arith.muli %scan3A_223, %mul3A_224 : i32
      %add3A_226 = arith.constant 0 : i32
      %add3A_227 = arith.addi %mul3A_225, %add3A_226 : i32
      %dma_wait3A_228 = arith.constant 0 : i32
      %dma_wait3A_229 = arith.constant 0 : i32
      %dma_wait3A_230 = arith.constant 0 : i32
      %dma_wait3A_231 = arith.constant 0 : i32
      %dma_wait3A_232 = tpu.memref_slice %arg12[%dma_wait3A_228, %dma_wait3A_230, %dma_wait3A_231] : memref<5x128x64xf32, #tpu.memory_space<vmem>> -> memref<1x128x64xf32, #tpu.memory_space<vmem>>
      %dma_wait3A_233 = tpu.memref_squeeze %dma_wait3A_232 : memref<1x128x64xf32, #tpu.memory_space<vmem>> -> memref<128x64xf32, #tpu.memory_space<vmem>>
      %dma_wait3A_234 = arith.constant 0 : i32
      %dma_wait3A_235 = tpu.memref_slice %arg10[%add3A_227, %dma_wait3A_234] : memref<160x128xi32, #tpu.memory_space<vmem>> -> memref<1x128xi32, #tpu.memory_space<vmem>>
      %dma_wait3A_236 = tpu.memref_squeeze %dma_wait3A_235 : memref<1x128xi32, #tpu.memory_space<vmem>> -> memref<128xi32, #tpu.memory_space<vmem>>
      %dma_wait3A_237 = arith.constant 0 : i32
      %dma_wait3A_238 = arith.constant 0 : i32
      %dma_wait3A_239 = tpu.memref_slice %arg2[%dma_wait3A_237, %dma_wait3A_238] : memref<20000x64xf32, #tpu.memory_space<hbm>> -> memref<20000x64xf32, #tpu.memory_space<hbm>>
      %dma_wait3A_240 = tpu.memref_slice %arg17[%dma_wait3A_229] : memref<5x!tpu.dma_semaphore, #tpu.memory_space<semaphore_mem>> -> memref<1x!tpu.dma_semaphore, #tpu.memory_space<semaphore_mem>>
      %dma_wait3A_241 = tpu.memref_squeeze %dma_wait3A_240 : memref<1x!tpu.dma_semaphore, #tpu.memory_space<semaphore_mem>> -> memref<!tpu.dma_semaphore, #tpu.memory_space<semaphore_mem>>
      tpu.wait_indirect_dma semaphore(%dma_wait3A_241 : memref<!tpu.dma_semaphore, #tpu.memory_space<semaphore_mem>>) src(%dma_wait3A_239 : memref<20000x64xf32, #tpu.memory_space<hbm>>) dst(%dma_wait3A_233 : memref<128x64xf32, #tpu.memory_space<vmem>>)
      %dma_start3A_242 = arith.constant 0 : i32
      %dma_start3A_243 = arith.constant 0 : i32
      %dma_start3A_244 = arith.constant 0 : i32
      %dma_start3A_245 = arith.constant 0 : i32
      %dma_start3A_246 = tpu.memref_slice %arg12[%dma_start3A_242, %dma_start3A_244, %dma_start3A_245] : memref<5x128x64xf32, #tpu.memory_space<vmem>> -> memref<1x128x64xf32, #tpu.memory_space<vmem>>
      %dma_start3A_247 = tpu.memref_squeeze %dma_start3A_246 : memref<1x128x64xf32, #tpu.memory_space<vmem>> -> memref<128x64xf32, #tpu.memory_space<vmem>>
      %dma_start3A_248 = arith.constant 0 : i32
      %dma_start3A_249 = tpu.memref_slice %arg11[%add3A_227, %dma_start3A_248] : memref<160x128xi32, #tpu.memory_space<vmem>> -> memref<1x128xi32, #tpu.memory_space<vmem>>
      %dma_start3A_250 = tpu.memref_squeeze %dma_start3A_249 : memref<1x128xi32, #tpu.memory_space<vmem>> -> memref<128xi32, #tpu.memory_space<vmem>>
      %dma_start3A_251 = arith.constant 0 : i32
      %dma_start3A_252 = arith.constant 0 : i32
      %dma_start3A_253 = tpu.memref_slice %arg15[%dma_start3A_251, %dma_start3A_252] : memref<10240x64xf32, #tpu.memory_space<vmem_shared>> -> memref<10240x64xf32, #tpu.memory_space<vmem_shared>>
      %dma_start3A_254 = tpu.memref_slice %arg18[%dma_start3A_243] : memref<5x!tpu.dma_semaphore, #tpu.memory_space<semaphore_mem>> -> memref<1x!tpu.dma_semaphore, #tpu.memory_space<semaphore_mem>>
      %dma_start3A_255 = tpu.memref_squeeze %dma_start3A_254 : memref<1x!tpu.dma_semaphore, #tpu.memory_space<semaphore_mem>> -> memref<!tpu.dma_semaphore, #tpu.memory_space<semaphore_mem>>
      tpu.enqueue_indirect_dma source(%dma_start3A_247 : memref<128x64xf32, #tpu.memory_space<vmem>>) target(%dma_start3A_253 : memref<10240x64xf32, #tpu.memory_space<vmem_shared>>) offsets(%dma_start3A_250 : memref<128xi32, #tpu.memory_space<vmem>>) semaphore(%dma_start3A_255 : memref<!tpu.dma_semaphore, #tpu.memory_space<semaphore_mem>>) {add = true}
      %jit3A = arith.constant 2 : i32
      %eq3A = arith.constant 0 : i32
      %eq3A_256 = arith.cmpi eq, %jit3A, %eq3A : i32
      %jit3A_257 = arith.constant 1 : i32
      %select_n3A = arith.select %eq3A_256, %jit3A_257, %jit3A : i32
      %rem3A = arith.remsi %add3A_227, %select_n3A : i32
      %ne3A = arith.constant 0 : i32
      %ne3A_258 = arith.cmpi ne, %rem3A, %ne3A : i32
      %lt3A = arith.constant 0 : i32
      %lt3A_259 = arith.cmpi slt, %rem3A, %lt3A : i32
      %lt3A_260 = arith.constant 0 : i32
      %lt3A_261 = arith.cmpi slt, %select_n3A, %lt3A_260 : i32
      %ne3A_262 = arith.xori %lt3A_259, %lt3A_261 : i1
      %and3A = arith.andi %ne3A_262, %ne3A_258 : i1
      %add3A_263 = arith.addi %rem3A, %select_n3A : i32
      %select_n3A_264 = arith.select %and3A, %add3A_263, %rem3A : i32
      %eq3A_265 = arith.cmpi eq, %select_n3A_264, %arg0 : i32
      %convert_element_type3A = arith.extui %eq3A_265 : i1 to i32
      %cond3A = arith.constant 0 : i32
      %cond3A_266 = arith.cmpi ne, %convert_element_type3A, %cond3A : i32
      scf.if %cond3A_266 {
        %dma_start3A_510 = arith.constant 0 : i32
        %dma_start3A_511 = tpu.memref_slice %arg11[%add3A_227, %dma_start3A_510] : memref<160x128xi32, #tpu.memory_space<vmem>> -> memref<1x128xi32, #tpu.memory_space<vmem>>
        %dma_start3A_512 = tpu.memref_squeeze %dma_start3A_511 : memref<1x128xi32, #tpu.memory_space<vmem>> -> memref<128xi32, #tpu.memory_space<vmem>>
        %dma_start3A_513 = arith.constant 0 : i32
        %dma_start3A_514 = arith.constant 0 : i32
        %dma_start3A_515 = tpu.memref_slice %arg16[%dma_start3A_513, %dma_start3A_514] : memref<10240x8xf32, #tpu.memory_space<vmem_shared>> -> memref<10240x8xf32, #tpu.memory_space<vmem_shared>>
        tpu.enqueue_indirect_dma source(%arg13 : memref<128x8xf32, #tpu.memory_space<vmem>>) target(%dma_start3A_515 : memref<10240x8xf32, #tpu.memory_space<vmem_shared>>) offsets(%dma_start3A_512 : memref<128xi32, #tpu.memory_space<vmem>>) semaphore(%arg19 : memref<!tpu.dma_semaphore, #tpu.memory_space<semaphore_mem>>) {add = true}
      } else {
      }
      %add3A_267 = arith.constant 5 : i32
      %add3A_268 = arith.addi %add3A_227, %add3A_267 : i32
      %lt3A_269 = arith.constant 160 : i32
      %lt3A_270 = arith.cmpi slt, %add3A_268, %lt3A_269 : i32
      %convert_element_type3A_271 = arith.extui %lt3A_270 : i1 to i32
      %cond3A_272 = arith.constant 0 : i32
      %cond3A_273 = arith.cmpi ne, %convert_element_type3A_271, %cond3A_272 : i32
      scf.if %cond3A_273 {
        %dma_wait3A_510 = arith.constant 0 : i32
        %dma_wait3A_511 = arith.constant 0 : i32
        %dma_wait3A_512 = arith.constant 0 : i32
        %dma_wait3A_513 = arith.constant 0 : i32
        %dma_wait3A_514 = tpu.memref_slice %arg12[%dma_wait3A_510, %dma_wait3A_512, %dma_wait3A_513] : memref<5x128x64xf32, #tpu.memory_space<vmem>> -> memref<1x128x64xf32, #tpu.memory_space<vmem>>
        %dma_wait3A_515 = tpu.memref_squeeze %dma_wait3A_514 : memref<1x128x64xf32, #tpu.memory_space<vmem>> -> memref<128x64xf32, #tpu.memory_space<vmem>>
        %dma_wait3A_516 = arith.constant 0 : i32
        %dma_wait3A_517 = tpu.memref_slice %arg11[%add3A_227, %dma_wait3A_516] : memref<160x128xi32, #tpu.memory_space<vmem>> -> memref<1x128xi32, #tpu.memory_space<vmem>>
        %dma_wait3A_518 = tpu.memref_squeeze %dma_wait3A_517 : memref<1x128xi32, #tpu.memory_space<vmem>> -> memref<128xi32, #tpu.memory_space<vmem>>
        %dma_wait3A_519 = arith.constant 0 : i32
        %dma_wait3A_520 = arith.constant 0 : i32
        %dma_wait3A_521 = tpu.memref_slice %arg15[%dma_wait3A_519, %dma_wait3A_520] : memref<10240x64xf32, #tpu.memory_space<vmem_shared>> -> memref<10240x64xf32, #tpu.memory_space<vmem_shared>>
        %dma_wait3A_522 = tpu.memref_slice %arg18[%dma_wait3A_511] : memref<5x!tpu.dma_semaphore, #tpu.memory_space<semaphore_mem>> -> memref<1x!tpu.dma_semaphore, #tpu.memory_space<semaphore_mem>>
        %dma_wait3A_523 = tpu.memref_squeeze %dma_wait3A_522 : memref<1x!tpu.dma_semaphore, #tpu.memory_space<semaphore_mem>> -> memref<!tpu.dma_semaphore, #tpu.memory_space<semaphore_mem>>
        tpu.wait_indirect_dma semaphore(%dma_wait3A_523 : memref<!tpu.dma_semaphore, #tpu.memory_space<semaphore_mem>>) src(%dma_wait3A_515 : memref<128x64xf32, #tpu.memory_space<vmem>>) dst(%dma_wait3A_521 : memref<10240x64xf32, #tpu.memory_space<vmem_shared>>)
        %add3A_524 = arith.constant 5 : i32
        %add3A_525 = arith.addi %add3A_227, %add3A_524 : i32
        %dma_start3A_526 = arith.constant 0 : i32
        %dma_start3A_527 = arith.constant 0 : i32
        %dma_start3A_528 = arith.constant 0 : i32
        %dma_start3A_529 = arith.constant 0 : i32
        %dma_start3A_530 = tpu.memref_slice %arg12[%dma_start3A_526, %dma_start3A_528, %dma_start3A_529] : memref<5x128x64xf32, #tpu.memory_space<vmem>> -> memref<1x128x64xf32, #tpu.memory_space<vmem>>
        %dma_start3A_531 = tpu.memref_squeeze %dma_start3A_530 : memref<1x128x64xf32, #tpu.memory_space<vmem>> -> memref<128x64xf32, #tpu.memory_space<vmem>>
        %dma_start3A_532 = arith.constant 0 : i32
        %dma_start3A_533 = tpu.memref_slice %arg10[%add3A_525, %dma_start3A_532] : memref<160x128xi32, #tpu.memory_space<vmem>> -> memref<1x128xi32, #tpu.memory_space<vmem>>
        %dma_start3A_534 = tpu.memref_squeeze %dma_start3A_533 : memref<1x128xi32, #tpu.memory_space<vmem>> -> memref<128xi32, #tpu.memory_space<vmem>>
        %dma_start3A_535 = arith.constant 0 : i32
        %dma_start3A_536 = arith.constant 0 : i32
        %dma_start3A_537 = tpu.memref_slice %arg2[%dma_start3A_535, %dma_start3A_536] : memref<20000x64xf32, #tpu.memory_space<hbm>> -> memref<20000x64xf32, #tpu.memory_space<hbm>>
        %dma_start3A_538 = tpu.memref_slice %arg17[%dma_start3A_527] : memref<5x!tpu.dma_semaphore, #tpu.memory_space<semaphore_mem>> -> memref<1x!tpu.dma_semaphore, #tpu.memory_space<semaphore_mem>>
        %dma_start3A_539 = tpu.memref_squeeze %dma_start3A_538 : memref<1x!tpu.dma_semaphore, #tpu.memory_space<semaphore_mem>> -> memref<!tpu.dma_semaphore, #tpu.memory_space<semaphore_mem>>
        tpu.enqueue_indirect_dma source(%dma_start3A_537 : memref<20000x64xf32, #tpu.memory_space<hbm>>) target(%dma_start3A_531 : memref<128x64xf32, #tpu.memory_space<vmem>>) offsets(%dma_start3A_534 : memref<128xi32, #tpu.memory_space<vmem>>) semaphore(%dma_start3A_539 : memref<!tpu.dma_semaphore, #tpu.memory_space<semaphore_mem>>)
      } else {
      }
      %mul3A_274 = arith.constant 5 : i32
      %mul3A_275 = arith.muli %scan3A_223, %mul3A_274 : i32
      %add3A_276 = arith.constant 1 : i32
      %add3A_277 = arith.addi %mul3A_275, %add3A_276 : i32
      %dma_wait3A_278 = arith.constant 1 : i32
      %dma_wait3A_279 = arith.constant 1 : i32
      %dma_wait3A_280 = arith.constant 0 : i32
      %dma_wait3A_281 = arith.constant 0 : i32
      %dma_wait3A_282 = tpu.memref_slice %arg12[%dma_wait3A_278, %dma_wait3A_280, %dma_wait3A_281] : memref<5x128x64xf32, #tpu.memory_space<vmem>> -> memref<1x128x64xf32, #tpu.memory_space<vmem>>
      %dma_wait3A_283 = tpu.memref_squeeze %dma_wait3A_282 : memref<1x128x64xf32, #tpu.memory_space<vmem>> -> memref<128x64xf32, #tpu.memory_space<vmem>>
      %dma_wait3A_284 = arith.constant 0 : i32
      %dma_wait3A_285 = tpu.memref_slice %arg10[%add3A_277, %dma_wait3A_284] : memref<160x128xi32, #tpu.memory_space<vmem>> -> memref<1x128xi32, #tpu.memory_space<vmem>>
      %dma_wait3A_286 = tpu.memref_squeeze %dma_wait3A_285 : memref<1x128xi32, #tpu.memory_space<vmem>> -> memref<128xi32, #tpu.memory_space<vmem>>
      %dma_wait3A_287 = arith.constant 0 : i32
      %dma_wait3A_288 = arith.constant 0 : i32
      %dma_wait3A_289 = tpu.memref_slice %arg2[%dma_wait3A_287, %dma_wait3A_288] : memref<20000x64xf32, #tpu.memory_space<hbm>> -> memref<20000x64xf32, #tpu.memory_space<hbm>>
      %dma_wait3A_290 = tpu.memref_slice %arg17[%dma_wait3A_279] : memref<5x!tpu.dma_semaphore, #tpu.memory_space<semaphore_mem>> -> memref<1x!tpu.dma_semaphore, #tpu.memory_space<semaphore_mem>>
      %dma_wait3A_291 = tpu.memref_squeeze %dma_wait3A_290 : memref<1x!tpu.dma_semaphore, #tpu.memory_space<semaphore_mem>> -> memref<!tpu.dma_semaphore, #tpu.memory_space<semaphore_mem>>
      tpu.wait_indirect_dma semaphore(%dma_wait3A_291 : memref<!tpu.dma_semaphore, #tpu.memory_space<semaphore_mem>>) src(%dma_wait3A_289 : memref<20000x64xf32, #tpu.memory_space<hbm>>) dst(%dma_wait3A_283 : memref<128x64xf32, #tpu.memory_space<vmem>>)
      %dma_start3A_292 = arith.constant 1 : i32
      %dma_start3A_293 = arith.constant 1 : i32
      %dma_start3A_294 = arith.constant 0 : i32
      %dma_start3A_295 = arith.constant 0 : i32
      %dma_start3A_296 = tpu.memref_slice %arg12[%dma_start3A_292, %dma_start3A_294, %dma_start3A_295] : memref<5x128x64xf32, #tpu.memory_space<vmem>> -> memref<1x128x64xf32, #tpu.memory_space<vmem>>
      %dma_start3A_297 = tpu.memref_squeeze %dma_start3A_296 : memref<1x128x64xf32, #tpu.memory_space<vmem>> -> memref<128x64xf32, #tpu.memory_space<vmem>>
      %dma_start3A_298 = arith.constant 0 : i32
      %dma_start3A_299 = tpu.memref_slice %arg11[%add3A_277, %dma_start3A_298] : memref<160x128xi32, #tpu.memory_space<vmem>> -> memref<1x128xi32, #tpu.memory_space<vmem>>
      %dma_start3A_300 = tpu.memref_squeeze %dma_start3A_299 : memref<1x128xi32, #tpu.memory_space<vmem>> -> memref<128xi32, #tpu.memory_space<vmem>>
      %dma_start3A_301 = arith.constant 0 : i32
      %dma_start3A_302 = arith.constant 0 : i32
      %dma_start3A_303 = tpu.memref_slice %arg15[%dma_start3A_301, %dma_start3A_302] : memref<10240x64xf32, #tpu.memory_space<vmem_shared>> -> memref<10240x64xf32, #tpu.memory_space<vmem_shared>>
      %dma_start3A_304 = tpu.memref_slice %arg18[%dma_start3A_293] : memref<5x!tpu.dma_semaphore, #tpu.memory_space<semaphore_mem>> -> memref<1x!tpu.dma_semaphore, #tpu.memory_space<semaphore_mem>>
      %dma_start3A_305 = tpu.memref_squeeze %dma_start3A_304 : memref<1x!tpu.dma_semaphore, #tpu.memory_space<semaphore_mem>> -> memref<!tpu.dma_semaphore, #tpu.memory_space<semaphore_mem>>
      tpu.enqueue_indirect_dma source(%dma_start3A_297 : memref<128x64xf32, #tpu.memory_space<vmem>>) target(%dma_start3A_303 : memref<10240x64xf32, #tpu.memory_space<vmem_shared>>) offsets(%dma_start3A_300 : memref<128xi32, #tpu.memory_space<vmem>>) semaphore(%dma_start3A_305 : memref<!tpu.dma_semaphore, #tpu.memory_space<semaphore_mem>>) {add = true}
      %jit3A_306 = arith.constant 2 : i32
      %eq3A_307 = arith.constant 0 : i32
      %eq3A_308 = arith.cmpi eq, %jit3A_306, %eq3A_307 : i32
      %jit3A_309 = arith.constant 1 : i32
      %select_n3A_310 = arith.select %eq3A_308, %jit3A_309, %jit3A_306 : i32
      %rem3A_311 = arith.remsi %add3A_277, %select_n3A_310 : i32
      %ne3A_312 = arith.constant 0 : i32
      %ne3A_313 = arith.cmpi ne, %rem3A_311, %ne3A_312 : i32
      %lt3A_314 = arith.constant 0 : i32
      %lt3A_315 = arith.cmpi slt, %rem3A_311, %lt3A_314 : i32
      %lt3A_316 = arith.constant 0 : i32
      %lt3A_317 = arith.cmpi slt, %select_n3A_310, %lt3A_316 : i32
      %ne3A_318 = arith.xori %lt3A_315, %lt3A_317 : i1
      %and3A_319 = arith.andi %ne3A_318, %ne3A_313 : i1
      %add3A_320 = arith.addi %rem3A_311, %select_n3A_310 : i32
      %select_n3A_321 = arith.select %and3A_319, %add3A_320, %rem3A_311 : i32
      %eq3A_322 = arith.cmpi eq, %select_n3A_321, %arg0 : i32
      %convert_element_type3A_323 = arith.extui %eq3A_322 : i1 to i32
      %cond3A_324 = arith.constant 0 : i32
      %cond3A_325 = arith.cmpi ne, %convert_element_type3A_323, %cond3A_324 : i32
      scf.if %cond3A_325 {
        %dma_start3A_510 = arith.constant 0 : i32
        %dma_start3A_511 = tpu.memref_slice %arg11[%add3A_277, %dma_start3A_510] : memref<160x128xi32, #tpu.memory_space<vmem>> -> memref<1x128xi32, #tpu.memory_space<vmem>>
        %dma_start3A_512 = tpu.memref_squeeze %dma_start3A_511 : memref<1x128xi32, #tpu.memory_space<vmem>> -> memref<128xi32, #tpu.memory_space<vmem>>
        %dma_start3A_513 = arith.constant 0 : i32
        %dma_start3A_514 = arith.constant 0 : i32
        %dma_start3A_515 = tpu.memref_slice %arg16[%dma_start3A_513, %dma_start3A_514] : memref<10240x8xf32, #tpu.memory_space<vmem_shared>> -> memref<10240x8xf32, #tpu.memory_space<vmem_shared>>
        tpu.enqueue_indirect_dma source(%arg13 : memref<128x8xf32, #tpu.memory_space<vmem>>) target(%dma_start3A_515 : memref<10240x8xf32, #tpu.memory_space<vmem_shared>>) offsets(%dma_start3A_512 : memref<128xi32, #tpu.memory_space<vmem>>) semaphore(%arg19 : memref<!tpu.dma_semaphore, #tpu.memory_space<semaphore_mem>>) {add = true}
      } else {
      }
      %add3A_326 = arith.constant 5 : i32
      %add3A_327 = arith.addi %add3A_277, %add3A_326 : i32
      %lt3A_328 = arith.constant 160 : i32
      %lt3A_329 = arith.cmpi slt, %add3A_327, %lt3A_328 : i32
      %convert_element_type3A_330 = arith.extui %lt3A_329 : i1 to i32
      %cond3A_331 = arith.constant 0 : i32
      %cond3A_332 = arith.cmpi ne, %convert_element_type3A_330, %cond3A_331 : i32
      scf.if %cond3A_332 {
        %dma_wait3A_510 = arith.constant 1 : i32
        %dma_wait3A_511 = arith.constant 1 : i32
        %dma_wait3A_512 = arith.constant 0 : i32
        %dma_wait3A_513 = arith.constant 0 : i32
        %dma_wait3A_514 = tpu.memref_slice %arg12[%dma_wait3A_510, %dma_wait3A_512, %dma_wait3A_513] : memref<5x128x64xf32, #tpu.memory_space<vmem>> -> memref<1x128x64xf32, #tpu.memory_space<vmem>>
        %dma_wait3A_515 = tpu.memref_squeeze %dma_wait3A_514 : memref<1x128x64xf32, #tpu.memory_space<vmem>> -> memref<128x64xf32, #tpu.memory_space<vmem>>
        %dma_wait3A_516 = arith.constant 0 : i32
        %dma_wait3A_517 = tpu.memref_slice %arg11[%add3A_277, %dma_wait3A_516] : memref<160x128xi32, #tpu.memory_space<vmem>> -> memref<1x128xi32, #tpu.memory_space<vmem>>
        %dma_wait3A_518 = tpu.memref_squeeze %dma_wait3A_517 : memref<1x128xi32, #tpu.memory_space<vmem>> -> memref<128xi32, #tpu.memory_space<vmem>>
        %dma_wait3A_519 = arith.constant 0 : i32
        %dma_wait3A_520 = arith.constant 0 : i32
        %dma_wait3A_521 = tpu.memref_slice %arg15[%dma_wait3A_519, %dma_wait3A_520] : memref<10240x64xf32, #tpu.memory_space<vmem_shared>> -> memref<10240x64xf32, #tpu.memory_space<vmem_shared>>
        %dma_wait3A_522 = tpu.memref_slice %arg18[%dma_wait3A_511] : memref<5x!tpu.dma_semaphore, #tpu.memory_space<semaphore_mem>> -> memref<1x!tpu.dma_semaphore, #tpu.memory_space<semaphore_mem>>
        %dma_wait3A_523 = tpu.memref_squeeze %dma_wait3A_522 : memref<1x!tpu.dma_semaphore, #tpu.memory_space<semaphore_mem>> -> memref<!tpu.dma_semaphore, #tpu.memory_space<semaphore_mem>>
        tpu.wait_indirect_dma semaphore(%dma_wait3A_523 : memref<!tpu.dma_semaphore, #tpu.memory_space<semaphore_mem>>) src(%dma_wait3A_515 : memref<128x64xf32, #tpu.memory_space<vmem>>) dst(%dma_wait3A_521 : memref<10240x64xf32, #tpu.memory_space<vmem_shared>>)
        %add3A_524 = arith.constant 5 : i32
        %add3A_525 = arith.addi %add3A_277, %add3A_524 : i32
        %dma_start3A_526 = arith.constant 1 : i32
        %dma_start3A_527 = arith.constant 1 : i32
        %dma_start3A_528 = arith.constant 0 : i32
        %dma_start3A_529 = arith.constant 0 : i32
        %dma_start3A_530 = tpu.memref_slice %arg12[%dma_start3A_526, %dma_start3A_528, %dma_start3A_529] : memref<5x128x64xf32, #tpu.memory_space<vmem>> -> memref<1x128x64xf32, #tpu.memory_space<vmem>>
        %dma_start3A_531 = tpu.memref_squeeze %dma_start3A_530 : memref<1x128x64xf32, #tpu.memory_space<vmem>> -> memref<128x64xf32, #tpu.memory_space<vmem>>
        %dma_start3A_532 = arith.constant 0 : i32
        %dma_start3A_533 = tpu.memref_slice %arg10[%add3A_525, %dma_start3A_532] : memref<160x128xi32, #tpu.memory_space<vmem>> -> memref<1x128xi32, #tpu.memory_space<vmem>>
        %dma_start3A_534 = tpu.memref_squeeze %dma_start3A_533 : memref<1x128xi32, #tpu.memory_space<vmem>> -> memref<128xi32, #tpu.memory_space<vmem>>
        %dma_start3A_535 = arith.constant 0 : i32
        %dma_start3A_536 = arith.constant 0 : i32
        %dma_start3A_537 = tpu.memref_slice %arg2[%dma_start3A_535, %dma_start3A_536] : memref<20000x64xf32, #tpu.memory_space<hbm>> -> memref<20000x64xf32, #tpu.memory_space<hbm>>
        %dma_start3A_538 = tpu.memref_slice %arg17[%dma_start3A_527] : memref<5x!tpu.dma_semaphore, #tpu.memory_space<semaphore_mem>> -> memref<1x!tpu.dma_semaphore, #tpu.memory_space<semaphore_mem>>
        %dma_start3A_539 = tpu.memref_squeeze %dma_start3A_538 : memref<1x!tpu.dma_semaphore, #tpu.memory_space<semaphore_mem>> -> memref<!tpu.dma_semaphore, #tpu.memory_space<semaphore_mem>>
        tpu.enqueue_indirect_dma source(%dma_start3A_537 : memref<20000x64xf32, #tpu.memory_space<hbm>>) target(%dma_start3A_531 : memref<128x64xf32, #tpu.memory_space<vmem>>) offsets(%dma_start3A_534 : memref<128xi32, #tpu.memory_space<vmem>>) semaphore(%dma_start3A_539 : memref<!tpu.dma_semaphore, #tpu.memory_space<semaphore_mem>>)
      } else {
      }
      %mul3A_333 = arith.constant 5 : i32
      %mul3A_334 = arith.muli %scan3A_223, %mul3A_333 : i32
      %add3A_335 = arith.constant 2 : i32
      %add3A_336 = arith.addi %mul3A_334, %add3A_335 : i32
      %dma_wait3A_337 = arith.constant 2 : i32
      %dma_wait3A_338 = arith.constant 2 : i32
      %dma_wait3A_339 = arith.constant 0 : i32
      %dma_wait3A_340 = arith.constant 0 : i32
      %dma_wait3A_341 = tpu.memref_slice %arg12[%dma_wait3A_337, %dma_wait3A_339, %dma_wait3A_340] : memref<5x128x64xf32, #tpu.memory_space<vmem>> -> memref<1x128x64xf32, #tpu.memory_space<vmem>>
      %dma_wait3A_342 = tpu.memref_squeeze %dma_wait3A_341 : memref<1x128x64xf32, #tpu.memory_space<vmem>> -> memref<128x64xf32, #tpu.memory_space<vmem>>
      %dma_wait3A_343 = arith.constant 0 : i32
      %dma_wait3A_344 = tpu.memref_slice %arg10[%add3A_336, %dma_wait3A_343] : memref<160x128xi32, #tpu.memory_space<vmem>> -> memref<1x128xi32, #tpu.memory_space<vmem>>
      %dma_wait3A_345 = tpu.memref_squeeze %dma_wait3A_344 : memref<1x128xi32, #tpu.memory_space<vmem>> -> memref<128xi32, #tpu.memory_space<vmem>>
      %dma_wait3A_346 = arith.constant 0 : i32
      %dma_wait3A_347 = arith.constant 0 : i32
      %dma_wait3A_348 = tpu.memref_slice %arg2[%dma_wait3A_346, %dma_wait3A_347] : memref<20000x64xf32, #tpu.memory_space<hbm>> -> memref<20000x64xf32, #tpu.memory_space<hbm>>
      %dma_wait3A_349 = tpu.memref_slice %arg17[%dma_wait3A_338] : memref<5x!tpu.dma_semaphore, #tpu.memory_space<semaphore_mem>> -> memref<1x!tpu.dma_semaphore, #tpu.memory_space<semaphore_mem>>
      %dma_wait3A_350 = tpu.memref_squeeze %dma_wait3A_349 : memref<1x!tpu.dma_semaphore, #tpu.memory_space<semaphore_mem>> -> memref<!tpu.dma_semaphore, #tpu.memory_space<semaphore_mem>>
      tpu.wait_indirect_dma semaphore(%dma_wait3A_350 : memref<!tpu.dma_semaphore, #tpu.memory_space<semaphore_mem>>) src(%dma_wait3A_348 : memref<20000x64xf32, #tpu.memory_space<hbm>>) dst(%dma_wait3A_342 : memref<128x64xf32, #tpu.memory_space<vmem>>)
      %dma_start3A_351 = arith.constant 2 : i32
      %dma_start3A_352 = arith.constant 2 : i32
      %dma_start3A_353 = arith.constant 0 : i32
      %dma_start3A_354 = arith.constant 0 : i32
      %dma_start3A_355 = tpu.memref_slice %arg12[%dma_start3A_351, %dma_start3A_353, %dma_start3A_354] : memref<5x128x64xf32, #tpu.memory_space<vmem>> -> memref<1x128x64xf32, #tpu.memory_space<vmem>>
      %dma_start3A_356 = tpu.memref_squeeze %dma_start3A_355 : memref<1x128x64xf32, #tpu.memory_space<vmem>> -> memref<128x64xf32, #tpu.memory_space<vmem>>
      %dma_start3A_357 = arith.constant 0 : i32
      %dma_start3A_358 = tpu.memref_slice %arg11[%add3A_336, %dma_start3A_357] : memref<160x128xi32, #tpu.memory_space<vmem>> -> memref<1x128xi32, #tpu.memory_space<vmem>>
      %dma_start3A_359 = tpu.memref_squeeze %dma_start3A_358 : memref<1x128xi32, #tpu.memory_space<vmem>> -> memref<128xi32, #tpu.memory_space<vmem>>
      %dma_start3A_360 = arith.constant 0 : i32
      %dma_start3A_361 = arith.constant 0 : i32
      %dma_start3A_362 = tpu.memref_slice %arg15[%dma_start3A_360, %dma_start3A_361] : memref<10240x64xf32, #tpu.memory_space<vmem_shared>> -> memref<10240x64xf32, #tpu.memory_space<vmem_shared>>
      %dma_start3A_363 = tpu.memref_slice %arg18[%dma_start3A_352] : memref<5x!tpu.dma_semaphore, #tpu.memory_space<semaphore_mem>> -> memref<1x!tpu.dma_semaphore, #tpu.memory_space<semaphore_mem>>
      %dma_start3A_364 = tpu.memref_squeeze %dma_start3A_363 : memref<1x!tpu.dma_semaphore, #tpu.memory_space<semaphore_mem>> -> memref<!tpu.dma_semaphore, #tpu.memory_space<semaphore_mem>>
      tpu.enqueue_indirect_dma source(%dma_start3A_356 : memref<128x64xf32, #tpu.memory_space<vmem>>) target(%dma_start3A_362 : memref<10240x64xf32, #tpu.memory_space<vmem_shared>>) offsets(%dma_start3A_359 : memref<128xi32, #tpu.memory_space<vmem>>) semaphore(%dma_start3A_364 : memref<!tpu.dma_semaphore, #tpu.memory_space<semaphore_mem>>) {add = true}
      %jit3A_365 = arith.constant 2 : i32
      %eq3A_366 = arith.constant 0 : i32
      %eq3A_367 = arith.cmpi eq, %jit3A_365, %eq3A_366 : i32
      %jit3A_368 = arith.constant 1 : i32
      %select_n3A_369 = arith.select %eq3A_367, %jit3A_368, %jit3A_365 : i32
      %rem3A_370 = arith.remsi %add3A_336, %select_n3A_369 : i32
      %ne3A_371 = arith.constant 0 : i32
      %ne3A_372 = arith.cmpi ne, %rem3A_370, %ne3A_371 : i32
      %lt3A_373 = arith.constant 0 : i32
      %lt3A_374 = arith.cmpi slt, %rem3A_370, %lt3A_373 : i32
      %lt3A_375 = arith.constant 0 : i32
      %lt3A_376 = arith.cmpi slt, %select_n3A_369, %lt3A_375 : i32
      %ne3A_377 = arith.xori %lt3A_374, %lt3A_376 : i1
      %and3A_378 = arith.andi %ne3A_377, %ne3A_372 : i1
      %add3A_379 = arith.addi %rem3A_370, %select_n3A_369 : i32
      %select_n3A_380 = arith.select %and3A_378, %add3A_379, %rem3A_370 : i32
      %eq3A_381 = arith.cmpi eq, %select_n3A_380, %arg0 : i32
      %convert_element_type3A_382 = arith.extui %eq3A_381 : i1 to i32
      %cond3A_383 = arith.constant 0 : i32
      %cond3A_384 = arith.cmpi ne, %convert_element_type3A_382, %cond3A_383 : i32
      scf.if %cond3A_384 {
        %dma_start3A_510 = arith.constant 0 : i32
        %dma_start3A_511 = tpu.memref_slice %arg11[%add3A_336, %dma_start3A_510] : memref<160x128xi32, #tpu.memory_space<vmem>> -> memref<1x128xi32, #tpu.memory_space<vmem>>
        %dma_start3A_512 = tpu.memref_squeeze %dma_start3A_511 : memref<1x128xi32, #tpu.memory_space<vmem>> -> memref<128xi32, #tpu.memory_space<vmem>>
        %dma_start3A_513 = arith.constant 0 : i32
        %dma_start3A_514 = arith.constant 0 : i32
        %dma_start3A_515 = tpu.memref_slice %arg16[%dma_start3A_513, %dma_start3A_514] : memref<10240x8xf32, #tpu.memory_space<vmem_shared>> -> memref<10240x8xf32, #tpu.memory_space<vmem_shared>>
        tpu.enqueue_indirect_dma source(%arg13 : memref<128x8xf32, #tpu.memory_space<vmem>>) target(%dma_start3A_515 : memref<10240x8xf32, #tpu.memory_space<vmem_shared>>) offsets(%dma_start3A_512 : memref<128xi32, #tpu.memory_space<vmem>>) semaphore(%arg19 : memref<!tpu.dma_semaphore, #tpu.memory_space<semaphore_mem>>) {add = true}
      } else {
      }
      %add3A_385 = arith.constant 5 : i32
      %add3A_386 = arith.addi %add3A_336, %add3A_385 : i32
      %lt3A_387 = arith.constant 160 : i32
      %lt3A_388 = arith.cmpi slt, %add3A_386, %lt3A_387 : i32
      %convert_element_type3A_389 = arith.extui %lt3A_388 : i1 to i32
      %cond3A_390 = arith.constant 0 : i32
      %cond3A_391 = arith.cmpi ne, %convert_element_type3A_389, %cond3A_390 : i32
      scf.if %cond3A_391 {
        %dma_wait3A_510 = arith.constant 2 : i32
        %dma_wait3A_511 = arith.constant 2 : i32
        %dma_wait3A_512 = arith.constant 0 : i32
        %dma_wait3A_513 = arith.constant 0 : i32
        %dma_wait3A_514 = tpu.memref_slice %arg12[%dma_wait3A_510, %dma_wait3A_512, %dma_wait3A_513] : memref<5x128x64xf32, #tpu.memory_space<vmem>> -> memref<1x128x64xf32, #tpu.memory_space<vmem>>
        %dma_wait3A_515 = tpu.memref_squeeze %dma_wait3A_514 : memref<1x128x64xf32, #tpu.memory_space<vmem>> -> memref<128x64xf32, #tpu.memory_space<vmem>>
        %dma_wait3A_516 = arith.constant 0 : i32
        %dma_wait3A_517 = tpu.memref_slice %arg11[%add3A_336, %dma_wait3A_516] : memref<160x128xi32, #tpu.memory_space<vmem>> -> memref<1x128xi32, #tpu.memory_space<vmem>>
        %dma_wait3A_518 = tpu.memref_squeeze %dma_wait3A_517 : memref<1x128xi32, #tpu.memory_space<vmem>> -> memref<128xi32, #tpu.memory_space<vmem>>
        %dma_wait3A_519 = arith.constant 0 : i32
        %dma_wait3A_520 = arith.constant 0 : i32
        %dma_wait3A_521 = tpu.memref_slice %arg15[%dma_wait3A_519, %dma_wait3A_520] : memref<10240x64xf32, #tpu.memory_space<vmem_shared>> -> memref<10240x64xf32, #tpu.memory_space<vmem_shared>>
        %dma_wait3A_522 = tpu.memref_slice %arg18[%dma_wait3A_511] : memref<5x!tpu.dma_semaphore, #tpu.memory_space<semaphore_mem>> -> memref<1x!tpu.dma_semaphore, #tpu.memory_space<semaphore_mem>>
        %dma_wait3A_523 = tpu.memref_squeeze %dma_wait3A_522 : memref<1x!tpu.dma_semaphore, #tpu.memory_space<semaphore_mem>> -> memref<!tpu.dma_semaphore, #tpu.memory_space<semaphore_mem>>
        tpu.wait_indirect_dma semaphore(%dma_wait3A_523 : memref<!tpu.dma_semaphore, #tpu.memory_space<semaphore_mem>>) src(%dma_wait3A_515 : memref<128x64xf32, #tpu.memory_space<vmem>>) dst(%dma_wait3A_521 : memref<10240x64xf32, #tpu.memory_space<vmem_shared>>)
        %add3A_524 = arith.constant 5 : i32
        %add3A_525 = arith.addi %add3A_336, %add3A_524 : i32
        %dma_start3A_526 = arith.constant 2 : i32
        %dma_start3A_527 = arith.constant 2 : i32
        %dma_start3A_528 = arith.constant 0 : i32
        %dma_start3A_529 = arith.constant 0 : i32
        %dma_start3A_530 = tpu.memref_slice %arg12[%dma_start3A_526, %dma_start3A_528, %dma_start3A_529] : memref<5x128x64xf32, #tpu.memory_space<vmem>> -> memref<1x128x64xf32, #tpu.memory_space<vmem>>
        %dma_start3A_531 = tpu.memref_squeeze %dma_start3A_530 : memref<1x128x64xf32, #tpu.memory_space<vmem>> -> memref<128x64xf32, #tpu.memory_space<vmem>>
        %dma_start3A_532 = arith.constant 0 : i32
        %dma_start3A_533 = tpu.memref_slice %arg10[%add3A_525, %dma_start3A_532] : memref<160x128xi32, #tpu.memory_space<vmem>> -> memref<1x128xi32, #tpu.memory_space<vmem>>
        %dma_start3A_534 = tpu.memref_squeeze %dma_start3A_533 : memref<1x128xi32, #tpu.memory_space<vmem>> -> memref<128xi32, #tpu.memory_space<vmem>>
        %dma_start3A_535 = arith.constant 0 : i32
        %dma_start3A_536 = arith.constant 0 : i32
        %dma_start3A_537 = tpu.memref_slice %arg2[%dma_start3A_535, %dma_start3A_536] : memref<20000x64xf32, #tpu.memory_space<hbm>> -> memref<20000x64xf32, #tpu.memory_space<hbm>>
        %dma_start3A_538 = tpu.memref_slice %arg17[%dma_start3A_527] : memref<5x!tpu.dma_semaphore, #tpu.memory_space<semaphore_mem>> -> memref<1x!tpu.dma_semaphore, #tpu.memory_space<semaphore_mem>>
        %dma_start3A_539 = tpu.memref_squeeze %dma_start3A_538 : memref<1x!tpu.dma_semaphore, #tpu.memory_space<semaphore_mem>> -> memref<!tpu.dma_semaphore, #tpu.memory_space<semaphore_mem>>
        tpu.enqueue_indirect_dma source(%dma_start3A_537 : memref<20000x64xf32, #tpu.memory_space<hbm>>) target(%dma_start3A_531 : memref<128x64xf32, #tpu.memory_space<vmem>>) offsets(%dma_start3A_534 : memref<128xi32, #tpu.memory_space<vmem>>) semaphore(%dma_start3A_539 : memref<!tpu.dma_semaphore, #tpu.memory_space<semaphore_mem>>)
      } else {
      }
      %mul3A_392 = arith.constant 5 : i32
      %mul3A_393 = arith.muli %scan3A_223, %mul3A_392 : i32
      %add3A_394 = arith.constant 3 : i32
      %add3A_395 = arith.addi %mul3A_393, %add3A_394 : i32
      %dma_wait3A_396 = arith.constant 3 : i32
      %dma_wait3A_397 = arith.constant 3 : i32
      %dma_wait3A_398 = arith.constant 0 : i32
      %dma_wait3A_399 = arith.constant 0 : i32
      %dma_wait3A_400 = tpu.memref_slice %arg12[%dma_wait3A_396, %dma_wait3A_398, %dma_wait3A_399] : memref<5x128x64xf32, #tpu.memory_space<vmem>> -> memref<1x128x64xf32, #tpu.memory_space<vmem>>
      %dma_wait3A_401 = tpu.memref_squeeze %dma_wait3A_400 : memref<1x128x64xf32, #tpu.memory_space<vmem>> -> memref<128x64xf32, #tpu.memory_space<vmem>>
      %dma_wait3A_402 = arith.constant 0 : i32
      %dma_wait3A_403 = tpu.memref_slice %arg10[%add3A_395, %dma_wait3A_402] : memref<160x128xi32, #tpu.memory_space<vmem>> -> memref<1x128xi32, #tpu.memory_space<vmem>>
      %dma_wait3A_404 = tpu.memref_squeeze %dma_wait3A_403 : memref<1x128xi32, #tpu.memory_space<vmem>> -> memref<128xi32, #tpu.memory_space<vmem>>
      %dma_wait3A_405 = arith.constant 0 : i32
      %dma_wait3A_406 = arith.constant 0 : i32
      %dma_wait3A_407 = tpu.memref_slice %arg2[%dma_wait3A_405, %dma_wait3A_406] : memref<20000x64xf32, #tpu.memory_space<hbm>> -> memref<20000x64xf32, #tpu.memory_space<hbm>>
      %dma_wait3A_408 = tpu.memref_slice %arg17[%dma_wait3A_397] : memref<5x!tpu.dma_semaphore, #tpu.memory_space<semaphore_mem>> -> memref<1x!tpu.dma_semaphore, #tpu.memory_space<semaphore_mem>>
      %dma_wait3A_409 = tpu.memref_squeeze %dma_wait3A_408 : memref<1x!tpu.dma_semaphore, #tpu.memory_space<semaphore_mem>> -> memref<!tpu.dma_semaphore, #tpu.memory_space<semaphore_mem>>
      tpu.wait_indirect_dma semaphore(%dma_wait3A_409 : memref<!tpu.dma_semaphore, #tpu.memory_space<semaphore_mem>>) src(%dma_wait3A_407 : memref<20000x64xf32, #tpu.memory_space<hbm>>) dst(%dma_wait3A_401 : memref<128x64xf32, #tpu.memory_space<vmem>>)
      %dma_start3A_410 = arith.constant 3 : i32
      %dma_start3A_411 = arith.constant 3 : i32
      %dma_start3A_412 = arith.constant 0 : i32
      %dma_start3A_413 = arith.constant 0 : i32
      %dma_start3A_414 = tpu.memref_slice %arg12[%dma_start3A_410, %dma_start3A_412, %dma_start3A_413] : memref<5x128x64xf32, #tpu.memory_space<vmem>> -> memref<1x128x64xf32, #tpu.memory_space<vmem>>
      %dma_start3A_415 = tpu.memref_squeeze %dma_start3A_414 : memref<1x128x64xf32, #tpu.memory_space<vmem>> -> memref<128x64xf32, #tpu.memory_space<vmem>>
      %dma_start3A_416 = arith.constant 0 : i32
      %dma_start3A_417 = tpu.memref_slice %arg11[%add3A_395, %dma_start3A_416] : memref<160x128xi32, #tpu.memory_space<vmem>> -> memref<1x128xi32, #tpu.memory_space<vmem>>
      %dma_start3A_418 = tpu.memref_squeeze %dma_start3A_417 : memref<1x128xi32, #tpu.memory_space<vmem>> -> memref<128xi32, #tpu.memory_space<vmem>>
      %dma_start3A_419 = arith.constant 0 : i32
      %dma_start3A_420 = arith.constant 0 : i32
      %dma_start3A_421 = tpu.memref_slice %arg15[%dma_start3A_419, %dma_start3A_420] : memref<10240x64xf32, #tpu.memory_space<vmem_shared>> -> memref<10240x64xf32, #tpu.memory_space<vmem_shared>>
      %dma_start3A_422 = tpu.memref_slice %arg18[%dma_start3A_411] : memref<5x!tpu.dma_semaphore, #tpu.memory_space<semaphore_mem>> -> memref<1x!tpu.dma_semaphore, #tpu.memory_space<semaphore_mem>>
      %dma_start3A_423 = tpu.memref_squeeze %dma_start3A_422 : memref<1x!tpu.dma_semaphore, #tpu.memory_space<semaphore_mem>> -> memref<!tpu.dma_semaphore, #tpu.memory_space<semaphore_mem>>
      tpu.enqueue_indirect_dma source(%dma_start3A_415 : memref<128x64xf32, #tpu.memory_space<vmem>>) target(%dma_start3A_421 : memref<10240x64xf32, #tpu.memory_space<vmem_shared>>) offsets(%dma_start3A_418 : memref<128xi32, #tpu.memory_space<vmem>>) semaphore(%dma_start3A_423 : memref<!tpu.dma_semaphore, #tpu.memory_space<semaphore_mem>>) {add = true}
      %jit3A_424 = arith.constant 2 : i32
      %eq3A_425 = arith.constant 0 : i32
      %eq3A_426 = arith.cmpi eq, %jit3A_424, %eq3A_425 : i32
      %jit3A_427 = arith.constant 1 : i32
      %select_n3A_428 = arith.select %eq3A_426, %jit3A_427, %jit3A_424 : i32
      %rem3A_429 = arith.remsi %add3A_395, %select_n3A_428 : i32
      %ne3A_430 = arith.constant 0 : i32
      %ne3A_431 = arith.cmpi ne, %rem3A_429, %ne3A_430 : i32
      %lt3A_432 = arith.constant 0 : i32
      %lt3A_433 = arith.cmpi slt, %rem3A_429, %lt3A_432 : i32
      %lt3A_434 = arith.constant 0 : i32
      %lt3A_435 = arith.cmpi slt, %select_n3A_428, %lt3A_434 : i32
      %ne3A_436 = arith.xori %lt3A_433, %lt3A_435 : i1
      %and3A_437 = arith.andi %ne3A_436, %ne3A_431 : i1
      %add3A_438 = arith.addi %rem3A_429, %select_n3A_428 : i32
      %select_n3A_439 = arith.select %and3A_437, %add3A_438, %rem3A_429 : i32
      %eq3A_440 = arith.cmpi eq, %select_n3A_439, %arg0 : i32
      %convert_element_type3A_441 = arith.extui %eq3A_440 : i1 to i32
      %cond3A_442 = arith.constant 0 : i32
      %cond3A_443 = arith.cmpi ne, %convert_element_type3A_441, %cond3A_442 : i32
      scf.if %cond3A_443 {
        %dma_start3A_510 = arith.constant 0 : i32
        %dma_start3A_511 = tpu.memref_slice %arg11[%add3A_395, %dma_start3A_510] : memref<160x128xi32, #tpu.memory_space<vmem>> -> memref<1x128xi32, #tpu.memory_space<vmem>>
        %dma_start3A_512 = tpu.memref_squeeze %dma_start3A_511 : memref<1x128xi32, #tpu.memory_space<vmem>> -> memref<128xi32, #tpu.memory_space<vmem>>
        %dma_start3A_513 = arith.constant 0 : i32
        %dma_start3A_514 = arith.constant 0 : i32
        %dma_start3A_515 = tpu.memref_slice %arg16[%dma_start3A_513, %dma_start3A_514] : memref<10240x8xf32, #tpu.memory_space<vmem_shared>> -> memref<10240x8xf32, #tpu.memory_space<vmem_shared>>
        tpu.enqueue_indirect_dma source(%arg13 : memref<128x8xf32, #tpu.memory_space<vmem>>) target(%dma_start3A_515 : memref<10240x8xf32, #tpu.memory_space<vmem_shared>>) offsets(%dma_start3A_512 : memref<128xi32, #tpu.memory_space<vmem>>) semaphore(%arg19 : memref<!tpu.dma_semaphore, #tpu.memory_space<semaphore_mem>>) {add = true}
      } else {
      }
      %add3A_444 = arith.constant 5 : i32
      %add3A_445 = arith.addi %add3A_395, %add3A_444 : i32
      %lt3A_446 = arith.constant 160 : i32
      %lt3A_447 = arith.cmpi slt, %add3A_445, %lt3A_446 : i32
      %convert_element_type3A_448 = arith.extui %lt3A_447 : i1 to i32
      %cond3A_449 = arith.constant 0 : i32
      %cond3A_450 = arith.cmpi ne, %convert_element_type3A_448, %cond3A_449 : i32
      scf.if %cond3A_450 {
        %dma_wait3A_510 = arith.constant 3 : i32
        %dma_wait3A_511 = arith.constant 3 : i32
        %dma_wait3A_512 = arith.constant 0 : i32
        %dma_wait3A_513 = arith.constant 0 : i32
        %dma_wait3A_514 = tpu.memref_slice %arg12[%dma_wait3A_510, %dma_wait3A_512, %dma_wait3A_513] : memref<5x128x64xf32, #tpu.memory_space<vmem>> -> memref<1x128x64xf32, #tpu.memory_space<vmem>>
        %dma_wait3A_515 = tpu.memref_squeeze %dma_wait3A_514 : memref<1x128x64xf32, #tpu.memory_space<vmem>> -> memref<128x64xf32, #tpu.memory_space<vmem>>
        %dma_wait3A_516 = arith.constant 0 : i32
        %dma_wait3A_517 = tpu.memref_slice %arg11[%add3A_395, %dma_wait3A_516] : memref<160x128xi32, #tpu.memory_space<vmem>> -> memref<1x128xi32, #tpu.memory_space<vmem>>
        %dma_wait3A_518 = tpu.memref_squeeze %dma_wait3A_517 : memref<1x128xi32, #tpu.memory_space<vmem>> -> memref<128xi32, #tpu.memory_space<vmem>>
        %dma_wait3A_519 = arith.constant 0 : i32
        %dma_wait3A_520 = arith.constant 0 : i32
        %dma_wait3A_521 = tpu.memref_slice %arg15[%dma_wait3A_519, %dma_wait3A_520] : memref<10240x64xf32, #tpu.memory_space<vmem_shared>> -> memref<10240x64xf32, #tpu.memory_space<vmem_shared>>
        %dma_wait3A_522 = tpu.memref_slice %arg18[%dma_wait3A_511] : memref<5x!tpu.dma_semaphore, #tpu.memory_space<semaphore_mem>> -> memref<1x!tpu.dma_semaphore, #tpu.memory_space<semaphore_mem>>
        %dma_wait3A_523 = tpu.memref_squeeze %dma_wait3A_522 : memref<1x!tpu.dma_semaphore, #tpu.memory_space<semaphore_mem>> -> memref<!tpu.dma_semaphore, #tpu.memory_space<semaphore_mem>>
        tpu.wait_indirect_dma semaphore(%dma_wait3A_523 : memref<!tpu.dma_semaphore, #tpu.memory_space<semaphore_mem>>) src(%dma_wait3A_515 : memref<128x64xf32, #tpu.memory_space<vmem>>) dst(%dma_wait3A_521 : memref<10240x64xf32, #tpu.memory_space<vmem_shared>>)
        %add3A_524 = arith.constant 5 : i32
        %add3A_525 = arith.addi %add3A_395, %add3A_524 : i32
        %dma_start3A_526 = arith.constant 3 : i32
        %dma_start3A_527 = arith.constant 3 : i32
        %dma_start3A_528 = arith.constant 0 : i32
        %dma_start3A_529 = arith.constant 0 : i32
        %dma_start3A_530 = tpu.memref_slice %arg12[%dma_start3A_526, %dma_start3A_528, %dma_start3A_529] : memref<5x128x64xf32, #tpu.memory_space<vmem>> -> memref<1x128x64xf32, #tpu.memory_space<vmem>>
        %dma_start3A_531 = tpu.memref_squeeze %dma_start3A_530 : memref<1x128x64xf32, #tpu.memory_space<vmem>> -> memref<128x64xf32, #tpu.memory_space<vmem>>
        %dma_start3A_532 = arith.constant 0 : i32
        %dma_start3A_533 = tpu.memref_slice %arg10[%add3A_525, %dma_start3A_532] : memref<160x128xi32, #tpu.memory_space<vmem>> -> memref<1x128xi32, #tpu.memory_space<vmem>>
        %dma_start3A_534 = tpu.memref_squeeze %dma_start3A_533 : memref<1x128xi32, #tpu.memory_space<vmem>> -> memref<128xi32, #tpu.memory_space<vmem>>
        %dma_start3A_535 = arith.constant 0 : i32
        %dma_start3A_536 = arith.constant 0 : i32
        %dma_start3A_537 = tpu.memref_slice %arg2[%dma_start3A_535, %dma_start3A_536] : memref<20000x64xf32, #tpu.memory_space<hbm>> -> memref<20000x64xf32, #tpu.memory_space<hbm>>
        %dma_start3A_538 = tpu.memref_slice %arg17[%dma_start3A_527] : memref<5x!tpu.dma_semaphore, #tpu.memory_space<semaphore_mem>> -> memref<1x!tpu.dma_semaphore, #tpu.memory_space<semaphore_mem>>
        %dma_start3A_539 = tpu.memref_squeeze %dma_start3A_538 : memref<1x!tpu.dma_semaphore, #tpu.memory_space<semaphore_mem>> -> memref<!tpu.dma_semaphore, #tpu.memory_space<semaphore_mem>>
        tpu.enqueue_indirect_dma source(%dma_start3A_537 : memref<20000x64xf32, #tpu.memory_space<hbm>>) target(%dma_start3A_531 : memref<128x64xf32, #tpu.memory_space<vmem>>) offsets(%dma_start3A_534 : memref<128xi32, #tpu.memory_space<vmem>>) semaphore(%dma_start3A_539 : memref<!tpu.dma_semaphore, #tpu.memory_space<semaphore_mem>>)
      } else {
      }
      %mul3A_451 = arith.constant 5 : i32
      %mul3A_452 = arith.muli %scan3A_223, %mul3A_451 : i32
      %add3A_453 = arith.constant 4 : i32
      %add3A_454 = arith.addi %mul3A_452, %add3A_453 : i32
      %dma_wait3A_455 = arith.constant 4 : i32
      %dma_wait3A_456 = arith.constant 4 : i32
      %dma_wait3A_457 = arith.constant 0 : i32
      %dma_wait3A_458 = arith.constant 0 : i32
      %dma_wait3A_459 = tpu.memref_slice %arg12[%dma_wait3A_455, %dma_wait3A_457, %dma_wait3A_458] : memref<5x128x64xf32, #tpu.memory_space<vmem>> -> memref<1x128x64xf32, #tpu.memory_space<vmem>>
      %dma_wait3A_460 = tpu.memref_squeeze %dma_wait3A_459 : memref<1x128x64xf32, #tpu.memory_space<vmem>> -> memref<128x64xf32, #tpu.memory_space<vmem>>
      %dma_wait3A_461 = arith.constant 0 : i32
      %dma_wait3A_462 = tpu.memref_slice %arg10[%add3A_454, %dma_wait3A_461] : memref<160x128xi32, #tpu.memory_space<vmem>> -> memref<1x128xi32, #tpu.memory_space<vmem>>
      %dma_wait3A_463 = tpu.memref_squeeze %dma_wait3A_462 : memref<1x128xi32, #tpu.memory_space<vmem>> -> memref<128xi32, #tpu.memory_space<vmem>>
      %dma_wait3A_464 = arith.constant 0 : i32
      %dma_wait3A_465 = arith.constant 0 : i32
      %dma_wait3A_466 = tpu.memref_slice %arg2[%dma_wait3A_464, %dma_wait3A_465] : memref<20000x64xf32, #tpu.memory_space<hbm>> -> memref<20000x64xf32, #tpu.memory_space<hbm>>
      %dma_wait3A_467 = tpu.memref_slice %arg17[%dma_wait3A_456] : memref<5x!tpu.dma_semaphore, #tpu.memory_space<semaphore_mem>> -> memref<1x!tpu.dma_semaphore, #tpu.memory_space<semaphore_mem>>
      %dma_wait3A_468 = tpu.memref_squeeze %dma_wait3A_467 : memref<1x!tpu.dma_semaphore, #tpu.memory_space<semaphore_mem>> -> memref<!tpu.dma_semaphore, #tpu.memory_space<semaphore_mem>>
      tpu.wait_indirect_dma semaphore(%dma_wait3A_468 : memref<!tpu.dma_semaphore, #tpu.memory_space<semaphore_mem>>) src(%dma_wait3A_466 : memref<20000x64xf32, #tpu.memory_space<hbm>>) dst(%dma_wait3A_460 : memref<128x64xf32, #tpu.memory_space<vmem>>)
      %dma_start3A_469 = arith.constant 4 : i32
      %dma_start3A_470 = arith.constant 4 : i32
      %dma_start3A_471 = arith.constant 0 : i32
      %dma_start3A_472 = arith.constant 0 : i32
      %dma_start3A_473 = tpu.memref_slice %arg12[%dma_start3A_469, %dma_start3A_471, %dma_start3A_472] : memref<5x128x64xf32, #tpu.memory_space<vmem>> -> memref<1x128x64xf32, #tpu.memory_space<vmem>>
      %dma_start3A_474 = tpu.memref_squeeze %dma_start3A_473 : memref<1x128x64xf32, #tpu.memory_space<vmem>> -> memref<128x64xf32, #tpu.memory_space<vmem>>
      %dma_start3A_475 = arith.constant 0 : i32
      %dma_start3A_476 = tpu.memref_slice %arg11[%add3A_454, %dma_start3A_475] : memref<160x128xi32, #tpu.memory_space<vmem>> -> memref<1x128xi32, #tpu.memory_space<vmem>>
      %dma_start3A_477 = tpu.memref_squeeze %dma_start3A_476 : memref<1x128xi32, #tpu.memory_space<vmem>> -> memref<128xi32, #tpu.memory_space<vmem>>
      %dma_start3A_478 = arith.constant 0 : i32
      %dma_start3A_479 = arith.constant 0 : i32
      %dma_start3A_480 = tpu.memref_slice %arg15[%dma_start3A_478, %dma_start3A_479] : memref<10240x64xf32, #tpu.memory_space<vmem_shared>> -> memref<10240x64xf32, #tpu.memory_space<vmem_shared>>
      %dma_start3A_481 = tpu.memref_slice %arg18[%dma_start3A_470] : memref<5x!tpu.dma_semaphore, #tpu.memory_space<semaphore_mem>> -> memref<1x!tpu.dma_semaphore, #tpu.memory_space<semaphore_mem>>
      %dma_start3A_482 = tpu.memref_squeeze %dma_start3A_481 : memref<1x!tpu.dma_semaphore, #tpu.memory_space<semaphore_mem>> -> memref<!tpu.dma_semaphore, #tpu.memory_space<semaphore_mem>>
      tpu.enqueue_indirect_dma source(%dma_start3A_474 : memref<128x64xf32, #tpu.memory_space<vmem>>) target(%dma_start3A_480 : memref<10240x64xf32, #tpu.memory_space<vmem_shared>>) offsets(%dma_start3A_477 : memref<128xi32, #tpu.memory_space<vmem>>) semaphore(%dma_start3A_482 : memref<!tpu.dma_semaphore, #tpu.memory_space<semaphore_mem>>) {add = true}
      %jit3A_483 = arith.constant 2 : i32
      %eq3A_484 = arith.constant 0 : i32
      %eq3A_485 = arith.cmpi eq, %jit3A_483, %eq3A_484 : i32
      %jit3A_486 = arith.constant 1 : i32
      %select_n3A_487 = arith.select %eq3A_485, %jit3A_486, %jit3A_483 : i32
      %rem3A_488 = arith.remsi %add3A_454, %select_n3A_487 : i32
      %ne3A_489 = arith.constant 0 : i32
      %ne3A_490 = arith.cmpi ne, %rem3A_488, %ne3A_489 : i32
      %lt3A_491 = arith.constant 0 : i32
      %lt3A_492 = arith.cmpi slt, %rem3A_488, %lt3A_491 : i32
      %lt3A_493 = arith.constant 0 : i32
      %lt3A_494 = arith.cmpi slt, %select_n3A_487, %lt3A_493 : i32
      %ne3A_495 = arith.xori %lt3A_492, %lt3A_494 : i1
      %and3A_496 = arith.andi %ne3A_495, %ne3A_490 : i1
      %add3A_497 = arith.addi %rem3A_488, %select_n3A_487 : i32
      %select_n3A_498 = arith.select %and3A_496, %add3A_497, %rem3A_488 : i32
      %eq3A_499 = arith.cmpi eq, %select_n3A_498, %arg0 : i32
      %convert_element_type3A_500 = arith.extui %eq3A_499 : i1 to i32
      %cond3A_501 = arith.constant 0 : i32
      %cond3A_502 = arith.cmpi ne, %convert_element_type3A_500, %cond3A_501 : i32
      scf.if %cond3A_502 {
        %dma_start3A_510 = arith.constant 0 : i32
        %dma_start3A_511 = tpu.memref_slice %arg11[%add3A_454, %dma_start3A_510] : memref<160x128xi32, #tpu.memory_space<vmem>> -> memref<1x128xi32, #tpu.memory_space<vmem>>
        %dma_start3A_512 = tpu.memref_squeeze %dma_start3A_511 : memref<1x128xi32, #tpu.memory_space<vmem>> -> memref<128xi32, #tpu.memory_space<vmem>>
        %dma_start3A_513 = arith.constant 0 : i32
        %dma_start3A_514 = arith.constant 0 : i32
        %dma_start3A_515 = tpu.memref_slice %arg16[%dma_start3A_513, %dma_start3A_514] : memref<10240x8xf32, #tpu.memory_space<vmem_shared>> -> memref<10240x8xf32, #tpu.memory_space<vmem_shared>>
        tpu.enqueue_indirect_dma source(%arg13 : memref<128x8xf32, #tpu.memory_space<vmem>>) target(%dma_start3A_515 : memref<10240x8xf32, #tpu.memory_space<vmem_shared>>) offsets(%dma_start3A_512 : memref<128xi32, #tpu.memory_space<vmem>>) semaphore(%arg19 : memref<!tpu.dma_semaphore, #tpu.memory_space<semaphore_mem>>) {add = true}
      } else {
      }
      %add3A_503 = arith.constant 5 : i32
      %add3A_504 = arith.addi %add3A_454, %add3A_503 : i32
      %lt3A_505 = arith.constant 160 : i32
      %lt3A_506 = arith.cmpi slt, %add3A_504, %lt3A_505 : i32
      %convert_element_type3A_507 = arith.extui %lt3A_506 : i1 to i32
      %cond3A_508 = arith.constant 0 : i32
      %cond3A_509 = arith.cmpi ne, %convert_element_type3A_507, %cond3A_508 : i32
      scf.if %cond3A_509 {
        %dma_wait3A_510 = arith.constant 4 : i32
        %dma_wait3A_511 = arith.constant 4 : i32
        %dma_wait3A_512 = arith.constant 0 : i32
        %dma_wait3A_513 = arith.constant 0 : i32
        %dma_wait3A_514 = tpu.memref_slice %arg12[%dma_wait3A_510, %dma_wait3A_512, %dma_wait3A_513] : memref<5x128x64xf32, #tpu.memory_space<vmem>> -> memref<1x128x64xf32, #tpu.memory_space<vmem>>
        %dma_wait3A_515 = tpu.memref_squeeze %dma_wait3A_514 : memref<1x128x64xf32, #tpu.memory_space<vmem>> -> memref<128x64xf32, #tpu.memory_space<vmem>>
        %dma_wait3A_516 = arith.constant 0 : i32
        %dma_wait3A_517 = tpu.memref_slice %arg11[%add3A_454, %dma_wait3A_516] : memref<160x128xi32, #tpu.memory_space<vmem>> -> memref<1x128xi32, #tpu.memory_space<vmem>>
        %dma_wait3A_518 = tpu.memref_squeeze %dma_wait3A_517 : memref<1x128xi32, #tpu.memory_space<vmem>> -> memref<128xi32, #tpu.memory_space<vmem>>
        %dma_wait3A_519 = arith.constant 0 : i32
        %dma_wait3A_520 = arith.constant 0 : i32
        %dma_wait3A_521 = tpu.memref_slice %arg15[%dma_wait3A_519, %dma_wait3A_520] : memref<10240x64xf32, #tpu.memory_space<vmem_shared>> -> memref<10240x64xf32, #tpu.memory_space<vmem_shared>>
        %dma_wait3A_522 = tpu.memref_slice %arg18[%dma_wait3A_511] : memref<5x!tpu.dma_semaphore, #tpu.memory_space<semaphore_mem>> -> memref<1x!tpu.dma_semaphore, #tpu.memory_space<semaphore_mem>>
        %dma_wait3A_523 = tpu.memref_squeeze %dma_wait3A_522 : memref<1x!tpu.dma_semaphore, #tpu.memory_space<semaphore_mem>> -> memref<!tpu.dma_semaphore, #tpu.memory_space<semaphore_mem>>
        tpu.wait_indirect_dma semaphore(%dma_wait3A_523 : memref<!tpu.dma_semaphore, #tpu.memory_space<semaphore_mem>>) src(%dma_wait3A_515 : memref<128x64xf32, #tpu.memory_space<vmem>>) dst(%dma_wait3A_521 : memref<10240x64xf32, #tpu.memory_space<vmem_shared>>)
        %add3A_524 = arith.constant 5 : i32
        %add3A_525 = arith.addi %add3A_454, %add3A_524 : i32
        %dma_start3A_526 = arith.constant 4 : i32
        %dma_start3A_527 = arith.constant 4 : i32
        %dma_start3A_528 = arith.constant 0 : i32
        %dma_start3A_529 = arith.constant 0 : i32
        %dma_start3A_530 = tpu.memref_slice %arg12[%dma_start3A_526, %dma_start3A_528, %dma_start3A_529] : memref<5x128x64xf32, #tpu.memory_space<vmem>> -> memref<1x128x64xf32, #tpu.memory_space<vmem>>
        %dma_start3A_531 = tpu.memref_squeeze %dma_start3A_530 : memref<1x128x64xf32, #tpu.memory_space<vmem>> -> memref<128x64xf32, #tpu.memory_space<vmem>>
        %dma_start3A_532 = arith.constant 0 : i32
        %dma_start3A_533 = tpu.memref_slice %arg10[%add3A_525, %dma_start3A_532] : memref<160x128xi32, #tpu.memory_space<vmem>> -> memref<1x128xi32, #tpu.memory_space<vmem>>
        %dma_start3A_534 = tpu.memref_squeeze %dma_start3A_533 : memref<1x128xi32, #tpu.memory_space<vmem>> -> memref<128xi32, #tpu.memory_space<vmem>>
        %dma_start3A_535 = arith.constant 0 : i32
        %dma_start3A_536 = arith.constant 0 : i32
        %dma_start3A_537 = tpu.memref_slice %arg2[%dma_start3A_535, %dma_start3A_536] : memref<20000x64xf32, #tpu.memory_space<hbm>> -> memref<20000x64xf32, #tpu.memory_space<hbm>>
        %dma_start3A_538 = tpu.memref_slice %arg17[%dma_start3A_527] : memref<5x!tpu.dma_semaphore, #tpu.memory_space<semaphore_mem>> -> memref<1x!tpu.dma_semaphore, #tpu.memory_space<semaphore_mem>>
        %dma_start3A_539 = tpu.memref_squeeze %dma_start3A_538 : memref<1x!tpu.dma_semaphore, #tpu.memory_space<semaphore_mem>> -> memref<!tpu.dma_semaphore, #tpu.memory_space<semaphore_mem>>
        tpu.enqueue_indirect_dma source(%dma_start3A_537 : memref<20000x64xf32, #tpu.memory_space<hbm>>) target(%dma_start3A_531 : memref<128x64xf32, #tpu.memory_space<vmem>>) offsets(%dma_start3A_534 : memref<128xi32, #tpu.memory_space<vmem>>) semaphore(%dma_start3A_539 : memref<!tpu.dma_semaphore, #tpu.memory_space<semaphore_mem>>)
      } else {
      }
    }
    %scan3A_101 = arith.constant 32 : i32
    %dma_wait3A = arith.constant 0 : i32
    %dma_wait3A_102 = arith.constant 0 : i32
    %dma_wait3A_103 = arith.constant 0 : i32
    %dma_wait3A_104 = arith.constant 0 : i32
    %dma_wait3A_105 = arith.constant 0 : i32
    %dma_wait3A_106 = tpu.memref_slice %arg12[%dma_wait3A, %dma_wait3A_104, %dma_wait3A_105] : memref<5x128x64xf32, #tpu.memory_space<vmem>> -> memref<1x128x64xf32, #tpu.memory_space<vmem>>
    %dma_wait3A_107 = tpu.memref_squeeze %dma_wait3A_106 : memref<1x128x64xf32, #tpu.memory_space<vmem>> -> memref<128x64xf32, #tpu.memory_space<vmem>>
    %dma_wait3A_108 = arith.constant 0 : i32
    %dma_wait3A_109 = tpu.memref_slice %arg11[%dma_wait3A_102, %dma_wait3A_108] : memref<160x128xi32, #tpu.memory_space<vmem>> -> memref<1x128xi32, #tpu.memory_space<vmem>>
    %dma_wait3A_110 = tpu.memref_squeeze %dma_wait3A_109 : memref<1x128xi32, #tpu.memory_space<vmem>> -> memref<128xi32, #tpu.memory_space<vmem>>
    %dma_wait3A_111 = arith.constant 0 : i32
    %dma_wait3A_112 = arith.constant 0 : i32
    %dma_wait3A_113 = tpu.memref_slice %arg15[%dma_wait3A_111, %dma_wait3A_112] : memref<10240x64xf32, #tpu.memory_space<vmem_shared>> -> memref<10240x64xf32, #tpu.memory_space<vmem_shared>>
    %dma_wait3A_114 = tpu.memref_slice %arg18[%dma_wait3A_103] : memref<5x!tpu.dma_semaphore, #tpu.memory_space<semaphore_mem>> -> memref<1x!tpu.dma_semaphore, #tpu.memory_space<semaphore_mem>>
    %dma_wait3A_115 = tpu.memref_squeeze %dma_wait3A_114 : memref<1x!tpu.dma_semaphore, #tpu.memory_space<semaphore_mem>> -> memref<!tpu.dma_semaphore, #tpu.memory_space<semaphore_mem>>
    tpu.wait_indirect_dma semaphore(%dma_wait3A_115 : memref<!tpu.dma_semaphore, #tpu.memory_space<semaphore_mem>>) src(%dma_wait3A_107 : memref<128x64xf32, #tpu.memory_space<vmem>>) dst(%dma_wait3A_113 : memref<10240x64xf32, #tpu.memory_space<vmem_shared>>)
    %dma_wait3A_116 = arith.constant 1 : i32
    %dma_wait3A_117 = arith.constant 0 : i32
    %dma_wait3A_118 = arith.constant 1 : i32
    %dma_wait3A_119 = arith.constant 0 : i32
    %dma_wait3A_120 = arith.constant 0 : i32
    %dma_wait3A_121 = tpu.memref_slice %arg12[%dma_wait3A_116, %dma_wait3A_119, %dma_wait3A_120] : memref<5x128x64xf32, #tpu.memory_space<vmem>> -> memref<1x128x64xf32, #tpu.memory_space<vmem>>
    %dma_wait3A_122 = tpu.memref_squeeze %dma_wait3A_121 : memref<1x128x64xf32, #tpu.memory_space<vmem>> -> memref<128x64xf32, #tpu.memory_space<vmem>>
    %dma_wait3A_123 = arith.constant 0 : i32
    %dma_wait3A_124 = tpu.memref_slice %arg11[%dma_wait3A_117, %dma_wait3A_123] : memref<160x128xi32, #tpu.memory_space<vmem>> -> memref<1x128xi32, #tpu.memory_space<vmem>>
    %dma_wait3A_125 = tpu.memref_squeeze %dma_wait3A_124 : memref<1x128xi32, #tpu.memory_space<vmem>> -> memref<128xi32, #tpu.memory_space<vmem>>
    %dma_wait3A_126 = arith.constant 0 : i32
    %dma_wait3A_127 = arith.constant 0 : i32
    %dma_wait3A_128 = tpu.memref_slice %arg15[%dma_wait3A_126, %dma_wait3A_127] : memref<10240x64xf32, #tpu.memory_space<vmem_shared>> -> memref<10240x64xf32, #tpu.memory_space<vmem_shared>>
    %dma_wait3A_129 = tpu.memref_slice %arg18[%dma_wait3A_118] : memref<5x!tpu.dma_semaphore, #tpu.memory_space<semaphore_mem>> -> memref<1x!tpu.dma_semaphore, #tpu.memory_space<semaphore_mem>>
    %dma_wait3A_130 = tpu.memref_squeeze %dma_wait3A_129 : memref<1x!tpu.dma_semaphore, #tpu.memory_space<semaphore_mem>> -> memref<!tpu.dma_semaphore, #tpu.memory_space<semaphore_mem>>
    tpu.wait_indirect_dma semaphore(%dma_wait3A_130 : memref<!tpu.dma_semaphore, #tpu.memory_space<semaphore_mem>>) src(%dma_wait3A_122 : memref<128x64xf32, #tpu.memory_space<vmem>>) dst(%dma_wait3A_128 : memref<10240x64xf32, #tpu.memory_space<vmem_shared>>)
    %dma_wait3A_131 = arith.constant 2 : i32
    %dma_wait3A_132 = arith.constant 0 : i32
    %dma_wait3A_133 = arith.constant 2 : i32
    %dma_wait3A_134 = arith.constant 0 : i32
    %dma_wait3A_135 = arith.constant 0 : i32
    %dma_wait3A_136 = tpu.memref_slice %arg12[%dma_wait3A_131, %dma_wait3A_134, %dma_wait3A_135] : memref<5x128x64xf32, #tpu.memory_space<vmem>> -> memref<1x128x64xf32, #tpu.memory_space<vmem>>
    %dma_wait3A_137 = tpu.memref_squeeze %dma_wait3A_136 : memref<1x128x64xf32, #tpu.memory_space<vmem>> -> memref<128x64xf32, #tpu.memory_space<vmem>>
    %dma_wait3A_138 = arith.constant 0 : i32
    %dma_wait3A_139 = tpu.memref_slice %arg11[%dma_wait3A_132, %dma_wait3A_138] : memref<160x128xi32, #tpu.memory_space<vmem>> -> memref<1x128xi32, #tpu.memory_space<vmem>>
    %dma_wait3A_140 = tpu.memref_squeeze %dma_wait3A_139 : memref<1x128xi32, #tpu.memory_space<vmem>> -> memref<128xi32, #tpu.memory_space<vmem>>
    %dma_wait3A_141 = arith.constant 0 : i32
    %dma_wait3A_142 = arith.constant 0 : i32
    %dma_wait3A_143 = tpu.memref_slice %arg15[%dma_wait3A_141, %dma_wait3A_142] : memref<10240x64xf32, #tpu.memory_space<vmem_shared>> -> memref<10240x64xf32, #tpu.memory_space<vmem_shared>>
    %dma_wait3A_144 = tpu.memref_slice %arg18[%dma_wait3A_133] : memref<5x!tpu.dma_semaphore, #tpu.memory_space<semaphore_mem>> -> memref<1x!tpu.dma_semaphore, #tpu.memory_space<semaphore_mem>>
    %dma_wait3A_145 = tpu.memref_squeeze %dma_wait3A_144 : memref<1x!tpu.dma_semaphore, #tpu.memory_space<semaphore_mem>> -> memref<!tpu.dma_semaphore, #tpu.memory_space<semaphore_mem>>
    tpu.wait_indirect_dma semaphore(%dma_wait3A_145 : memref<!tpu.dma_semaphore, #tpu.memory_space<semaphore_mem>>) src(%dma_wait3A_137 : memref<128x64xf32, #tpu.memory_space<vmem>>) dst(%dma_wait3A_143 : memref<10240x64xf32, #tpu.memory_space<vmem_shared>>)
    %dma_wait3A_146 = arith.constant 3 : i32
    %dma_wait3A_147 = arith.constant 0 : i32
    %dma_wait3A_148 = arith.constant 3 : i32
    %dma_wait3A_149 = arith.constant 0 : i32
    %dma_wait3A_150 = arith.constant 0 : i32
    %dma_wait3A_151 = tpu.memref_slice %arg12[%dma_wait3A_146, %dma_wait3A_149, %dma_wait3A_150] : memref<5x128x64xf32, #tpu.memory_space<vmem>> -> memref<1x128x64xf32, #tpu.memory_space<vmem>>
    %dma_wait3A_152 = tpu.memref_squeeze %dma_wait3A_151 : memref<1x128x64xf32, #tpu.memory_space<vmem>> -> memref<128x64xf32, #tpu.memory_space<vmem>>
    %dma_wait3A_153 = arith.constant 0 : i32
    %dma_wait3A_154 = tpu.memref_slice %arg11[%dma_wait3A_147, %dma_wait3A_153] : memref<160x128xi32, #tpu.memory_space<vmem>> -> memref<1x128xi32, #tpu.memory_space<vmem>>
    %dma_wait3A_155 = tpu.memref_squeeze %dma_wait3A_154 : memref<1x128xi32, #tpu.memory_space<vmem>> -> memref<128xi32, #tpu.memory_space<vmem>>
    %dma_wait3A_156 = arith.constant 0 : i32
    %dma_wait3A_157 = arith.constant 0 : i32
    %dma_wait3A_158 = tpu.memref_slice %arg15[%dma_wait3A_156, %dma_wait3A_157] : memref<10240x64xf32, #tpu.memory_space<vmem_shared>> -> memref<10240x64xf32, #tpu.memory_space<vmem_shared>>
    %dma_wait3A_159 = tpu.memref_slice %arg18[%dma_wait3A_148] : memref<5x!tpu.dma_semaphore, #tpu.memory_space<semaphore_mem>> -> memref<1x!tpu.dma_semaphore, #tpu.memory_space<semaphore_mem>>
    %dma_wait3A_160 = tpu.memref_squeeze %dma_wait3A_159 : memref<1x!tpu.dma_semaphore, #tpu.memory_space<semaphore_mem>> -> memref<!tpu.dma_semaphore, #tpu.memory_space<semaphore_mem>>
    tpu.wait_indirect_dma semaphore(%dma_wait3A_160 : memref<!tpu.dma_semaphore, #tpu.memory_space<semaphore_mem>>) src(%dma_wait3A_152 : memref<128x64xf32, #tpu.memory_space<vmem>>) dst(%dma_wait3A_158 : memref<10240x64xf32, #tpu.memory_space<vmem_shared>>)
    %dma_wait3A_161 = arith.constant 4 : i32
    %dma_wait3A_162 = arith.constant 0 : i32
    %dma_wait3A_163 = arith.constant 4 : i32
    %dma_wait3A_164 = arith.constant 0 : i32
    %dma_wait3A_165 = arith.constant 0 : i32
    %dma_wait3A_166 = tpu.memref_slice %arg12[%dma_wait3A_161, %dma_wait3A_164, %dma_wait3A_165] : memref<5x128x64xf32, #tpu.memory_space<vmem>> -> memref<1x128x64xf32, #tpu.memory_space<vmem>>
    %dma_wait3A_167 = tpu.memref_squeeze %dma_wait3A_166 : memref<1x128x64xf32, #tpu.memory_space<vmem>> -> memref<128x64xf32, #tpu.memory_space<vmem>>
    %dma_wait3A_168 = arith.constant 0 : i32
    %dma_wait3A_169 = tpu.memref_slice %arg11[%dma_wait3A_162, %dma_wait3A_168] : memref<160x128xi32, #tpu.memory_space<vmem>> -> memref<1x128xi32, #tpu.memory_space<vmem>>
    %dma_wait3A_170 = tpu.memref_squeeze %dma_wait3A_169 : memref<1x128xi32, #tpu.memory_space<vmem>> -> memref<128xi32, #tpu.memory_space<vmem>>
    %dma_wait3A_171 = arith.constant 0 : i32
    %dma_wait3A_172 = arith.constant 0 : i32
    %dma_wait3A_173 = tpu.memref_slice %arg15[%dma_wait3A_171, %dma_wait3A_172] : memref<10240x64xf32, #tpu.memory_space<vmem_shared>> -> memref<10240x64xf32, #tpu.memory_space<vmem_shared>>
    %dma_wait3A_174 = tpu.memref_slice %arg18[%dma_wait3A_163] : memref<5x!tpu.dma_semaphore, #tpu.memory_space<semaphore_mem>> -> memref<1x!tpu.dma_semaphore, #tpu.memory_space<semaphore_mem>>
    %dma_wait3A_175 = tpu.memref_squeeze %dma_wait3A_174 : memref<1x!tpu.dma_semaphore, #tpu.memory_space<semaphore_mem>> -> memref<!tpu.dma_semaphore, #tpu.memory_space<semaphore_mem>>
    tpu.wait_indirect_dma semaphore(%dma_wait3A_175 : memref<!tpu.dma_semaphore, #tpu.memory_space<semaphore_mem>>) src(%dma_wait3A_167 : memref<128x64xf32, #tpu.memory_space<vmem>>) dst(%dma_wait3A_173 : memref<10240x64xf32, #tpu.memory_space<vmem_shared>>)
    %scan3A_176 = arith.constant 0 : i32
    %scan3A_177 = arith.constant 0 : i32
    %scan3A_178 = arith.constant 80 : i32
    %scan3A_179 = arith.addi %scan3A_177, %scan3A_178 : i32
    %scan3A_180 = arith.constant 1 : i32
    scf.for %scan3A_223 = %scan3A_177 to %scan3A_179 step %scan3A_180  : i32 {
      %dma_wait3A_224 = arith.constant 0 : i32
      %dma_wait3A_225 = arith.constant 0 : i32
      %dma_wait3A_226 = tpu.memref_slice %arg11[%dma_wait3A_224, %dma_wait3A_225] : memref<160x128xi32, #tpu.memory_space<vmem>> -> memref<1x128xi32, #tpu.memory_space<vmem>>
      %dma_wait3A_227 = tpu.memref_squeeze %dma_wait3A_226 : memref<1x128xi32, #tpu.memory_space<vmem>> -> memref<128xi32, #tpu.memory_space<vmem>>
      %dma_wait3A_228 = arith.constant 0 : i32
      %dma_wait3A_229 = arith.constant 0 : i32
      %dma_wait3A_230 = tpu.memref_slice %arg16[%dma_wait3A_228, %dma_wait3A_229] : memref<10240x8xf32, #tpu.memory_space<vmem_shared>> -> memref<10240x8xf32, #tpu.memory_space<vmem_shared>>
      tpu.wait_indirect_dma semaphore(%arg19 : memref<!tpu.dma_semaphore, #tpu.memory_space<semaphore_mem>>) src(%arg13 : memref<128x8xf32, #tpu.memory_space<vmem>>) dst(%dma_wait3A_230 : memref<10240x8xf32, #tpu.memory_space<vmem_shared>>)
    }
    %scan3A_181 = arith.constant 80 : i32
    %barrier3A_182 = arith.constant 0 : index
    tpu.barrier barrier_id(%barrier3A_182)
    %mul3A_183 = arith.constant 640 : i32
    %mul3A_184 = arith.muli %arg1, %mul3A_183 : i32
    %add3A_185 = arith.constant 0 : i32
    %add3A_186 = arith.addi %mul3A_184, %add3A_185 : i32
    %run_scoped3A_187 = arith.constant 0 : i32
    "tpu.region"() ({
      %run_scoped3A_223 = tpu.sem_alloc : memref<!tpu.dma_semaphore, #tpu.memory_space<semaphore_mem>>
      %dma_start3A_224 = arith.constant 0 : i32
      %dma_start3A_225 = arith.constant 0 : i32
      %dma_start3A_226 = tpu.memref_slice %arg12[%run_scoped3A_187, %dma_start3A_224, %dma_start3A_225] : memref<5x128x64xf32, #tpu.memory_space<vmem>> -> memref<1x128x64xf32, #tpu.memory_space<vmem>>
      %dma_start3A_227 = tpu.memref_squeeze %dma_start3A_226 : memref<1x128x64xf32, #tpu.memory_space<vmem>> -> memref<128x64xf32, #tpu.memory_space<vmem>>
      %dma_start3A_228 = arith.constant 0 : i32
      %dma_start3A_229 = tpu.memref_slice %arg15[%add3A_186, %dma_start3A_228] : memref<10240x64xf32, #tpu.memory_space<vmem_shared>> -> memref<128x64xf32, #tpu.memory_space<vmem_shared>>
      %dma_start3A_230 = arith.constant 0 : i32
      %dma_start3A_231 = arith.constant 0 : i32
      %dma_start3A_232 = tpu.memref_slice %arg12[%run_scoped3A_187, %dma_start3A_230, %dma_start3A_231] : memref<5x128x64xf32, #tpu.memory_space<vmem>> -> memref<1x128x64xf32, #tpu.memory_space<vmem>>
      %dma_start3A_233 = tpu.memref_squeeze %dma_start3A_232 : memref<1x128x64xf32, #tpu.memory_space<vmem>> -> memref<128x64xf32, #tpu.memory_space<vmem>>
      %dma_start3A_234 = arith.constant 0 : i32
      %dma_start3A_235 = tpu.memref_slice %arg15[%add3A_186, %dma_start3A_234] : memref<10240x64xf32, #tpu.memory_space<vmem_shared>> -> memref<128x64xf32, #tpu.memory_space<vmem_shared>>
      tpu.enqueue_dma source(%dma_start3A_235 : memref<128x64xf32, #tpu.memory_space<vmem_shared>>) target(%dma_start3A_233 : memref<128x64xf32, #tpu.memory_space<vmem>>) target_semaphore(%run_scoped3A_223 : memref<!tpu.dma_semaphore, #tpu.memory_space<semaphore_mem>>)
      %dma_wait3A_236 = arith.constant 0 : i32
      %dma_wait3A_237 = arith.constant 0 : i32
      %dma_wait3A_238 = tpu.memref_slice %arg12[%run_scoped3A_187, %dma_wait3A_236, %dma_wait3A_237] : memref<5x128x64xf32, #tpu.memory_space<vmem>> -> memref<1x128x64xf32, #tpu.memory_space<vmem>>
      %dma_wait3A_239 = tpu.memref_squeeze %dma_wait3A_238 : memref<1x128x64xf32, #tpu.memory_space<vmem>> -> memref<128x64xf32, #tpu.memory_space<vmem>>
      %dma_wait3A_240 = arith.constant 0 : i32
      %dma_wait3A_241 = tpu.memref_slice %arg15[%add3A_186, %dma_wait3A_240] : memref<10240x64xf32, #tpu.memory_space<vmem_shared>> -> memref<128x64xf32, #tpu.memory_space<vmem_shared>>
      %dma_wait3A_242 = arith.constant 0 : i32
      %dma_wait3A_243 = arith.constant 0 : i32
      %dma_wait3A_244 = tpu.memref_slice %arg12[%run_scoped3A_187, %dma_wait3A_242, %dma_wait3A_243] : memref<5x128x64xf32, #tpu.memory_space<vmem>> -> memref<1x128x64xf32, #tpu.memory_space<vmem>>
      %dma_wait3A_245 = tpu.memref_squeeze %dma_wait3A_244 : memref<1x128x64xf32, #tpu.memory_space<vmem>> -> memref<128x64xf32, #tpu.memory_space<vmem>>
      %dma_wait3A_246 = arith.constant 0 : i32
      %dma_wait3A_247 = tpu.memref_slice %arg15[%add3A_186, %dma_wait3A_246] : memref<10240x64xf32, #tpu.memory_space<vmem_shared>> -> memref<128x64xf32, #tpu.memory_space<vmem_shared>>
      tpu.wait_dma2 semaphore(%run_scoped3A_223 : memref<!tpu.dma_semaphore, #tpu.memory_space<semaphore_mem>>) src(%dma_wait3A_247 : memref<128x64xf32, #tpu.memory_space<vmem_shared>>) dst(%dma_wait3A_245 : memref<128x64xf32, #tpu.memory_space<vmem>>)
      tpu.yield
    }) : () -> ()
    %mul3A_188 = arith.constant 64 : i32
    %mul3A_189 = arith.muli %arg0, %mul3A_188 : i32
    %run_scoped3A_190 = arith.constant 0 : i32
    "tpu.region"() ({
      %run_scoped3A_223 = tpu.sem_alloc : memref<!tpu.dma_semaphore, #tpu.memory_space<semaphore_mem>>
      %dma_start3A_224 = arith.constant 0 : i32
      %dma_start3A_225 = arith.constant 0 : i32
      %dma_start3A_226 = tpu.memref_slice %arg12[%run_scoped3A_190, %dma_start3A_224, %dma_start3A_225] : memref<5x128x64xf32, #tpu.memory_space<vmem>> -> memref<1x128x64xf32, #tpu.memory_space<vmem>>
      %dma_start3A_227 = tpu.memref_squeeze %dma_start3A_226 : memref<1x128x64xf32, #tpu.memory_space<vmem>> -> memref<128x64xf32, #tpu.memory_space<vmem>>
      %dma_start3A_228 = tpu.memref_slice %arg8[%add3A_186, %mul3A_189] : memref<10240x128xf32, #tpu.memory_space<hbm>> -> memref<128x64xf32, #tpu.memory_space<hbm>>
      %dma_start3A_229 = tpu.memref_slice %arg8[%add3A_186, %mul3A_189] : memref<10240x128xf32, #tpu.memory_space<hbm>> -> memref<128x64xf32, #tpu.memory_space<hbm>>
      %dma_start3A_230 = arith.constant 0 : i32
      %dma_start3A_231 = arith.constant 0 : i32
      %dma_start3A_232 = tpu.memref_slice %arg12[%run_scoped3A_190, %dma_start3A_230, %dma_start3A_231] : memref<5x128x64xf32, #tpu.memory_space<vmem>> -> memref<1x128x64xf32, #tpu.memory_space<vmem>>
      %dma_start3A_233 = tpu.memref_squeeze %dma_start3A_232 : memref<1x128x64xf32, #tpu.memory_space<vmem>> -> memref<128x64xf32, #tpu.memory_space<vmem>>
      tpu.enqueue_dma source(%dma_start3A_233 : memref<128x64xf32, #tpu.memory_space<vmem>>) target(%dma_start3A_229 : memref<128x64xf32, #tpu.memory_space<hbm>>) target_semaphore(%run_scoped3A_223 : memref<!tpu.dma_semaphore, #tpu.memory_space<semaphore_mem>>)
      %dma_wait3A_234 = arith.constant 0 : i32
      %dma_wait3A_235 = arith.constant 0 : i32
      %dma_wait3A_236 = tpu.memref_slice %arg12[%run_scoped3A_190, %dma_wait3A_234, %dma_wait3A_235] : memref<5x128x64xf32, #tpu.memory_space<vmem>> -> memref<1x128x64xf32, #tpu.memory_space<vmem>>
      %dma_wait3A_237 = tpu.memref_squeeze %dma_wait3A_236 : memref<1x128x64xf32, #tpu.memory_space<vmem>> -> memref<128x64xf32, #tpu.memory_space<vmem>>
      %dma_wait3A_238 = tpu.memref_slice %arg8[%add3A_186, %mul3A_189] : memref<10240x128xf32, #tpu.memory_space<hbm>> -> memref<128x64xf32, #tpu.memory_space<hbm>>
      %dma_wait3A_239 = tpu.memref_slice %arg8[%add3A_186, %mul3A_189] : memref<10240x128xf32, #tpu.memory_space<hbm>> -> memref<128x64xf32, #tpu.memory_space<hbm>>
      %dma_wait3A_240 = arith.constant 0 : i32
      %dma_wait3A_241 = arith.constant 0 : i32
      %dma_wait3A_242 = tpu.memref_slice %arg12[%run_scoped3A_190, %dma_wait3A_240, %dma_wait3A_241] : memref<5x128x64xf32, #tpu.memory_space<vmem>> -> memref<1x128x64xf32, #tpu.memory_space<vmem>>
      %dma_wait3A_243 = tpu.memref_squeeze %dma_wait3A_242 : memref<1x128x64xf32, #tpu.memory_space<vmem>> -> memref<128x64xf32, #tpu.memory_space<vmem>>
      tpu.wait_dma2 semaphore(%run_scoped3A_223 : memref<!tpu.dma_semaphore, #tpu.memory_space<semaphore_mem>>) src(%dma_wait3A_243 : memref<128x64xf32, #tpu.memory_space<vmem>>) dst(%dma_wait3A_239 : memref<128x64xf32, #tpu.memory_space<hbm>>)
      tpu.yield
    }) : () -> ()
    "tpu.region"() ({
      %run_scoped3A_223 = tpu.sem_alloc : memref<!tpu.dma_semaphore, #tpu.memory_space<semaphore_mem>>
      %dma_start3A_224 = arith.constant 0 : i32
      %dma_start3A_225 = tpu.memref_slice %arg16[%add3A_186, %dma_start3A_224] : memref<10240x8xf32, #tpu.memory_space<vmem_shared>> -> memref<128x8xf32, #tpu.memory_space<vmem_shared>>
      %dma_start3A_226 = arith.constant 0 : i32
      %dma_start3A_227 = tpu.memref_slice %arg16[%add3A_186, %dma_start3A_226] : memref<10240x8xf32, #tpu.memory_space<vmem_shared>> -> memref<128x8xf32, #tpu.memory_space<vmem_shared>>
      tpu.enqueue_dma source(%dma_start3A_227 : memref<128x8xf32, #tpu.memory_space<vmem_shared>>) target(%arg14 : memref<128x8xf32, #tpu.memory_space<vmem>>) target_semaphore(%run_scoped3A_223 : memref<!tpu.dma_semaphore, #tpu.memory_space<semaphore_mem>>)
      %dma_wait3A_228 = arith.constant 0 : i32
      %dma_wait3A_229 = tpu.memref_slice %arg16[%add3A_186, %dma_wait3A_228] : memref<10240x8xf32, #tpu.memory_space<vmem_shared>> -> memref<128x8xf32, #tpu.memory_space<vmem_shared>>
      %dma_wait3A_230 = arith.constant 0 : i32
      %dma_wait3A_231 = tpu.memref_slice %arg16[%add3A_186, %dma_wait3A_230] : memref<10240x8xf32, #tpu.memory_space<vmem_shared>> -> memref<128x8xf32, #tpu.memory_space<vmem_shared>>
      tpu.wait_dma2 semaphore(%run_scoped3A_223 : memref<!tpu.dma_semaphore, #tpu.memory_space<semaphore_mem>>) src(%dma_wait3A_231 : memref<128x8xf32, #tpu.memory_space<vmem_shared>>) dst(%arg14 : memref<128x8xf32, #tpu.memory_space<vmem>>)
      tpu.yield
    }) : () -> ()
    "tpu.region"() ({
      %run_scoped3A_223 = tpu.sem_alloc : memref<!tpu.dma_semaphore, #tpu.memory_space<semaphore_mem>>
      %dma_start3A_224 = arith.constant 0 : i32
      %dma_start3A_225 = tpu.memref_slice %arg9[%arg0, %add3A_186, %dma_start3A_224] : memref<2x10240x8xf32, #tpu.memory_space<hbm>> -> memref<1x128x8xf32, #tpu.memory_space<hbm>>
      %dma_start3A_226 = tpu.memref_squeeze %dma_start3A_225 : memref<1x128x8xf32, #tpu.memory_space<hbm>> -> memref<128x8xf32, #tpu.memory_space<hbm>>
      %dma_start3A_227 = arith.constant 0 : i32
      %dma_start3A_228 = tpu.memref_slice %arg9[%arg0, %add3A_186, %dma_start3A_227] : memref<2x10240x8xf32, #tpu.memory_space<hbm>> -> memref<1x128x8xf32, #tpu.memory_space<hbm>>
      %dma_start3A_229 = tpu.memref_squeeze %dma_start3A_228 : memref<1x128x8xf32, #tpu.memory_space<hbm>> -> memref<128x8xf32, #tpu.memory_space<hbm>>
      tpu.enqueue_dma source(%arg14 : memref<128x8xf32, #tpu.memory_space<vmem>>) target(%dma_start3A_229 : memref<128x8xf32, #tpu.memory_space<hbm>>) target_semaphore(%run_scoped3A_223 : memref<!tpu.dma_semaphore, #tpu.memory_space<semaphore_mem>>)
      %dma_wait3A_230 = arith.constant 0 : i32
      %dma_wait3A_231 = tpu.memref_slice %arg9[%arg0, %add3A_186, %dma_wait3A_230] : memref<2x10240x8xf32, #tpu.memory_space<hbm>> -> memref<1x128x8xf32, #tpu.memory_space<hbm>>
      %dma_wait3A_232 = tpu.memref_squeeze %dma_wait3A_231 : memref<1x128x8xf32, #tpu.memory_space<hbm>> -> memref<128x8xf32, #tpu.memory_space<hbm>>
      %dma_wait3A_233 = arith.constant 0 : i32
      %dma_wait3A_234 = tpu.memref_slice %arg9[%arg0, %add3A_186, %dma_wait3A_233] : memref<2x10240x8xf32, #tpu.memory_space<hbm>> -> memref<1x128x8xf32, #tpu.memory_space<hbm>>
      %dma_wait3A_235 = tpu.memref_squeeze %dma_wait3A_234 : memref<1x128x8xf32, #tpu.memory_space<hbm>> -> memref<128x8xf32, #tpu.memory_space<hbm>>
      tpu.wait_dma2 semaphore(%run_scoped3A_223 : memref<!tpu.dma_semaphore, #tpu.memory_space<semaphore_mem>>) src(%arg14 : memref<128x8xf32, #tpu.memory_space<vmem>>) dst(%dma_wait3A_235 : memref<128x8xf32, #tpu.memory_space<hbm>>)
      tpu.yield
    }) : () -> ()
    %mul3A_191 = arith.constant 640 : i32
    %mul3A_192 = arith.muli %arg1, %mul3A_191 : i32
    %add3A_193 = arith.constant 128 : i32
    %add3A_194 = arith.addi %mul3A_192, %add3A_193 : i32
    %run_scoped3A_195 = arith.constant 0 : i32
    "tpu.region"() ({
      %run_scoped3A_223 = tpu.sem_alloc : memref<!tpu.dma_semaphore, #tpu.memory_space<semaphore_mem>>
      %dma_start3A_224 = arith.constant 0 : i32
      %dma_start3A_225 = arith.constant 0 : i32
      %dma_start3A_226 = tpu.memref_slice %arg12[%run_scoped3A_195, %dma_start3A_224, %dma_start3A_225] : memref<5x128x64xf32, #tpu.memory_space<vmem>> -> memref<1x128x64xf32, #tpu.memory_space<vmem>>
      %dma_start3A_227 = tpu.memref_squeeze %dma_start3A_226 : memref<1x128x64xf32, #tpu.memory_space<vmem>> -> memref<128x64xf32, #tpu.memory_space<vmem>>
      %dma_start3A_228 = arith.constant 0 : i32
      %dma_start3A_229 = tpu.memref_slice %arg15[%add3A_194, %dma_start3A_228] : memref<10240x64xf32, #tpu.memory_space<vmem_shared>> -> memref<128x64xf32, #tpu.memory_space<vmem_shared>>
      %dma_start3A_230 = arith.constant 0 : i32
      %dma_start3A_231 = arith.constant 0 : i32
      %dma_start3A_232 = tpu.memref_slice %arg12[%run_scoped3A_195, %dma_start3A_230, %dma_start3A_231] : memref<5x128x64xf32, #tpu.memory_space<vmem>> -> memref<1x128x64xf32, #tpu.memory_space<vmem>>
      %dma_start3A_233 = tpu.memref_squeeze %dma_start3A_232 : memref<1x128x64xf32, #tpu.memory_space<vmem>> -> memref<128x64xf32, #tpu.memory_space<vmem>>
      %dma_start3A_234 = arith.constant 0 : i32
      %dma_start3A_235 = tpu.memref_slice %arg15[%add3A_194, %dma_start3A_234] : memref<10240x64xf32, #tpu.memory_space<vmem_shared>> -> memref<128x64xf32, #tpu.memory_space<vmem_shared>>
      tpu.enqueue_dma source(%dma_start3A_235 : memref<128x64xf32, #tpu.memory_space<vmem_shared>>) target(%dma_start3A_233 : memref<128x64xf32, #tpu.memory_space<vmem>>) target_semaphore(%run_scoped3A_223 : memref<!tpu.dma_semaphore, #tpu.memory_space<semaphore_mem>>)
      %dma_wait3A_236 = arith.constant 0 : i32
      %dma_wait3A_237 = arith.constant 0 : i32
      %dma_wait3A_238 = tpu.memref_slice %arg12[%run_scoped3A_195, %dma_wait3A_236, %dma_wait3A_237] : memref<5x128x64xf32, #tpu.memory_space<vmem>> -> memref<1x128x64xf32, #tpu.memory_space<vmem>>
      %dma_wait3A_239 = tpu.memref_squeeze %dma_wait3A_238 : memref<1x128x64xf32, #tpu.memory_space<vmem>> -> memref<128x64xf32, #tpu.memory_space<vmem>>
      %dma_wait3A_240 = arith.constant 0 : i32
      %dma_wait3A_241 = tpu.memref_slice %arg15[%add3A_194, %dma_wait3A_240] : memref<10240x64xf32, #tpu.memory_space<vmem_shared>> -> memref<128x64xf32, #tpu.memory_space<vmem_shared>>
      %dma_wait3A_242 = arith.constant 0 : i32
      %dma_wait3A_243 = arith.constant 0 : i32
      %dma_wait3A_244 = tpu.memref_slice %arg12[%run_scoped3A_195, %dma_wait3A_242, %dma_wait3A_243] : memref<5x128x64xf32, #tpu.memory_space<vmem>> -> memref<1x128x64xf32, #tpu.memory_space<vmem>>
      %dma_wait3A_245 = tpu.memref_squeeze %dma_wait3A_244 : memref<1x128x64xf32, #tpu.memory_space<vmem>> -> memref<128x64xf32, #tpu.memory_space<vmem>>
      %dma_wait3A_246 = arith.constant 0 : i32
      %dma_wait3A_247 = tpu.memref_slice %arg15[%add3A_194, %dma_wait3A_246] : memref<10240x64xf32, #tpu.memory_space<vmem_shared>> -> memref<128x64xf32, #tpu.memory_space<vmem_shared>>
      tpu.wait_dma2 semaphore(%run_scoped3A_223 : memref<!tpu.dma_semaphore, #tpu.memory_space<semaphore_mem>>) src(%dma_wait3A_247 : memref<128x64xf32, #tpu.memory_space<vmem_shared>>) dst(%dma_wait3A_245 : memref<128x64xf32, #tpu.memory_space<vmem>>)
      tpu.yield
    }) : () -> ()
    %mul3A_196 = arith.constant 64 : i32
    %mul3A_197 = arith.muli %arg0, %mul3A_196 : i32
    %run_scoped3A_198 = arith.constant 0 : i32
    "tpu.region"() ({
      %run_scoped3A_223 = tpu.sem_alloc : memref<!tpu.dma_semaphore, #tpu.memory_space<semaphore_mem>>
      %dma_start3A_224 = arith.constant 0 : i32
      %dma_start3A_225 = arith.constant 0 : i32
      %dma_start3A_226 = tpu.memref_slice %arg12[%run_scoped3A_198, %dma_start3A_224, %dma_start3A_225] : memref<5x128x64xf32, #tpu.memory_space<vmem>> -> memref<1x128x64xf32, #tpu.memory_space<vmem>>
      %dma_start3A_227 = tpu.memref_squeeze %dma_start3A_226 : memref<1x128x64xf32, #tpu.memory_space<vmem>> -> memref<128x64xf32, #tpu.memory_space<vmem>>
      %dma_start3A_228 = tpu.memref_slice %arg8[%add3A_194, %mul3A_197] : memref<10240x128xf32, #tpu.memory_space<hbm>> -> memref<128x64xf32, #tpu.memory_space<hbm>>
      %dma_start3A_229 = tpu.memref_slice %arg8[%add3A_194, %mul3A_197] : memref<10240x128xf32, #tpu.memory_space<hbm>> -> memref<128x64xf32, #tpu.memory_space<hbm>>
      %dma_start3A_230 = arith.constant 0 : i32
      %dma_start3A_231 = arith.constant 0 : i32
      %dma_start3A_232 = tpu.memref_slice %arg12[%run_scoped3A_198, %dma_start3A_230, %dma_start3A_231] : memref<5x128x64xf32, #tpu.memory_space<vmem>> -> memref<1x128x64xf32, #tpu.memory_space<vmem>>
      %dma_start3A_233 = tpu.memref_squeeze %dma_start3A_232 : memref<1x128x64xf32, #tpu.memory_space<vmem>> -> memref<128x64xf32, #tpu.memory_space<vmem>>
      tpu.enqueue_dma source(%dma_start3A_233 : memref<128x64xf32, #tpu.memory_space<vmem>>) target(%dma_start3A_229 : memref<128x64xf32, #tpu.memory_space<hbm>>) target_semaphore(%run_scoped3A_223 : memref<!tpu.dma_semaphore, #tpu.memory_space<semaphore_mem>>)
      %dma_wait3A_234 = arith.constant 0 : i32
      %dma_wait3A_235 = arith.constant 0 : i32
      %dma_wait3A_236 = tpu.memref_slice %arg12[%run_scoped3A_198, %dma_wait3A_234, %dma_wait3A_235] : memref<5x128x64xf32, #tpu.memory_space<vmem>> -> memref<1x128x64xf32, #tpu.memory_space<vmem>>
      %dma_wait3A_237 = tpu.memref_squeeze %dma_wait3A_236 : memref<1x128x64xf32, #tpu.memory_space<vmem>> -> memref<128x64xf32, #tpu.memory_space<vmem>>
      %dma_wait3A_238 = tpu.memref_slice %arg8[%add3A_194, %mul3A_197] : memref<10240x128xf32, #tpu.memory_space<hbm>> -> memref<128x64xf32, #tpu.memory_space<hbm>>
      %dma_wait3A_239 = tpu.memref_slice %arg8[%add3A_194, %mul3A_197] : memref<10240x128xf32, #tpu.memory_space<hbm>> -> memref<128x64xf32, #tpu.memory_space<hbm>>
      %dma_wait3A_240 = arith.constant 0 : i32
      %dma_wait3A_241 = arith.constant 0 : i32
      %dma_wait3A_242 = tpu.memref_slice %arg12[%run_scoped3A_198, %dma_wait3A_240, %dma_wait3A_241] : memref<5x128x64xf32, #tpu.memory_space<vmem>> -> memref<1x128x64xf32, #tpu.memory_space<vmem>>
      %dma_wait3A_243 = tpu.memref_squeeze %dma_wait3A_242 : memref<1x128x64xf32, #tpu.memory_space<vmem>> -> memref<128x64xf32, #tpu.memory_space<vmem>>
      tpu.wait_dma2 semaphore(%run_scoped3A_223 : memref<!tpu.dma_semaphore, #tpu.memory_space<semaphore_mem>>) src(%dma_wait3A_243 : memref<128x64xf32, #tpu.memory_space<vmem>>) dst(%dma_wait3A_239 : memref<128x64xf32, #tpu.memory_space<hbm>>)
      tpu.yield
    }) : () -> ()
    "tpu.region"() ({
      %run_scoped3A_223 = tpu.sem_alloc : memref<!tpu.dma_semaphore, #tpu.memory_space<semaphore_mem>>
      %dma_start3A_224 = arith.constant 0 : i32
      %dma_start3A_225 = tpu.memref_slice %arg16[%add3A_194, %dma_start3A_224] : memref<10240x8xf32, #tpu.memory_space<vmem_shared>> -> memref<128x8xf32, #tpu.memory_space<vmem_shared>>
      %dma_start3A_226 = arith.constant 0 : i32
      %dma_start3A_227 = tpu.memref_slice %arg16[%add3A_194, %dma_start3A_226] : memref<10240x8xf32, #tpu.memory_space<vmem_shared>> -> memref<128x8xf32, #tpu.memory_space<vmem_shared>>
      tpu.enqueue_dma source(%dma_start3A_227 : memref<128x8xf32, #tpu.memory_space<vmem_shared>>) target(%arg14 : memref<128x8xf32, #tpu.memory_space<vmem>>) target_semaphore(%run_scoped3A_223 : memref<!tpu.dma_semaphore, #tpu.memory_space<semaphore_mem>>)
      %dma_wait3A_228 = arith.constant 0 : i32
      %dma_wait3A_229 = tpu.memref_slice %arg16[%add3A_194, %dma_wait3A_228] : memref<10240x8xf32, #tpu.memory_space<vmem_shared>> -> memref<128x8xf32, #tpu.memory_space<vmem_shared>>
      %dma_wait3A_230 = arith.constant 0 : i32
      %dma_wait3A_231 = tpu.memref_slice %arg16[%add3A_194, %dma_wait3A_230] : memref<10240x8xf32, #tpu.memory_space<vmem_shared>> -> memref<128x8xf32, #tpu.memory_space<vmem_shared>>
      tpu.wait_dma2 semaphore(%run_scoped3A_223 : memref<!tpu.dma_semaphore, #tpu.memory_space<semaphore_mem>>) src(%dma_wait3A_231 : memref<128x8xf32, #tpu.memory_space<vmem_shared>>) dst(%arg14 : memref<128x8xf32, #tpu.memory_space<vmem>>)
      tpu.yield
    }) : () -> ()
    "tpu.region"() ({
      %run_scoped3A_223 = tpu.sem_alloc : memref<!tpu.dma_semaphore, #tpu.memory_space<semaphore_mem>>
      %dma_start3A_224 = arith.constant 0 : i32
      %dma_start3A_225 = tpu.memref_slice %arg9[%arg0, %add3A_194, %dma_start3A_224] : memref<2x10240x8xf32, #tpu.memory_space<hbm>> -> memref<1x128x8xf32, #tpu.memory_space<hbm>>
      %dma_start3A_226 = tpu.memref_squeeze %dma_start3A_225 : memref<1x128x8xf32, #tpu.memory_space<hbm>> -> memref<128x8xf32, #tpu.memory_space<hbm>>
      %dma_start3A_227 = arith.constant 0 : i32
      %dma_start3A_228 = tpu.memref_slice %arg9[%arg0, %add3A_194, %dma_start3A_227] : memref<2x10240x8xf32, #tpu.memory_space<hbm>> -> memref<1x128x8xf32, #tpu.memory_space<hbm>>
      %dma_start3A_229 = tpu.memref_squeeze %dma_start3A_228 : memref<1x128x8xf32, #tpu.memory_space<hbm>> -> memref<128x8xf32, #tpu.memory_space<hbm>>
      tpu.enqueue_dma source(%arg14 : memref<128x8xf32, #tpu.memory_space<vmem>>) target(%dma_start3A_229 : memref<128x8xf32, #tpu.memory_space<hbm>>) target_semaphore(%run_scoped3A_223 : memref<!tpu.dma_semaphore, #tpu.memory_space<semaphore_mem>>)
      %dma_wait3A_230 = arith.constant 0 : i32
      %dma_wait3A_231 = tpu.memref_slice %arg9[%arg0, %add3A_194, %dma_wait3A_230] : memref<2x10240x8xf32, #tpu.memory_space<hbm>> -> memref<1x128x8xf32, #tpu.memory_space<hbm>>
      %dma_wait3A_232 = tpu.memref_squeeze %dma_wait3A_231 : memref<1x128x8xf32, #tpu.memory_space<hbm>> -> memref<128x8xf32, #tpu.memory_space<hbm>>
      %dma_wait3A_233 = arith.constant 0 : i32
      %dma_wait3A_234 = tpu.memref_slice %arg9[%arg0, %add3A_194, %dma_wait3A_233] : memref<2x10240x8xf32, #tpu.memory_space<hbm>> -> memref<1x128x8xf32, #tpu.memory_space<hbm>>
      %dma_wait3A_235 = tpu.memref_squeeze %dma_wait3A_234 : memref<1x128x8xf32, #tpu.memory_space<hbm>> -> memref<128x8xf32, #tpu.memory_space<hbm>>
      tpu.wait_dma2 semaphore(%run_scoped3A_223 : memref<!tpu.dma_semaphore, #tpu.memory_space<semaphore_mem>>) src(%arg14 : memref<128x8xf32, #tpu.memory_space<vmem>>) dst(%dma_wait3A_235 : memref<128x8xf32, #tpu.memory_space<hbm>>)
      tpu.yield
    }) : () -> ()
    %mul3A_199 = arith.constant 640 : i32
    %mul3A_200 = arith.muli %arg1, %mul3A_199 : i32
    %add3A_201 = arith.constant 256 : i32
    %add3A_202 = arith.addi %mul3A_200, %add3A_201 : i32
    %run_scoped3A_203 = arith.constant 0 : i32
    "tpu.region"() ({
      %run_scoped3A_223 = tpu.sem_alloc : memref<!tpu.dma_semaphore, #tpu.memory_space<semaphore_mem>>
      %dma_start3A_224 = arith.constant 0 : i32
      %dma_start3A_225 = arith.constant 0 : i32
      %dma_start3A_226 = tpu.memref_slice %arg12[%run_scoped3A_203, %dma_start3A_224, %dma_start3A_225] : memref<5x128x64xf32, #tpu.memory_space<vmem>> -> memref<1x128x64xf32, #tpu.memory_space<vmem>>
      %dma_start3A_227 = tpu.memref_squeeze %dma_start3A_226 : memref<1x128x64xf32, #tpu.memory_space<vmem>> -> memref<128x64xf32, #tpu.memory_space<vmem>>
      %dma_start3A_228 = arith.constant 0 : i32
      %dma_start3A_229 = tpu.memref_slice %arg15[%add3A_202, %dma_start3A_228] : memref<10240x64xf32, #tpu.memory_space<vmem_shared>> -> memref<128x64xf32, #tpu.memory_space<vmem_shared>>
      %dma_start3A_230 = arith.constant 0 : i32
      %dma_start3A_231 = arith.constant 0 : i32
      %dma_start3A_232 = tpu.memref_slice %arg12[%run_scoped3A_203, %dma_start3A_230, %dma_start3A_231] : memref<5x128x64xf32, #tpu.memory_space<vmem>> -> memref<1x128x64xf32, #tpu.memory_space<vmem>>
      %dma_start3A_233 = tpu.memref_squeeze %dma_start3A_232 : memref<1x128x64xf32, #tpu.memory_space<vmem>> -> memref<128x64xf32, #tpu.memory_space<vmem>>
      %dma_start3A_234 = arith.constant 0 : i32
      %dma_start3A_235 = tpu.memref_slice %arg15[%add3A_202, %dma_start3A_234] : memref<10240x64xf32, #tpu.memory_space<vmem_shared>> -> memref<128x64xf32, #tpu.memory_space<vmem_shared>>
      tpu.enqueue_dma source(%dma_start3A_235 : memref<128x64xf32, #tpu.memory_space<vmem_shared>>) target(%dma_start3A_233 : memref<128x64xf32, #tpu.memory_space<vmem>>) target_semaphore(%run_scoped3A_223 : memref<!tpu.dma_semaphore, #tpu.memory_space<semaphore_mem>>)
      %dma_wait3A_236 = arith.constant 0 : i32
      %dma_wait3A_237 = arith.constant 0 : i32
      %dma_wait3A_238 = tpu.memref_slice %arg12[%run_scoped3A_203, %dma_wait3A_236, %dma_wait3A_237] : memref<5x128x64xf32, #tpu.memory_space<vmem>> -> memref<1x128x64xf32, #tpu.memory_space<vmem>>
      %dma_wait3A_239 = tpu.memref_squeeze %dma_wait3A_238 : memref<1x128x64xf32, #tpu.memory_space<vmem>> -> memref<128x64xf32, #tpu.memory_space<vmem>>
      %dma_wait3A_240 = arith.constant 0 : i32
      %dma_wait3A_241 = tpu.memref_slice %arg15[%add3A_202, %dma_wait3A_240] : memref<10240x64xf32, #tpu.memory_space<vmem_shared>> -> memref<128x64xf32, #tpu.memory_space<vmem_shared>>
      %dma_wait3A_242 = arith.constant 0 : i32
      %dma_wait3A_243 = arith.constant 0 : i32
      %dma_wait3A_244 = tpu.memref_slice %arg12[%run_scoped3A_203, %dma_wait3A_242, %dma_wait3A_243] : memref<5x128x64xf32, #tpu.memory_space<vmem>> -> memref<1x128x64xf32, #tpu.memory_space<vmem>>
      %dma_wait3A_245 = tpu.memref_squeeze %dma_wait3A_244 : memref<1x128x64xf32, #tpu.memory_space<vmem>> -> memref<128x64xf32, #tpu.memory_space<vmem>>
      %dma_wait3A_246 = arith.constant 0 : i32
      %dma_wait3A_247 = tpu.memref_slice %arg15[%add3A_202, %dma_wait3A_246] : memref<10240x64xf32, #tpu.memory_space<vmem_shared>> -> memref<128x64xf32, #tpu.memory_space<vmem_shared>>
      tpu.wait_dma2 semaphore(%run_scoped3A_223 : memref<!tpu.dma_semaphore, #tpu.memory_space<semaphore_mem>>) src(%dma_wait3A_247 : memref<128x64xf32, #tpu.memory_space<vmem_shared>>) dst(%dma_wait3A_245 : memref<128x64xf32, #tpu.memory_space<vmem>>)
      tpu.yield
    }) : () -> ()
    %mul3A_204 = arith.constant 64 : i32
    %mul3A_205 = arith.muli %arg0, %mul3A_204 : i32
    %run_scoped3A_206 = arith.constant 0 : i32
    "tpu.region"() ({
      %run_scoped3A_223 = tpu.sem_alloc : memref<!tpu.dma_semaphore, #tpu.memory_space<semaphore_mem>>
      %dma_start3A_224 = arith.constant 0 : i32
      %dma_start3A_225 = arith.constant 0 : i32
      %dma_start3A_226 = tpu.memref_slice %arg12[%run_scoped3A_206, %dma_start3A_224, %dma_start3A_225] : memref<5x128x64xf32, #tpu.memory_space<vmem>> -> memref<1x128x64xf32, #tpu.memory_space<vmem>>
      %dma_start3A_227 = tpu.memref_squeeze %dma_start3A_226 : memref<1x128x64xf32, #tpu.memory_space<vmem>> -> memref<128x64xf32, #tpu.memory_space<vmem>>
      %dma_start3A_228 = tpu.memref_slice %arg8[%add3A_202, %mul3A_205] : memref<10240x128xf32, #tpu.memory_space<hbm>> -> memref<128x64xf32, #tpu.memory_space<hbm>>
      %dma_start3A_229 = tpu.memref_slice %arg8[%add3A_202, %mul3A_205] : memref<10240x128xf32, #tpu.memory_space<hbm>> -> memref<128x64xf32, #tpu.memory_space<hbm>>
      %dma_start3A_230 = arith.constant 0 : i32
      %dma_start3A_231 = arith.constant 0 : i32
      %dma_start3A_232 = tpu.memref_slice %arg12[%run_scoped3A_206, %dma_start3A_230, %dma_start3A_231] : memref<5x128x64xf32, #tpu.memory_space<vmem>> -> memref<1x128x64xf32, #tpu.memory_space<vmem>>
      %dma_start3A_233 = tpu.memref_squeeze %dma_start3A_232 : memref<1x128x64xf32, #tpu.memory_space<vmem>> -> memref<128x64xf32, #tpu.memory_space<vmem>>
      tpu.enqueue_dma source(%dma_start3A_233 : memref<128x64xf32, #tpu.memory_space<vmem>>) target(%dma_start3A_229 : memref<128x64xf32, #tpu.memory_space<hbm>>) target_semaphore(%run_scoped3A_223 : memref<!tpu.dma_semaphore, #tpu.memory_space<semaphore_mem>>)
      %dma_wait3A_234 = arith.constant 0 : i32
      %dma_wait3A_235 = arith.constant 0 : i32
      %dma_wait3A_236 = tpu.memref_slice %arg12[%run_scoped3A_206, %dma_wait3A_234, %dma_wait3A_235] : memref<5x128x64xf32, #tpu.memory_space<vmem>> -> memref<1x128x64xf32, #tpu.memory_space<vmem>>
      %dma_wait3A_237 = tpu.memref_squeeze %dma_wait3A_236 : memref<1x128x64xf32, #tpu.memory_space<vmem>> -> memref<128x64xf32, #tpu.memory_space<vmem>>
      %dma_wait3A_238 = tpu.memref_slice %arg8[%add3A_202, %mul3A_205] : memref<10240x128xf32, #tpu.memory_space<hbm>> -> memref<128x64xf32, #tpu.memory_space<hbm>>
      %dma_wait3A_239 = tpu.memref_slice %arg8[%add3A_202, %mul3A_205] : memref<10240x128xf32, #tpu.memory_space<hbm>> -> memref<128x64xf32, #tpu.memory_space<hbm>>
      %dma_wait3A_240 = arith.constant 0 : i32
      %dma_wait3A_241 = arith.constant 0 : i32
      %dma_wait3A_242 = tpu.memref_slice %arg12[%run_scoped3A_206, %dma_wait3A_240, %dma_wait3A_241] : memref<5x128x64xf32, #tpu.memory_space<vmem>> -> memref<1x128x64xf32, #tpu.memory_space<vmem>>
      %dma_wait3A_243 = tpu.memref_squeeze %dma_wait3A_242 : memref<1x128x64xf32, #tpu.memory_space<vmem>> -> memref<128x64xf32, #tpu.memory_space<vmem>>
      tpu.wait_dma2 semaphore(%run_scoped3A_223 : memref<!tpu.dma_semaphore, #tpu.memory_space<semaphore_mem>>) src(%dma_wait3A_243 : memref<128x64xf32, #tpu.memory_space<vmem>>) dst(%dma_wait3A_239 : memref<128x64xf32, #tpu.memory_space<hbm>>)
      tpu.yield
    }) : () -> ()
    "tpu.region"() ({
      %run_scoped3A_223 = tpu.sem_alloc : memref<!tpu.dma_semaphore, #tpu.memory_space<semaphore_mem>>
      %dma_start3A_224 = arith.constant 0 : i32
      %dma_start3A_225 = tpu.memref_slice %arg16[%add3A_202, %dma_start3A_224] : memref<10240x8xf32, #tpu.memory_space<vmem_shared>> -> memref<128x8xf32, #tpu.memory_space<vmem_shared>>
      %dma_start3A_226 = arith.constant 0 : i32
      %dma_start3A_227 = tpu.memref_slice %arg16[%add3A_202, %dma_start3A_226] : memref<10240x8xf32, #tpu.memory_space<vmem_shared>> -> memref<128x8xf32, #tpu.memory_space<vmem_shared>>
      tpu.enqueue_dma source(%dma_start3A_227 : memref<128x8xf32, #tpu.memory_space<vmem_shared>>) target(%arg14 : memref<128x8xf32, #tpu.memory_space<vmem>>) target_semaphore(%run_scoped3A_223 : memref<!tpu.dma_semaphore, #tpu.memory_space<semaphore_mem>>)
      %dma_wait3A_228 = arith.constant 0 : i32
      %dma_wait3A_229 = tpu.memref_slice %arg16[%add3A_202, %dma_wait3A_228] : memref<10240x8xf32, #tpu.memory_space<vmem_shared>> -> memref<128x8xf32, #tpu.memory_space<vmem_shared>>
      %dma_wait3A_230 = arith.constant 0 : i32
      %dma_wait3A_231 = tpu.memref_slice %arg16[%add3A_202, %dma_wait3A_230] : memref<10240x8xf32, #tpu.memory_space<vmem_shared>> -> memref<128x8xf32, #tpu.memory_space<vmem_shared>>
      tpu.wait_dma2 semaphore(%run_scoped3A_223 : memref<!tpu.dma_semaphore, #tpu.memory_space<semaphore_mem>>) src(%dma_wait3A_231 : memref<128x8xf32, #tpu.memory_space<vmem_shared>>) dst(%arg14 : memref<128x8xf32, #tpu.memory_space<vmem>>)
      tpu.yield
    }) : () -> ()
    "tpu.region"() ({
      %run_scoped3A_223 = tpu.sem_alloc : memref<!tpu.dma_semaphore, #tpu.memory_space<semaphore_mem>>
      %dma_start3A_224 = arith.constant 0 : i32
      %dma_start3A_225 = tpu.memref_slice %arg9[%arg0, %add3A_202, %dma_start3A_224] : memref<2x10240x8xf32, #tpu.memory_space<hbm>> -> memref<1x128x8xf32, #tpu.memory_space<hbm>>
      %dma_start3A_226 = tpu.memref_squeeze %dma_start3A_225 : memref<1x128x8xf32, #tpu.memory_space<hbm>> -> memref<128x8xf32, #tpu.memory_space<hbm>>
      %dma_start3A_227 = arith.constant 0 : i32
      %dma_start3A_228 = tpu.memref_slice %arg9[%arg0, %add3A_202, %dma_start3A_227] : memref<2x10240x8xf32, #tpu.memory_space<hbm>> -> memref<1x128x8xf32, #tpu.memory_space<hbm>>
      %dma_start3A_229 = tpu.memref_squeeze %dma_start3A_228 : memref<1x128x8xf32, #tpu.memory_space<hbm>> -> memref<128x8xf32, #tpu.memory_space<hbm>>
      tpu.enqueue_dma source(%arg14 : memref<128x8xf32, #tpu.memory_space<vmem>>) target(%dma_start3A_229 : memref<128x8xf32, #tpu.memory_space<hbm>>) target_semaphore(%run_scoped3A_223 : memref<!tpu.dma_semaphore, #tpu.memory_space<semaphore_mem>>)
      %dma_wait3A_230 = arith.constant 0 : i32
      %dma_wait3A_231 = tpu.memref_slice %arg9[%arg0, %add3A_202, %dma_wait3A_230] : memref<2x10240x8xf32, #tpu.memory_space<hbm>> -> memref<1x128x8xf32, #tpu.memory_space<hbm>>
      %dma_wait3A_232 = tpu.memref_squeeze %dma_wait3A_231 : memref<1x128x8xf32, #tpu.memory_space<hbm>> -> memref<128x8xf32, #tpu.memory_space<hbm>>
      %dma_wait3A_233 = arith.constant 0 : i32
      %dma_wait3A_234 = tpu.memref_slice %arg9[%arg0, %add3A_202, %dma_wait3A_233] : memref<2x10240x8xf32, #tpu.memory_space<hbm>> -> memref<1x128x8xf32, #tpu.memory_space<hbm>>
      %dma_wait3A_235 = tpu.memref_squeeze %dma_wait3A_234 : memref<1x128x8xf32, #tpu.memory_space<hbm>> -> memref<128x8xf32, #tpu.memory_space<hbm>>
      tpu.wait_dma2 semaphore(%run_scoped3A_223 : memref<!tpu.dma_semaphore, #tpu.memory_space<semaphore_mem>>) src(%arg14 : memref<128x8xf32, #tpu.memory_space<vmem>>) dst(%dma_wait3A_235 : memref<128x8xf32, #tpu.memory_space<hbm>>)
      tpu.yield
    }) : () -> ()
    %mul3A_207 = arith.constant 640 : i32
    %mul3A_208 = arith.muli %arg1, %mul3A_207 : i32
    %add3A_209 = arith.constant 384 : i32
    %add3A_210 = arith.addi %mul3A_208, %add3A_209 : i32
    %run_scoped3A_211 = arith.constant 0 : i32
    "tpu.region"() ({
      %run_scoped3A_223 = tpu.sem_alloc : memref<!tpu.dma_semaphore, #tpu.memory_space<semaphore_mem>>
      %dma_start3A_224 = arith.constant 0 : i32
      %dma_start3A_225 = arith.constant 0 : i32
      %dma_start3A_226 = tpu.memref_slice %arg12[%run_scoped3A_211, %dma_start3A_224, %dma_start3A_225] : memref<5x128x64xf32, #tpu.memory_space<vmem>> -> memref<1x128x64xf32, #tpu.memory_space<vmem>>
      %dma_start3A_227 = tpu.memref_squeeze %dma_start3A_226 : memref<1x128x64xf32, #tpu.memory_space<vmem>> -> memref<128x64xf32, #tpu.memory_space<vmem>>
      %dma_start3A_228 = arith.constant 0 : i32
      %dma_start3A_229 = tpu.memref_slice %arg15[%add3A_210, %dma_start3A_228] : memref<10240x64xf32, #tpu.memory_space<vmem_shared>> -> memref<128x64xf32, #tpu.memory_space<vmem_shared>>
      %dma_start3A_230 = arith.constant 0 : i32
      %dma_start3A_231 = arith.constant 0 : i32
      %dma_start3A_232 = tpu.memref_slice %arg12[%run_scoped3A_211, %dma_start3A_230, %dma_start3A_231] : memref<5x128x64xf32, #tpu.memory_space<vmem>> -> memref<1x128x64xf32, #tpu.memory_space<vmem>>
      %dma_start3A_233 = tpu.memref_squeeze %dma_start3A_232 : memref<1x128x64xf32, #tpu.memory_space<vmem>> -> memref<128x64xf32, #tpu.memory_space<vmem>>
      %dma_start3A_234 = arith.constant 0 : i32
      %dma_start3A_235 = tpu.memref_slice %arg15[%add3A_210, %dma_start3A_234] : memref<10240x64xf32, #tpu.memory_space<vmem_shared>> -> memref<128x64xf32, #tpu.memory_space<vmem_shared>>
      tpu.enqueue_dma source(%dma_start3A_235 : memref<128x64xf32, #tpu.memory_space<vmem_shared>>) target(%dma_start3A_233 : memref<128x64xf32, #tpu.memory_space<vmem>>) target_semaphore(%run_scoped3A_223 : memref<!tpu.dma_semaphore, #tpu.memory_space<semaphore_mem>>)
      %dma_wait3A_236 = arith.constant 0 : i32
      %dma_wait3A_237 = arith.constant 0 : i32
      %dma_wait3A_238 = tpu.memref_slice %arg12[%run_scoped3A_211, %dma_wait3A_236, %dma_wait3A_237] : memref<5x128x64xf32, #tpu.memory_space<vmem>> -> memref<1x128x64xf32, #tpu.memory_space<vmem>>
      %dma_wait3A_239 = tpu.memref_squeeze %dma_wait3A_238 : memref<1x128x64xf32, #tpu.memory_space<vmem>> -> memref<128x64xf32, #tpu.memory_space<vmem>>
      %dma_wait3A_240 = arith.constant 0 : i32
      %dma_wait3A_241 = tpu.memref_slice %arg15[%add3A_210, %dma_wait3A_240] : memref<10240x64xf32, #tpu.memory_space<vmem_shared>> -> memref<128x64xf32, #tpu.memory_space<vmem_shared>>
      %dma_wait3A_242 = arith.constant 0 : i32
      %dma_wait3A_243 = arith.constant 0 : i32
      %dma_wait3A_244 = tpu.memref_slice %arg12[%run_scoped3A_211, %dma_wait3A_242, %dma_wait3A_243] : memref<5x128x64xf32, #tpu.memory_space<vmem>> -> memref<1x128x64xf32, #tpu.memory_space<vmem>>
      %dma_wait3A_245 = tpu.memref_squeeze %dma_wait3A_244 : memref<1x128x64xf32, #tpu.memory_space<vmem>> -> memref<128x64xf32, #tpu.memory_space<vmem>>
      %dma_wait3A_246 = arith.constant 0 : i32
      %dma_wait3A_247 = tpu.memref_slice %arg15[%add3A_210, %dma_wait3A_246] : memref<10240x64xf32, #tpu.memory_space<vmem_shared>> -> memref<128x64xf32, #tpu.memory_space<vmem_shared>>
      tpu.wait_dma2 semaphore(%run_scoped3A_223 : memref<!tpu.dma_semaphore, #tpu.memory_space<semaphore_mem>>) src(%dma_wait3A_247 : memref<128x64xf32, #tpu.memory_space<vmem_shared>>) dst(%dma_wait3A_245 : memref<128x64xf32, #tpu.memory_space<vmem>>)
      tpu.yield
    }) : () -> ()
    %mul3A_212 = arith.constant 64 : i32
    %mul3A_213 = arith.muli %arg0, %mul3A_212 : i32
    %run_scoped3A_214 = arith.constant 0 : i32
    "tpu.region"() ({
      %run_scoped3A_223 = tpu.sem_alloc : memref<!tpu.dma_semaphore, #tpu.memory_space<semaphore_mem>>
      %dma_start3A_224 = arith.constant 0 : i32
      %dma_start3A_225 = arith.constant 0 : i32
      %dma_start3A_226 = tpu.memref_slice %arg12[%run_scoped3A_214, %dma_start3A_224, %dma_start3A_225] : memref<5x128x64xf32, #tpu.memory_space<vmem>> -> memref<1x128x64xf32, #tpu.memory_space<vmem>>
      %dma_start3A_227 = tpu.memref_squeeze %dma_start3A_226 : memref<1x128x64xf32, #tpu.memory_space<vmem>> -> memref<128x64xf32, #tpu.memory_space<vmem>>
      %dma_start3A_228 = tpu.memref_slice %arg8[%add3A_210, %mul3A_213] : memref<10240x128xf32, #tpu.memory_space<hbm>> -> memref<128x64xf32, #tpu.memory_space<hbm>>
      %dma_start3A_229 = tpu.memref_slice %arg8[%add3A_210, %mul3A_213] : memref<10240x128xf32, #tpu.memory_space<hbm>> -> memref<128x64xf32, #tpu.memory_space<hbm>>
      %dma_start3A_230 = arith.constant 0 : i32
      %dma_start3A_231 = arith.constant 0 : i32
      %dma_start3A_232 = tpu.memref_slice %arg12[%run_scoped3A_214, %dma_start3A_230, %dma_start3A_231] : memref<5x128x64xf32, #tpu.memory_space<vmem>> -> memref<1x128x64xf32, #tpu.memory_space<vmem>>
      %dma_start3A_233 = tpu.memref_squeeze %dma_start3A_232 : memref<1x128x64xf32, #tpu.memory_space<vmem>> -> memref<128x64xf32, #tpu.memory_space<vmem>>
      tpu.enqueue_dma source(%dma_start3A_233 : memref<128x64xf32, #tpu.memory_space<vmem>>) target(%dma_start3A_229 : memref<128x64xf32, #tpu.memory_space<hbm>>) target_semaphore(%run_scoped3A_223 : memref<!tpu.dma_semaphore, #tpu.memory_space<semaphore_mem>>)
      %dma_wait3A_234 = arith.constant 0 : i32
      %dma_wait3A_235 = arith.constant 0 : i32
      %dma_wait3A_236 = tpu.memref_slice %arg12[%run_scoped3A_214, %dma_wait3A_234, %dma_wait3A_235] : memref<5x128x64xf32, #tpu.memory_space<vmem>> -> memref<1x128x64xf32, #tpu.memory_space<vmem>>
      %dma_wait3A_237 = tpu.memref_squeeze %dma_wait3A_236 : memref<1x128x64xf32, #tpu.memory_space<vmem>> -> memref<128x64xf32, #tpu.memory_space<vmem>>
      %dma_wait3A_238 = tpu.memref_slice %arg8[%add3A_210, %mul3A_213] : memref<10240x128xf32, #tpu.memory_space<hbm>> -> memref<128x64xf32, #tpu.memory_space<hbm>>
      %dma_wait3A_239 = tpu.memref_slice %arg8[%add3A_210, %mul3A_213] : memref<10240x128xf32, #tpu.memory_space<hbm>> -> memref<128x64xf32, #tpu.memory_space<hbm>>
      %dma_wait3A_240 = arith.constant 0 : i32
      %dma_wait3A_241 = arith.constant 0 : i32
      %dma_wait3A_242 = tpu.memref_slice %arg12[%run_scoped3A_214, %dma_wait3A_240, %dma_wait3A_241] : memref<5x128x64xf32, #tpu.memory_space<vmem>> -> memref<1x128x64xf32, #tpu.memory_space<vmem>>
      %dma_wait3A_243 = tpu.memref_squeeze %dma_wait3A_242 : memref<1x128x64xf32, #tpu.memory_space<vmem>> -> memref<128x64xf32, #tpu.memory_space<vmem>>
      tpu.wait_dma2 semaphore(%run_scoped3A_223 : memref<!tpu.dma_semaphore, #tpu.memory_space<semaphore_mem>>) src(%dma_wait3A_243 : memref<128x64xf32, #tpu.memory_space<vmem>>) dst(%dma_wait3A_239 : memref<128x64xf32, #tpu.memory_space<hbm>>)
      tpu.yield
    }) : () -> ()
    "tpu.region"() ({
      %run_scoped3A_223 = tpu.sem_alloc : memref<!tpu.dma_semaphore, #tpu.memory_space<semaphore_mem>>
      %dma_start3A_224 = arith.constant 0 : i32
      %dma_start3A_225 = tpu.memref_slice %arg16[%add3A_210, %dma_start3A_224] : memref<10240x8xf32, #tpu.memory_space<vmem_shared>> -> memref<128x8xf32, #tpu.memory_space<vmem_shared>>
      %dma_start3A_226 = arith.constant 0 : i32
      %dma_start3A_227 = tpu.memref_slice %arg16[%add3A_210, %dma_start3A_226] : memref<10240x8xf32, #tpu.memory_space<vmem_shared>> -> memref<128x8xf32, #tpu.memory_space<vmem_shared>>
      tpu.enqueue_dma source(%dma_start3A_227 : memref<128x8xf32, #tpu.memory_space<vmem_shared>>) target(%arg14 : memref<128x8xf32, #tpu.memory_space<vmem>>) target_semaphore(%run_scoped3A_223 : memref<!tpu.dma_semaphore, #tpu.memory_space<semaphore_mem>>)
      %dma_wait3A_228 = arith.constant 0 : i32
      %dma_wait3A_229 = tpu.memref_slice %arg16[%add3A_210, %dma_wait3A_228] : memref<10240x8xf32, #tpu.memory_space<vmem_shared>> -> memref<128x8xf32, #tpu.memory_space<vmem_shared>>
      %dma_wait3A_230 = arith.constant 0 : i32
      %dma_wait3A_231 = tpu.memref_slice %arg16[%add3A_210, %dma_wait3A_230] : memref<10240x8xf32, #tpu.memory_space<vmem_shared>> -> memref<128x8xf32, #tpu.memory_space<vmem_shared>>
      tpu.wait_dma2 semaphore(%run_scoped3A_223 : memref<!tpu.dma_semaphore, #tpu.memory_space<semaphore_mem>>) src(%dma_wait3A_231 : memref<128x8xf32, #tpu.memory_space<vmem_shared>>) dst(%arg14 : memref<128x8xf32, #tpu.memory_space<vmem>>)
      tpu.yield
    }) : () -> ()
    "tpu.region"() ({
      %run_scoped3A_223 = tpu.sem_alloc : memref<!tpu.dma_semaphore, #tpu.memory_space<semaphore_mem>>
      %dma_start3A_224 = arith.constant 0 : i32
      %dma_start3A_225 = tpu.memref_slice %arg9[%arg0, %add3A_210, %dma_start3A_224] : memref<2x10240x8xf32, #tpu.memory_space<hbm>> -> memref<1x128x8xf32, #tpu.memory_space<hbm>>
      %dma_start3A_226 = tpu.memref_squeeze %dma_start3A_225 : memref<1x128x8xf32, #tpu.memory_space<hbm>> -> memref<128x8xf32, #tpu.memory_space<hbm>>
      %dma_start3A_227 = arith.constant 0 : i32
      %dma_start3A_228 = tpu.memref_slice %arg9[%arg0, %add3A_210, %dma_start3A_227] : memref<2x10240x8xf32, #tpu.memory_space<hbm>> -> memref<1x128x8xf32, #tpu.memory_space<hbm>>
      %dma_start3A_229 = tpu.memref_squeeze %dma_start3A_228 : memref<1x128x8xf32, #tpu.memory_space<hbm>> -> memref<128x8xf32, #tpu.memory_space<hbm>>
      tpu.enqueue_dma source(%arg14 : memref<128x8xf32, #tpu.memory_space<vmem>>) target(%dma_start3A_229 : memref<128x8xf32, #tpu.memory_space<hbm>>) target_semaphore(%run_scoped3A_223 : memref<!tpu.dma_semaphore, #tpu.memory_space<semaphore_mem>>)
      %dma_wait3A_230 = arith.constant 0 : i32
      %dma_wait3A_231 = tpu.memref_slice %arg9[%arg0, %add3A_210, %dma_wait3A_230] : memref<2x10240x8xf32, #tpu.memory_space<hbm>> -> memref<1x128x8xf32, #tpu.memory_space<hbm>>
      %dma_wait3A_232 = tpu.memref_squeeze %dma_wait3A_231 : memref<1x128x8xf32, #tpu.memory_space<hbm>> -> memref<128x8xf32, #tpu.memory_space<hbm>>
      %dma_wait3A_233 = arith.constant 0 : i32
      %dma_wait3A_234 = tpu.memref_slice %arg9[%arg0, %add3A_210, %dma_wait3A_233] : memref<2x10240x8xf32, #tpu.memory_space<hbm>> -> memref<1x128x8xf32, #tpu.memory_space<hbm>>
      %dma_wait3A_235 = tpu.memref_squeeze %dma_wait3A_234 : memref<1x128x8xf32, #tpu.memory_space<hbm>> -> memref<128x8xf32, #tpu.memory_space<hbm>>
      tpu.wait_dma2 semaphore(%run_scoped3A_223 : memref<!tpu.dma_semaphore, #tpu.memory_space<semaphore_mem>>) src(%arg14 : memref<128x8xf32, #tpu.memory_space<vmem>>) dst(%dma_wait3A_235 : memref<128x8xf32, #tpu.memory_space<hbm>>)
      tpu.yield
    }) : () -> ()
    %mul3A_215 = arith.constant 640 : i32
    %mul3A_216 = arith.muli %arg1, %mul3A_215 : i32
    %add3A_217 = arith.constant 512 : i32
    %add3A_218 = arith.addi %mul3A_216, %add3A_217 : i32
    %run_scoped3A_219 = arith.constant 0 : i32
    "tpu.region"() ({
      %run_scoped3A_223 = tpu.sem_alloc : memref<!tpu.dma_semaphore, #tpu.memory_space<semaphore_mem>>
      %dma_start3A_224 = arith.constant 0 : i32
      %dma_start3A_225 = arith.constant 0 : i32
      %dma_start3A_226 = tpu.memref_slice %arg12[%run_scoped3A_219, %dma_start3A_224, %dma_start3A_225] : memref<5x128x64xf32, #tpu.memory_space<vmem>> -> memref<1x128x64xf32, #tpu.memory_space<vmem>>
      %dma_start3A_227 = tpu.memref_squeeze %dma_start3A_226 : memref<1x128x64xf32, #tpu.memory_space<vmem>> -> memref<128x64xf32, #tpu.memory_space<vmem>>
      %dma_start3A_228 = arith.constant 0 : i32
      %dma_start3A_229 = tpu.memref_slice %arg15[%add3A_218, %dma_start3A_228] : memref<10240x64xf32, #tpu.memory_space<vmem_shared>> -> memref<128x64xf32, #tpu.memory_space<vmem_shared>>
      %dma_start3A_230 = arith.constant 0 : i32
      %dma_start3A_231 = arith.constant 0 : i32
      %dma_start3A_232 = tpu.memref_slice %arg12[%run_scoped3A_219, %dma_start3A_230, %dma_start3A_231] : memref<5x128x64xf32, #tpu.memory_space<vmem>> -> memref<1x128x64xf32, #tpu.memory_space<vmem>>
      %dma_start3A_233 = tpu.memref_squeeze %dma_start3A_232 : memref<1x128x64xf32, #tpu.memory_space<vmem>> -> memref<128x64xf32, #tpu.memory_space<vmem>>
      %dma_start3A_234 = arith.constant 0 : i32
      %dma_start3A_235 = tpu.memref_slice %arg15[%add3A_218, %dma_start3A_234] : memref<10240x64xf32, #tpu.memory_space<vmem_shared>> -> memref<128x64xf32, #tpu.memory_space<vmem_shared>>
      tpu.enqueue_dma source(%dma_start3A_235 : memref<128x64xf32, #tpu.memory_space<vmem_shared>>) target(%dma_start3A_233 : memref<128x64xf32, #tpu.memory_space<vmem>>) target_semaphore(%run_scoped3A_223 : memref<!tpu.dma_semaphore, #tpu.memory_space<semaphore_mem>>)
      %dma_wait3A_236 = arith.constant 0 : i32
      %dma_wait3A_237 = arith.constant 0 : i32
      %dma_wait3A_238 = tpu.memref_slice %arg12[%run_scoped3A_219, %dma_wait3A_236, %dma_wait3A_237] : memref<5x128x64xf32, #tpu.memory_space<vmem>> -> memref<1x128x64xf32, #tpu.memory_space<vmem>>
      %dma_wait3A_239 = tpu.memref_squeeze %dma_wait3A_238 : memref<1x128x64xf32, #tpu.memory_space<vmem>> -> memref<128x64xf32, #tpu.memory_space<vmem>>
      %dma_wait3A_240 = arith.constant 0 : i32
      %dma_wait3A_241 = tpu.memref_slice %arg15[%add3A_218, %dma_wait3A_240] : memref<10240x64xf32, #tpu.memory_space<vmem_shared>> -> memref<128x64xf32, #tpu.memory_space<vmem_shared>>
      %dma_wait3A_242 = arith.constant 0 : i32
      %dma_wait3A_243 = arith.constant 0 : i32
      %dma_wait3A_244 = tpu.memref_slice %arg12[%run_scoped3A_219, %dma_wait3A_242, %dma_wait3A_243] : memref<5x128x64xf32, #tpu.memory_space<vmem>> -> memref<1x128x64xf32, #tpu.memory_space<vmem>>
      %dma_wait3A_245 = tpu.memref_squeeze %dma_wait3A_244 : memref<1x128x64xf32, #tpu.memory_space<vmem>> -> memref<128x64xf32, #tpu.memory_space<vmem>>
      %dma_wait3A_246 = arith.constant 0 : i32
      %dma_wait3A_247 = tpu.memref_slice %arg15[%add3A_218, %dma_wait3A_246] : memref<10240x64xf32, #tpu.memory_space<vmem_shared>> -> memref<128x64xf32, #tpu.memory_space<vmem_shared>>
      tpu.wait_dma2 semaphore(%run_scoped3A_223 : memref<!tpu.dma_semaphore, #tpu.memory_space<semaphore_mem>>) src(%dma_wait3A_247 : memref<128x64xf32, #tpu.memory_space<vmem_shared>>) dst(%dma_wait3A_245 : memref<128x64xf32, #tpu.memory_space<vmem>>)
      tpu.yield
    }) : () -> ()
    %mul3A_220 = arith.constant 64 : i32
    %mul3A_221 = arith.muli %arg0, %mul3A_220 : i32
    %run_scoped3A_222 = arith.constant 0 : i32
    "tpu.region"() ({
      %run_scoped3A_223 = tpu.sem_alloc : memref<!tpu.dma_semaphore, #tpu.memory_space<semaphore_mem>>
      %dma_start3A_224 = arith.constant 0 : i32
      %dma_start3A_225 = arith.constant 0 : i32
      %dma_start3A_226 = tpu.memref_slice %arg12[%run_scoped3A_222, %dma_start3A_224, %dma_start3A_225] : memref<5x128x64xf32, #tpu.memory_space<vmem>> -> memref<1x128x64xf32, #tpu.memory_space<vmem>>
      %dma_start3A_227 = tpu.memref_squeeze %dma_start3A_226 : memref<1x128x64xf32, #tpu.memory_space<vmem>> -> memref<128x64xf32, #tpu.memory_space<vmem>>
      %dma_start3A_228 = tpu.memref_slice %arg8[%add3A_218, %mul3A_221] : memref<10240x128xf32, #tpu.memory_space<hbm>> -> memref<128x64xf32, #tpu.memory_space<hbm>>
      %dma_start3A_229 = tpu.memref_slice %arg8[%add3A_218, %mul3A_221] : memref<10240x128xf32, #tpu.memory_space<hbm>> -> memref<128x64xf32, #tpu.memory_space<hbm>>
      %dma_start3A_230 = arith.constant 0 : i32
      %dma_start3A_231 = arith.constant 0 : i32
      %dma_start3A_232 = tpu.memref_slice %arg12[%run_scoped3A_222, %dma_start3A_230, %dma_start3A_231] : memref<5x128x64xf32, #tpu.memory_space<vmem>> -> memref<1x128x64xf32, #tpu.memory_space<vmem>>
      %dma_start3A_233 = tpu.memref_squeeze %dma_start3A_232 : memref<1x128x64xf32, #tpu.memory_space<vmem>> -> memref<128x64xf32, #tpu.memory_space<vmem>>
      tpu.enqueue_dma source(%dma_start3A_233 : memref<128x64xf32, #tpu.memory_space<vmem>>) target(%dma_start3A_229 : memref<128x64xf32, #tpu.memory_space<hbm>>) target_semaphore(%run_scoped3A_223 : memref<!tpu.dma_semaphore, #tpu.memory_space<semaphore_mem>>)
      %dma_wait3A_234 = arith.constant 0 : i32
      %dma_wait3A_235 = arith.constant 0 : i32
      %dma_wait3A_236 = tpu.memref_slice %arg12[%run_scoped3A_222, %dma_wait3A_234, %dma_wait3A_235] : memref<5x128x64xf32, #tpu.memory_space<vmem>> -> memref<1x128x64xf32, #tpu.memory_space<vmem>>
      %dma_wait3A_237 = tpu.memref_squeeze %dma_wait3A_236 : memref<1x128x64xf32, #tpu.memory_space<vmem>> -> memref<128x64xf32, #tpu.memory_space<vmem>>
      %dma_wait3A_238 = tpu.memref_slice %arg8[%add3A_218, %mul3A_221] : memref<10240x128xf32, #tpu.memory_space<hbm>> -> memref<128x64xf32, #tpu.memory_space<hbm>>
      %dma_wait3A_239 = tpu.memref_slice %arg8[%add3A_218, %mul3A_221] : memref<10240x128xf32, #tpu.memory_space<hbm>> -> memref<128x64xf32, #tpu.memory_space<hbm>>
      %dma_wait3A_240 = arith.constant 0 : i32
      %dma_wait3A_241 = arith.constant 0 : i32
      %dma_wait3A_242 = tpu.memref_slice %arg12[%run_scoped3A_222, %dma_wait3A_240, %dma_wait3A_241] : memref<5x128x64xf32, #tpu.memory_space<vmem>> -> memref<1x128x64xf32, #tpu.memory_space<vmem>>
      %dma_wait3A_243 = tpu.memref_squeeze %dma_wait3A_242 : memref<1x128x64xf32, #tpu.memory_space<vmem>> -> memref<128x64xf32, #tpu.memory_space<vmem>>
      tpu.wait_dma2 semaphore(%run_scoped3A_223 : memref<!tpu.dma_semaphore, #tpu.memory_space<semaphore_mem>>) src(%dma_wait3A_243 : memref<128x64xf32, #tpu.memory_space<vmem>>) dst(%dma_wait3A_239 : memref<128x64xf32, #tpu.memory_space<hbm>>)
      tpu.yield
    }) : () -> ()
    "tpu.region"() ({
      %run_scoped3A_223 = tpu.sem_alloc : memref<!tpu.dma_semaphore, #tpu.memory_space<semaphore_mem>>
      %dma_start3A_224 = arith.constant 0 : i32
      %dma_start3A_225 = tpu.memref_slice %arg16[%add3A_218, %dma_start3A_224] : memref<10240x8xf32, #tpu.memory_space<vmem_shared>> -> memref<128x8xf32, #tpu.memory_space<vmem_shared>>
      %dma_start3A_226 = arith.constant 0 : i32
      %dma_start3A_227 = tpu.memref_slice %arg16[%add3A_218, %dma_start3A_226] : memref<10240x8xf32, #tpu.memory_space<vmem_shared>> -> memref<128x8xf32, #tpu.memory_space<vmem_shared>>
      tpu.enqueue_dma source(%dma_start3A_227 : memref<128x8xf32, #tpu.memory_space<vmem_shared>>) target(%arg14 : memref<128x8xf32, #tpu.memory_space<vmem>>) target_semaphore(%run_scoped3A_223 : memref<!tpu.dma_semaphore, #tpu.memory_space<semaphore_mem>>)
      %dma_wait3A_228 = arith.constant 0 : i32
      %dma_wait3A_229 = tpu.memref_slice %arg16[%add3A_218, %dma_wait3A_228] : memref<10240x8xf32, #tpu.memory_space<vmem_shared>> -> memref<128x8xf32, #tpu.memory_space<vmem_shared>>
      %dma_wait3A_230 = arith.constant 0 : i32
      %dma_wait3A_231 = tpu.memref_slice %arg16[%add3A_218, %dma_wait3A_230] : memref<10240x8xf32, #tpu.memory_space<vmem_shared>> -> memref<128x8xf32, #tpu.memory_space<vmem_shared>>
      tpu.wait_dma2 semaphore(%run_scoped3A_223 : memref<!tpu.dma_semaphore, #tpu.memory_space<semaphore_mem>>) src(%dma_wait3A_231 : memref<128x8xf32, #tpu.memory_space<vmem_shared>>) dst(%arg14 : memref<128x8xf32, #tpu.memory_space<vmem>>)
      tpu.yield
    }) : () -> ()
    "tpu.region"() ({
      %run_scoped3A_223 = tpu.sem_alloc : memref<!tpu.dma_semaphore, #tpu.memory_space<semaphore_mem>>
      %dma_start3A_224 = arith.constant 0 : i32
      %dma_start3A_225 = tpu.memref_slice %arg9[%arg0, %add3A_218, %dma_start3A_224] : memref<2x10240x8xf32, #tpu.memory_space<hbm>> -> memref<1x128x8xf32, #tpu.memory_space<hbm>>
      %dma_start3A_226 = tpu.memref_squeeze %dma_start3A_225 : memref<1x128x8xf32, #tpu.memory_space<hbm>> -> memref<128x8xf32, #tpu.memory_space<hbm>>
      %dma_start3A_227 = arith.constant 0 : i32
      %dma_start3A_228 = tpu.memref_slice %arg9[%arg0, %add3A_218, %dma_start3A_227] : memref<2x10240x8xf32, #tpu.memory_space<hbm>> -> memref<1x128x8xf32, #tpu.memory_space<hbm>>
      %dma_start3A_229 = tpu.memref_squeeze %dma_start3A_228 : memref<1x128x8xf32, #tpu.memory_space<hbm>> -> memref<128x8xf32, #tpu.memory_space<hbm>>
      tpu.enqueue_dma source(%arg14 : memref<128x8xf32, #tpu.memory_space<vmem>>) target(%dma_start3A_229 : memref<128x8xf32, #tpu.memory_space<hbm>>) target_semaphore(%run_scoped3A_223 : memref<!tpu.dma_semaphore, #tpu.memory_space<semaphore_mem>>)
      %dma_wait3A_230 = arith.constant 0 : i32
      %dma_wait3A_231 = tpu.memref_slice %arg9[%arg0, %add3A_218, %dma_wait3A_230] : memref<2x10240x8xf32, #tpu.memory_space<hbm>> -> memref<1x128x8xf32, #tpu.memory_space<hbm>>
      %dma_wait3A_232 = tpu.memref_squeeze %dma_wait3A_231 : memref<1x128x8xf32, #tpu.memory_space<hbm>> -> memref<128x8xf32, #tpu.memory_space<hbm>>
      %dma_wait3A_233 = arith.constant 0 : i32
      %dma_wait3A_234 = tpu.memref_slice %arg9[%arg0, %add3A_218, %dma_wait3A_233] : memref<2x10240x8xf32, #tpu.memory_space<hbm>> -> memref<1x128x8xf32, #tpu.memory_space<hbm>>
      %dma_wait3A_235 = tpu.memref_squeeze %dma_wait3A_234 : memref<1x128x8xf32, #tpu.memory_space<hbm>> -> memref<128x8xf32, #tpu.memory_space<hbm>>
      tpu.wait_dma2 semaphore(%run_scoped3A_223 : memref<!tpu.dma_semaphore, #tpu.memory_space<semaphore_mem>>) src(%arg14 : memref<128x8xf32, #tpu.memory_space<vmem>>) dst(%dma_wait3A_235 : memref<128x8xf32, #tpu.memory_space<hbm>>)
      tpu.yield
    }) : () -> ()
    return
  }
}

module attributes {stable_mosaic.version = 14 : i64} {
  func.func @_tc_body(%arg0: i32, %arg1: memref<1000x128xf32, #tpu.memory_space<vmem>>, %arg2: memref<1000x128xf32, #tpu.memory_space<vmem>>, %arg3: memref<2x1000x1xf32, #tpu.memory_space<vmem>>, %arg4: memref<128x128xf32, #tpu.memory_space<vmem>>, %arg5: memref<128x128xf32, #tpu.memory_space<vmem>>, %arg6: memref<1x128xf32, #tpu.memory_space<vmem>>, %arg7: memref<1x128xf32, #tpu.memory_space<vmem>>, %arg8: memref<1000x128xf32, #tpu.memory_space<vmem>>) attributes {dimension_semantics = [#tpu.dimension_semantics<arbitrary>], iteration_bounds = array<i64: 10>, scalar_prefetch = 0 : i64, scratch_operands = 0 : i64, tpu.core_type = #tpu.core_type<tc>, window_params = [{transform_indices = @transform_0, window_bounds = array<i64: 1000, 128>}, {transform_indices = @transform_1, window_bounds = array<i64: 1000, 128>}, {transform_indices = @transform_2, window_bounds = array<i64: 2, 1000, 1>}, {pipeline_mode = #tpu.pipeline_mode<synchronous>, transform_indices = @transform_3, window_bounds = array<i64: 128, 128>}, {pipeline_mode = #tpu.pipeline_mode<synchronous>, transform_indices = @transform_4, window_bounds = array<i64: 128, 128>}, {pipeline_mode = #tpu.pipeline_mode<synchronous>, transform_indices = @transform_5, window_bounds = array<i64: 1, 128>}, {pipeline_mode = #tpu.pipeline_mode<synchronous>, transform_indices = @transform_6, window_bounds = array<i64: 1, 128>}, {transform_indices = @transform_7, window_bounds = array<i64: 1000, 128>}]} {
    %get3A = arith.constant 0 : index
    %get3A_0 = arith.constant 0 : index
    %get3A_1 = vector.load %arg1[%get3A, %get3A_0] : memref<1000x128xf32, #tpu.memory_space<vmem>>, vector<1000x128xf32>
    %get3A_2 = arith.constant 0 : index
    %get3A_3 = arith.constant 0 : index
    %get3A_4 = arith.constant 0 : index
    %get3A_5 = vector.load %arg3[%get3A_2, %get3A_3, %get3A_4] : memref<2x1000x1xf32, #tpu.memory_space<vmem>>, vector<1x1000x1xf32>
    %get3A_6 = vector.shape_cast %get3A_5 : vector<1x1000x1xf32> to vector<1000x1xf32>
    %get3A_7 = arith.constant 1 : index
    %get3A_8 = arith.constant 0 : index
    %get3A_9 = arith.constant 0 : index
    %get3A_10 = vector.load %arg3[%get3A_7, %get3A_8, %get3A_9] : memref<2x1000x1xf32, #tpu.memory_space<vmem>>, vector<1x1000x1xf32>
    %get3A_11 = vector.shape_cast %get3A_10 : vector<1x1000x1xf32> to vector<1000x1xf32>
    %add3A = arith.addf %get3A_6, %get3A_11 : vector<1000x1xf32>
    %max3A = arith.constant 1.000000e+00 : f32
    %max3A_12 = vector.broadcast %max3A : f32 to vector<1000x1xf32>
    %max3A_13 = arith.maximumf %add3A, %max3A_12 : vector<1000x1xf32>
    %get3A_14 = arith.constant 0 : index
    %get3A_15 = arith.constant 0 : index
    %get3A_16 = vector.load %arg4[%get3A_14, %get3A_15] : memref<128x128xf32, #tpu.memory_space<vmem>>, vector<128x128xf32>
    %dot_general3A = arith.constant dense<0.000000e+00> : vector<1000x128xf32>
    %dot_general3A_17 = tpu.matmul %get3A_1, %get3A_16, %dot_general3A {dimension_numbers = #tpu.dot_dimension_numbers<[1], [0], [0], [1], [0, 0, 1, 1], [], []>, transpose_lhs_hint = false} : vector<1000x128xf32>, vector<128x128xf32>, vector<1000x128xf32> -> vector<1000x128xf32>
    %get3A_18 = arith.constant 0 : index
    %get3A_19 = arith.constant 0 : index
    %get3A_20 = vector.load %arg2[%get3A_18, %get3A_19] : memref<1000x128xf32, #tpu.memory_space<vmem>>, vector<1000x128xf32>
    %div3A = vector.broadcast %max3A_13 : vector<1000x1xf32> to vector<1000x128xf32>
    %div3A_21 = arith.divf %get3A_20, %div3A : vector<1000x128xf32>
    %get3A_22 = arith.constant 0 : index
    %get3A_23 = arith.constant 0 : index
    %get3A_24 = vector.load %arg5[%get3A_22, %get3A_23] : memref<128x128xf32, #tpu.memory_space<vmem>>, vector<128x128xf32>
    %dot_general3A_25 = arith.constant dense<0.000000e+00> : vector<1000x128xf32>
    %dot_general3A_26 = tpu.matmul %div3A_21, %get3A_24, %dot_general3A_25 {dimension_numbers = #tpu.dot_dimension_numbers<[1], [0], [0], [1], [0, 0, 1, 1], [], []>, transpose_lhs_hint = false} : vector<1000x128xf32>, vector<128x128xf32>, vector<1000x128xf32> -> vector<1000x128xf32>
    %add3A_27 = arith.addf %dot_general3A_17, %dot_general3A_26 : vector<1000x128xf32>
    %get3A_28 = arith.constant 0 : index
    %get3A_29 = arith.constant 0 : index
    %get3A_30 = vector.load %arg6[%get3A_28, %get3A_29] : memref<1x128xf32, #tpu.memory_space<vmem>>, vector<1x128xf32>
    %add3A_31 = vector.broadcast %get3A_30 : vector<1x128xf32> to vector<1000x128xf32>
    %add3A_32 = arith.addf %add3A_27, %add3A_31 : vector<1000x128xf32>
    %get3A_33 = arith.constant 0 : index
    %get3A_34 = arith.constant 0 : index
    %get3A_35 = vector.load %arg7[%get3A_33, %get3A_34] : memref<1x128xf32, #tpu.memory_space<vmem>>, vector<1x128xf32>
    %add3A_36 = vector.broadcast %get3A_35 : vector<1x128xf32> to vector<1000x128xf32>
    %add3A_37 = arith.addf %add3A_32, %add3A_36 : vector<1000x128xf32>
    %max3A_38 = arith.constant 0.000000e+00 : f32
    %max3A_39 = vector.broadcast %max3A_38 : f32 to vector<1000x128xf32>
    %max3A_40 = arith.maximumf %add3A_37, %max3A_39 : vector<1000x128xf32>
    %swap3A = arith.constant 0 : index
    %swap3A_41 = arith.constant 0 : index
    %swap3A_42 = vector.load %arg8[%swap3A, %swap3A_41] : memref<1000x128xf32, #tpu.memory_space<vmem>>, vector<1000x128xf32>
    tpu.vector_store %arg8[%swap3A, %swap3A_41], %max3A_40 {strides = array<i32>} : memref<1000x128xf32, #tpu.memory_space<vmem>>, vector<1000x128xf32>,
    return
  }
  func.func @transform_0(%arg0: i32) -> (i32, i32) {
    %c0_i32 = arith.constant 0 : i32
    %c0_i32_0 = arith.constant 0 : i32
    return %arg0, %c0_i32 : i32, i32
  }
  func.func @transform_1(%arg0: i32) -> (i32, i32) {
    %c0_i32 = arith.constant 0 : i32
    %c0_i32_0 = arith.constant 0 : i32
    return %arg0, %c0_i32 : i32, i32
  }
  func.func @transform_2(%arg0: i32) -> (i32, i32, i32) {
    %c0_i32 = arith.constant 0 : i32
    %c0_i32_0 = arith.constant 0 : i32
    %c0_i32_1 = arith.constant 0 : i32
    return %c0_i32, %arg0, %c0_i32_0 : i32, i32, i32
  }
  func.func @transform_3(%arg0: i32) -> (i32, i32) {
    %c0_i32 = arith.constant 0 : i32
    %c0_i32_0 = arith.constant 0 : i32
    %c0_i32_1 = arith.constant 0 : i32
    return %c0_i32, %c0_i32_0 : i32, i32
  }
  func.func @transform_4(%arg0: i32) -> (i32, i32) {
    %c0_i32 = arith.constant 0 : i32
    %c0_i32_0 = arith.constant 0 : i32
    %c0_i32_1 = arith.constant 0 : i32
    return %c0_i32, %c0_i32_0 : i32, i32
  }
  func.func @transform_5(%arg0: i32) -> (i32, i32) {
    %c0_i32 = arith.constant 0 : i32
    %c0_i32_0 = arith.constant 0 : i32
    %c0_i32_1 = arith.constant 0 : i32
    return %c0_i32, %c0_i32_0 : i32, i32
  }
  func.func @transform_6(%arg0: i32) -> (i32, i32) {
    %c0_i32 = arith.constant 0 : i32
    %c0_i32_0 = arith.constant 0 : i32
    %c0_i32_1 = arith.constant 0 : i32
    return %c0_i32, %c0_i32_0 : i32, i32
  }
  func.func @transform_7(%arg0: i32) -> (i32, i32) {
    %c0_i32 = arith.constant 0 : i32
    %c0_i32_0 = arith.constant 0 : i32
    return %arg0, %c0_i32 : i32, i32
  }
}

</mosaic_0001>

<sc_bundles>
// kernel: kernel.4.cloned.1.call-start
scs
__scs_entry_jumppad:
0x0: {  	(pc) =	sbr.rel $0x88, $3  }
0x1: {  	(tag) =	ssettag $0x0;
	lr =	simm.s32 $0x1  }
0x2: {  	[smem:$0x3F9B] =	sst lr;
	_ =	strace $0xD0000000  }
0x3: {  	_ = 	snop  }
0x4: {  	_ = 	snop  }
0x5: {  	_ = 	snop  }
0x6: {  	_ = 	snop  }
0x7: {  	_ = 	snop  }
__scs_overlays_trampoline_lowered:
0x8: {  	[smem:$0x3FAA] =	sst s0  }
0x9: {  	[smem:$0x3FAB] =	sst s1  }
0xa: {  	[smem:$0x3FAC] =	sst s2  }
0xb: {  	[smem:$0x3FAD] =	sst s3  }
0xc: {  	[smem:$0x3FAE] =	sst s4  }
0xd: {  	[smem:$0x3FAF] =	sst s5  }
0xe: {  	[smem:$0x3FB0] =	sst s6  }
0xf: {  	[smem:$0x3FB1] =	sst s7  }
0x10: {  	[smem:$0x3FB2] =	sst s8  }
0x11: {  	[smem:$0x3FB3] =	sst s9;
	s0 =	simm.s32 @!p0 $0x0  }
0x12: {  	s1 =	sld [smem:$0x3F99];
	s0 =	simm.s32 @p0 $0x1  }
0x13: {  	[smem:$0x3FB4] =	sst s0;
	s0 =	simm.s32 @!p1 $0x0  }
0x14: {  	s2 =	sld [smem:$0x3F98];
	s0 =	simm.s32 @p1 $0x1  }
0x15: {  	[smem:$0x3FB5] =	sst s0;
	s0 =	simm.s32 @!p2 $0x0  }
0x16: {  	s3 =	sld [smem:$0x3FDB];
	s0 =	simm.s32 @p2 $0x1  }
0x17: {  	s4 =	simm.s32 $0x1BF5;
	[smem:$0x3FB7] =	sst s0  }
0x18: {  	s0 =	sld [smem:$0x3F9A];
	_ =	swait.ge [sflag:s4], $0x0  }
0x19: {  	s7 =	sld [smem:$0x3F9B]  }
0x1a: {  	s8 =	sadd.s32 $0xFFFFE003, lr  }
0x1b: {  	s9 =	sadd.s32 $0xFFFFFEF7, lr;
	s5 =	simm.s32 $0xFFFFFFFF;
	p2 =	slt.u32 s8, $0xFFFFF086  }
0x1c: {  	p1 =	slt.u32 s9, $0xF7A;
	s5 =	simm.s32 @!p2 $0x0  }
0x1d: {  	s5 =	simm.s32 @p1 $0x1;
	p0 =	seq.s32 s7, s2  }
0x1e: {  	s7 =	smul.u32 @!p0 $0xF7A, s2;
	p2 =	seq.s32 @!p0 s5, $0x0  }
0x1f: {  	s9 =	smul.u32 $0xF7A, s1;
	s8 =	simm.s32 @!p0 $0x1BF5;
	p2 =	por !p2, p0  }
0x20: {  	[sflag:s8] =	ssyncset.s32 @!p0 $0xFFFFF086;
	s6 =	sadd.s32 @!p0 s3, s7;
	s7 =	simm.s32 @!p0 $0x108  }
0x21: {  	s3 =	sadd.s32 s3, s9;
	s6 =	sadd.s32 @!p0 $0x88, s6;
	s7 =	simm.s32 @p2 $0x1082  }
0x22: {  	[simem:s7], [sflag:s8] =	dma.local @!p0 [hbm:s6], $0xF7A  }
0x23: {  	s9 =	sor.u32 $0xD0000000, s2;
	s6 =	simm.s32 $0x108;
	_ =	swait.ge @!p0 [sflag:s8], $0x0  }
0x24: {  	s3 =	sadd.s32 $0x88, s3;
	s6 =	simm.s32 @!p1 $0x1082;
	[sflag:s4] =	ssyncset.s32 $0xFFFFF086  }
0x25: {  	[simem:s6], [sflag:s4] =	dma.local [hbm:s3], $0xF7A  }
0x26: {  	[smem:$0x3F9B] =	sst s1;
	(tag) =	ssettag s2;
	_ =	strace s9  }
0x27: {  	s1 =	sld [smem:$0x3FAB]  }
0x28: {  	s2 =	sld [smem:$0x3FAC]  }
0x29: {  	s4 =	sld [smem:$0x3FAE]  }
0x2a: {  	p0 =	seq.s32 s5, $0x0;
	s5 =	sld [smem:$0x3FAF]  }
0x2b: {  	s6 =	sld [smem:$0x3FB0]  }
0x2c: {  	s7 =	sld [smem:$0x3FB1]  }
0x2d: {  	s3 =	simm.s32 $0x108;
	s8 =	sld [smem:$0x3FB2]  }
0x2e: {  	s3 =	simm.s32 @!p0 $0x1082;
	s9 =	sld [smem:$0x3FB3]  }
0x2f: {  	lr =	sadd.s32 s0, s3;
	s0 =	sld [smem:$0x3FAA]  }
0x30: {  	s3 =	sld [smem:$0x3FAD]  }
0x31: {  	[smem:$0x3FB6] =	sst s10  }
0x32: {  	s10 =	sld [smem:$0x3FB4];
	_ =	sdelay $0x3  }
0x33: {  	p0 =	seq.s32 s10, $0x1;
	s10 =	sld [smem:$0x3FB6];
	_ =	sdelay $0x3  }
0x34: {  	[smem:$0x3FB6] =	sst s10  }
0x35: {  	s10 =	sld [smem:$0x3FB5];
	_ =	sdelay $0x3  }
0x36: {  	p1 =	seq.s32 s10, $0x1;
	s10 =	sld [smem:$0x3FB6];
	_ =	sdelay $0x3  }
0x37: {  	[smem:$0x3FB6] =	sst s10  }
0x38: {  	s10 =	sld [smem:$0x3FB7]  }
0x39: {  	_ = 	snop;
	(pc) =	sbr.ind lr, $3  }
0x3a: {  	_ = 	snop  }
0x3b: {  	_ = 	snop  }
0x3c: {  	p2 =	seq.s32 s10, $0x1;
	s10 =	sld [smem:$0x3FB6]  }
0x3d: {  	_ =	shalt  }
0x3e: {  	_ =	shalt  }
0x3f: {  	_ =	shalt  }
0x40: {  	_ =	shalt  }
0x41: {  	_ =	shalt  }
0x42: {  	_ =	shalt  }
0x43: {  	_ =	shalt  }
0x44: {  	_ =	shalt  }
0x45: {  	_ =	shalt  }
0x46: {  	_ =	shalt  }
0x47: {  	_ =	shalt  }
0x48: {  	_ =	shalt  }
0x49: {  	_ =	shalt  }
0x4a: {  	_ =	shalt  }
0x4b: {  	_ =	shalt  }
0x4c: {  	_ =	shalt  }
0x4d: {  	_ =	shalt  }
0x4e: {  	_ =	shalt  }
0x4f: {  	_ =	shalt  }
0x50: {  	_ =	shalt  }
0x51: {  	_ =	shalt  }
0x52: {  	_ =	shalt  }
0x53: {  	_ =	shalt  }
0x54: {  	_ =	shalt  }
0x55: {  	_ =	shalt  }
0x56: {  	_ =	shalt  }
0x57: {  	_ =	shalt  }
0x58: {  	_ =	shalt  }
0x59: {  	_ =	shalt  }
0x5a: {  	_ =	shalt  }
0x5b: {  	_ =	shalt  }
0x5c: {  	_ =	shalt  }
0x5d: {  	_ =	shalt  }
0x5e: {  	_ =	shalt  }
0x5f: {  	_ =	shalt  }
0x60: {  	_ =	shalt  }
0x61: {  	_ =	shalt  }
0x62: {  	_ =	shalt  }
0x63: {  	_ =	shalt  }
0x64: {  	_ =	shalt  }
0x65: {  	_ =	shalt  }
0x66: {  	_ =	shalt  }
0x67: {  	_ =	shalt  }
0x68: {  	_ =	shalt  }
0x69: {  	_ =	shalt  }
0x6a: {  	_ =	shalt  }
0x6b: {  	_ =	shalt  }
0x6c: {  	_ =	shalt  }
0x6d: {  	_ =	shalt  }
0x6e: {  	_ =	shalt  }
0x6f: {  	_ =	shalt  }
0x70: {  	_ =	shalt  }
0x71: {  	_ =	shalt  }
0x72: {  	_ =	shalt  }
0x73: {  	_ =	shalt  }
0x74: {  	_ =	shalt  }
0x75: {  	_ =	shalt  }
0x76: {  	_ =	shalt  }
0x77: {  	_ =	shalt  }
0x78: {  	_ =	shalt  }
0x79: {  	_ =	shalt  }
0x7a: {  	_ =	shalt  }
0x7b: {  	_ =	shalt  }
0x7c: {  	_ =	shalt  }
0x7d: {  	_ =	shalt  }
0x7e: {  	_ =	shalt  }
0x7f: {  	_ =	shalt  }
0x80: {  	_ =	shalt  }
0x81: {  	_ =	shalt  }
0x82: {  	_ =	shalt  }
0x83: {  	_ =	shalt  }
0x84: {  	_ =	shalt  }
0x85: {  	_ =	shalt  }
0x86: {  	_ =	shalt  }
0x87: {  	_ =	shalt  }
.Lfunc_end0:
.L_simem_size_0:
called_computation_lowered:
.L_overlay_start_0:
0x88: {  	s2 =	sld [smem:$0x3FD9]  }
0x89: {  	s3 =	sld [smem:$0x3FFE];
	_ =	sdelay $0x1  }
0x8a: {  	s1 =	srdreg.scid  }
0x8b: {  	s0 =	sand.u32 $0x1, s1  }
0x8c: {  	s17 =	sshll.u32 s0, $0xA;
	s2 =	sadd.s32 s3, s2  }
0x8d: {  	s2 =	sadd.s32 s2, s17  }
0x8e: {  	[smem:$0x3FC2] =	sst s2  }
0x8f: {  	_ = 	snop  }
0x90: {  	s2 =	sld [smem:$0x3FD0];
	(tm) =	ssettm $0x1  }
0x91: {  	s18 =	sld [smem:$0x3FFB];
	_ =	sdelay $0x3  }
0x92: {  	_ =	strace s18  }
0x93: {  	s3 =	sld [smem:$0x3FFC];
	_ =	sdelay $0x3  }
0x94: {  	_ =	strace s3  }
0x95: {  	s3 =	sld [smem:$0x3FFD];
	_ =	sdelay $0x3  }
0x96: {  	_ =	strace s3  }
0x97: {  	_ =	strace $0x8FFFFFFF  }
0x98: {  	s19 =	sld [smem:$0x3FDB];
	_ =	sdelay $0x1  }
0x99: {  	s4 =	simm.s32 $_scs_section_size  }
0x9a: {  	s5 =	simm.s32 $_size__tile_overlayer_lowered;
	s6 =	simm.s32 $_tile_overlayer_lowered  }
0x9b: {  	s22 =	simm.s32 $0x1BFF;
	s21 =	sshll.u32 s6, $0x1;
	s3 =	sadd.s32 s4, s19  }
0x9c: {  	s7 =	simm.s32 $0x0;
	s20 =	sshll.u32 s5, $0x1;
	s5 =	sadd.s32 s21, s3  }
0x9d: {  	[timem:s7], [sflag:s22] =	dma.local [hbm:s5], s20  }
0x9e: {  	_ =	swait.ge [sflag:s22], s20  }
0x9f: {  	s4 =	ssub.s32 $0x0, s20;
	[sflag:s22] =	ssyncset.done $0x0  }
0xa0: {  	[sflag:s22] =	ssyncadd.s32 s4;
	_ =	sdelay $0x1  }
0xa1: {  	s23 =	simm.s32 $0x1B8B  }
0xa2: {  	_ =	swait.ge [sflag:s23], $0x1  }
0xa3: {  	[sflag:s23] =	ssyncset.done $0x0  }
0xa4: {  	s25 =	simm.s32 $0x1B8E;
	s24 =	sld [smem:$0x3FFE];
	[sflag:s23] =	ssyncadd.s32 $0xFFFFFFFF  }
0xa5: {  	s26 =	simm.s32 $execute0_lowered;
	[smem:$0x3FD2] =	sst s25  }
0xa6: {  	s5 =	sshll.u32 s26, $0x1;
	_ =	strace $0x80000046;
	[dreg:$0x1] =	wrdreg $0xFFFFFFFF  }
0xa7: {  	s28 =	simm.s32 $_size_execute0_lowered;
	s3 =	sadd.s32 s3, s5;
	[dreg:$0x0] =	wrdreg $0x0  }
0xa8: {  	s5 =	sshll.u32 s28, $0x1;
	[dreg:$0x2] =	wrdreg s3  }
0xa9: {  	[dreg:$0x3] =	wrdreg s5  }
0xaa: {  	[dreg:$0x4] =	wrdreg $0xC0  }
0xab: {  	_ =	task [dreg:s7], $0x5FFFF  }
0xac: {  	[dreg:$0x1] =	wrdreg $0xFFFFFFFF  }
0xad: {  	[dreg:$0x0] =	wrdreg $0x60  }
0xae: {  	[dreg:$0x2] =	wrdreg s2  }
0xaf: {  	[dreg:$0x3] =	wrdreg s24  }
0xb0: {  	[dreg:$0x4] =	wrdreg $0x148000  }
0xb1: {  	[dreg:$0x5] =	wrdreg $0x1E8000  }
0xb2: {  	[dreg:$0x6] =	wrdreg $0x9  }
0xb3: {  	_ =	task.clear_ibuf [dreg:s7], $0x7FFFF;
	_ =	strace $0x90000046  }
0xb4: {  	s29 =	simm.s32 $0x9;
	_ =	strace $0x80000048  }
0xb5: {  	_ =	swait.ge [sflag:s29], $0x1  }
0xb6: {  	[sflag:s29] =	ssyncadd.s32 $0xFFFFFFFF  }
0xb7: {  	_ =	strace $0x90000048  }
0xb8: {  	_ =	sfence  }
0xb9: {  	s30 =	sld [smem:$0x0];
	_ =	sdelay $0x2  }
0xba: {  	s31 =	sshll.u32 s1, $0xD;
	s1 =	sshrl.u32 s1, $0x2  }
0xbb: {  	s3 =	sand.u32 $0x4000, s31;
	s1 =	sadd.s32 s1, s30  }
0xbc: {  	s0 =	sor.u32 s3, s0;
	s1 =	sshll.u32 s1, $0x11  }
0xbd: {  	s0 =	sor.u32 s1, s0  }
0xbe: {  	s0 =	sadd.s32 $0x8F2B, s0  }
0xbf: {  	[sflag:s0] =	ssyncadd.remote.s32 $0x1  }
0xc0: {  	_ =	sfence.sel $0xFFFF  }
0xc1: {  	[dreg:$0x0] =	wrdreg $0xFFFFFFFF;
	(pc) =	sbr.abs _section_cstart, $3  }
0xc2: {  	[dreg:$0x1] =	wrdreg $0xFFFFFFFF  }
0xc3: {  	_ =	task.clear_ibuf [dreg:s7], $0x2FFFF;
	_ =	strace $0x9FFFFFFF  }
0xc4: {  	(tm) =	ssettm $0x7FFFFFFF  }
0xc5: {  	_ =	shalt  }
tec
execute0_lowered:
.L_overlay_start_1:
0x0: {  	(tag) =	ssettag $0x1  }
0x1: {  	s1 =	rddreg [dreg:$0x0]  }
0x2: {  	s2 =	rddreg [dreg:$0x1]  }
0x3: {  	s3 =	rddreg [dreg:$0x2];
	s20 =	stileid.u32  }
0x4: {  	s0 =	srdreg.scid;
	s6 =	smul.u32 $0x5000, s20  }
0x5: {  	s4 =	rddreg [dreg:$0x3];
	s9 =	smul.u32 $0x280, s20  }
0x6: {  	s31 =	simm.s32 $0x0;
	s5 =	sand.u32 $0x1, s0;
	s12 =	smul.u32 $0x1400, s20  }
0x7: {  	s8 =	sadd.s32 $0x24E00, s2;
	s10 =	sadd.s32 $0x1FE00, s2;
	s13 =	smul.u32 $0x14000, s20  }
0x8: {  	[smem:$0x7FF] =	sst s31;
	s7 =	smul.u32 $0x50000, s5;
	s0 =	ssub.s32 $0x2, s5  }
0x9: {  	s15 =	sshll.u32 s5, $0x6;
	s16 =	smul.u32 $0x14000, s5;
	s11 =	sshrl.u32 s0, $0x1  }
0xa: {  	s14 =	sadd.s32 $0x100, s9;
	s17 =	sadd.s32 $0x180, s9;
	s13 =	sor.u32 s15, s13  }
0xb: {  	s0 =	ssub.s32 s0, s11;
	s11 =	sadd.s32 $0x80, s9;
	s9 =	sadd.s32 $0x200, s9  }
0xc: {  	s13 =	sshrl.u32 s13, $0x3;
	s18 =	sadd.s32 s12, s16;
	s23 =	sshll.u32 s14, $0x7  }
0xd: {  	s16 =	sshrl.u32 s16, $0x3;
	s7 =	sadd.s32 s6, s7;
	s6 =	sshrl.u32 s6, $0x3  }
0xe: {  	s19 =	sshll.u32 s11, $0x7;
	s13 =	sadd.s32 s8, s13;
	s18 =	sshrl.u32 s18, $0x3  }
0xf: {  	s24 =	sadd.s32 s10, s11;
	s7 =	sshrl.u32 s7, $0x3;
	s6 =	sadd.s32 s6, s2  }
0x10: {  	s0 =	smax.u32 s0, $0x1;
	[dreg:$0x5] =	wrdreg s13;
	s21 =	sor.u32 s15, s19  }
0x11: {  	s13 =	sadd.s32 s10, s18;
	s18 =	sor.u32 s15, s23;
	s25 =	sadd.s32 s16, s24  }
0x12: {  	s19 =	sshll.u32 s9, $0x7;
	s23 =	sadd.s32 s10, s9;
	s24 =	smul.u32 $0x28000, s20  }
0x13: {  	s7 =	sadd.s32 s7, s2;
	[dreg:$0x6] =	wrdreg s13;
	s22 =	sshrl.u32 s21, $0x3  }
0x14: {  	[dreg:$0x8] =	wrdreg s25;
	s26 =	sshrl.u32 s18, $0x3;
	s18 =	sshll.u32 s17, $0x7  }
0x15: {  	s21 =	sadd.s32 s10, s14;
	s25 =	sadd.s32 $0x1F600, s2;
	s13 =	sadd.s32 s8, s22  }
0x16: {  	s22 =	sadd.s32 s10, s17;
	[dreg:$0x7] =	wrdreg s13;
	s13 =	sadd.s32 s8, s26  }
0x17: {  	s10 =	sshll.u32 s11, $0x6;
	[dreg:$0x9] =	wrdreg s13;
	s13 =	sor.u32 s15, s18  }
0x18: {  	s15 =	sor.u32 s15, s19;
	s18 =	sadd.s32 s16, s21;
	s13 =	sshrl.u32 s13, $0x3  }
0x19: {  	[dreg:$0xa] =	wrdreg s18;
	s15 =	sshrl.u32 s15, $0x3;
	s13 =	sadd.s32 s8, s13  }
0x1a: {  	s26 =	sadd.s32 $0x1FA00, s2;
	s8 =	sadd.s32 s8, s15;
	[dreg:$0xb] =	wrdreg s13  }
0x1b: {  	s2 =	sadd.s32 $0x1FC00, s2;
	[dreg:$0xc] =	wrdreg s8;
	s8 =	sadd.s32 s16, s22  }
0x1c: {  	s20 =	sadd.s32 s10, s3;
	[dreg:$0xd] =	wrdreg s8;
	s8 =	sadd.s32 s16, s23  }
0x1d: {  	s10 =	simm.s32 $0xC000;
	s19 =	sadd.s32 $0x1600, s7;
	[dreg:$0xe] =	wrdreg s8  }
0x1e: {  	s21 =	sadd.s32 $0x15600, s6;
	_ =	strace $0x80000047;
	[dreg:$0xf] =	wrdreg s25  }
0x1f: {  	s6 =	simm.s32 $0xA000;
	s7 =	simm.s32 $0xC;
	[dreg:$0x10] =	wrdreg s26  }
0x20: {  	s18 =	sshll.u32 s9, $0x3;
	s15 =	sshll.u32 s17, $0x6;
	[dreg:$0x11] =	wrdreg s2  }
0x21: {  	s13 =	sshll.u32 s14, $0x6;
	s14 =	sshll.u32 s14, $0x3;
	[dreg:$0x1c] =	wrdreg s19  }
0x22: {  	s28 =	sadd.s32 s15, s3;
	s15 =	sadd.s32 s18, s4;
	[dreg:$0x1d] =	wrdreg s21  }
0x23: {  	s18 =	simm.s32 $0x4;
	s23 =	sadd.s32 s12, s4;
	[dreg:$0x1e] =	wrdreg s0  }
0x24: {  	s12 =	sshll.u32 s11, $0x3;
	s16 =	sshll.u32 s17, $0x3;
	[dreg:$0x13] =	wrdreg s23  }
0x25: {  	s8 =	sshrl.u32 s24, $0x2;
	s24 =	sadd.s32 s12, s4;
	[dreg:$0x14] =	wrdreg s20  }
0x26: {  	s17 =	sshll.u32 s9, $0x6;
	s9 =	simm.s32 $0x80;
	[dreg:$0x15] =	wrdreg s24  }
0x27: {  	s11 =	simm.s32 $0xE000;
	s29 =	sadd.s32 s16, s4;
	[dreg:$0x18] =	wrdreg s28  }
0x28: {  	s30 =	sadd.s32 s17, s3;
	s12 =	simm.s32 $0x10000;
	[dreg:$0x19] =	wrdreg s29  }
0x29: {  	s16 =	simm.s32 $0x2;
	s17 =	simm.s32 $0x3;
	[dreg:$0x1a] =	wrdreg s30  }
0x2a: {  	s22 =	sadd.s32 s8, s3;
	s21 =	simm.s32 $0x0;
	[dreg:$0x1b] =	wrdreg s15  }
0x2b: {  	s25 =	sadd.s32 s13, s3;
	s26 =	sadd.s32 s14, s4;
	[dreg:$0x1f] =	wrdreg s21  }
0x2c: {  	s8 =	simm.s32 $0x14400;
	s13 =	simm.s32 $0x12000;
	[dreg:$0x12] =	wrdreg s22  }
0x2d: {  	s14 =	simm.s32 $0x1;
	s19 =	simm.s32 $0x5;
	[dreg:$0x16] =	wrdreg s25  }
0x2e: {  	s2 =	simm.s32 $0xA;
	s0 =	simm.s32 $0xB;
	[dreg:$0x17] =	wrdreg s26  }
.LBB2_1:
0x2f: {  	s21 =	rddreg [dreg:$0xf]  }
0x30: {  	[tilespmem:s6], [sflag:$0xC] =	stream.linear.gather [hbm4b:s21+s31], $0x2000, $0x38;
	[tilespmem:$0x1FC00] =	vst v63  }
0x31: {  	_ =	swait.ge [sflag:s7], $0x2000  }
0x32: {  	[sflag:s7] =	ssyncset.done $0x0  }
0x33: {  	s21 =	rddreg [dreg:$0x10];
	[sflag:s7] =	ssyncadd.s32 $0xFFFFE000  }
0x34: {  	[tilespmem:s8], [sflag:$0xC] =	stream.linear.gather [hbm4b:s21+s31], $0x400, $0x38;
	[tilespmem:$0x1FC00] =	vst v63  }
0x35: {  	_ =	swait.ge [sflag:s7], $0x400  }
0x36: {  	[sflag:s7] =	ssyncset.done $0x0  }
0x37: {  	[sflag:s7] =	ssyncadd.s32 $0xFFFFFC00  }
0x38: {  	[spmem:s22] =	stream.linear.scatter [tilespmem:s6], [sflag:$0xC], $0x2000, $0x38;
	[tilespmem:$0x1FC00] =	vst v63  }
0x39: {  	_ =	swait.ge [sflag:s7], $0x2000  }
0x3a: {  	[sflag:s7] =	ssyncset.done $0x0  }
0x3b: {  	[sflag:s7] =	ssyncadd.s32 $0xFFFFE000  }
0x3c: {  	[spmem:s23] =	stream.linear.scatter [tilespmem:s8], [sflag:$0xC], $0x400, $0x38;
	[tilespmem:$0x1FC00] =	vst v63  }
0x3d: {  	_ =	swait.ge [sflag:s7], $0x400  }
0x3e: {  	[sflag:s7] =	ssyncset.done $0x0  }
0x3f: {  	[sflag:s7] =	ssyncadd.s32 $0xFFFFFC00  }
0x40: {  	[spmem:s20] =	stream.linear.scatter [tilespmem:s6], [sflag:$0xC], $0x2000, $0x38;
	[tilespmem:$0x1FC00] =	vst v63  }
0x41: {  	_ =	swait.ge [sflag:s7], $0x2000  }
0x42: {  	[sflag:s7] =	ssyncset.done $0x0  }
0x43: {  	[sflag:s7] =	ssyncadd.s32 $0xFFFFE000  }
0x44: {  	[spmem:s24] =	stream.linear.scatter [tilespmem:s8], [sflag:$0xC], $0x400, $0x38;
	[tilespmem:$0x1FC00] =	vst v63  }
0x45: {  	_ =	swait.ge [sflag:s7], $0x400  }
0x46: {  	[sflag:s7] =	ssyncset.done $0x0  }
0x47: {  	[sflag:s7] =	ssyncadd.s32 $0xFFFFFC00  }
0x48: {  	[spmem:s25] =	stream.linear.scatter [tilespmem:s6], [sflag:$0xC], $0x2000, $0x38;
	[tilespmem:$0x1FC00] =	vst v63  }
0x49: {  	_ =	swait.ge [sflag:s7], $0x2000  }
0x4a: {  	[sflag:s7] =	ssyncset.done $0x0  }
0x4b: {  	[sflag:s7] =	ssyncadd.s32 $0xFFFFE000  }
0x4c: {  	[spmem:s26] =	stream.linear.scatter [tilespmem:s8], [sflag:$0xC], $0x400, $0x38;
	[tilespmem:$0x1FC00] =	vst v63  }
0x4d: {  	_ =	swait.ge [sflag:s7], $0x400  }
0x4e: {  	[sflag:s7] =	ssyncset.done $0x0  }
0x4f: {  	[sflag:s7] =	ssyncadd.s32 $0xFFFFFC00  }
0x50: {  	[spmem:s28] =	stream.linear.scatter [tilespmem:s6], [sflag:$0xC], $0x2000, $0x38;
	[tilespmem:$0x1FC00] =	vst v63  }
0x51: {  	_ =	swait.ge [sflag:s7], $0x2000  }
0x52: {  	[sflag:s7] =	ssyncset.done $0x0  }
0x53: {  	[sflag:s7] =	ssyncadd.s32 $0xFFFFE000  }
0x54: {  	[spmem:s29] =	stream.linear.scatter [tilespmem:s8], [sflag:$0xC], $0x400, $0x38;
	[tilespmem:$0x1FC00] =	vst v63  }
0x55: {  	_ =	swait.ge [sflag:s7], $0x400  }
0x56: {  	[sflag:s7] =	ssyncset.done $0x0  }
0x57: {  	[sflag:s7] =	ssyncadd.s32 $0xFFFFFC00  }
0x58: {  	[spmem:s30] =	stream.linear.scatter [tilespmem:s6], [sflag:$0xC], $0x2000, $0x38;
	[tilespmem:$0x1FC00] =	vst v63  }
0x59: {  	_ =	swait.ge [sflag:s7], $0x2000  }
0x5a: {  	[sflag:s7] =	ssyncset.done $0x0  }
0x5b: {  	[sflag:s7] =	ssyncadd.s32 $0xFFFFE000  }
0x5c: {  	[spmem:s15] =	stream.linear.scatter [tilespmem:s8], [sflag:$0xC], $0x400, $0x38;
	[tilespmem:$0x1FC00] =	vst v63  }
0x5d: {  	_ =	swait.ge [sflag:s7], $0x400  }
0x5e: {  	[sflag:s7] =	ssyncset.done $0x0  }
0x5f: {  	s24 =	simm.s32 $0x14000;
	s23 =	rddreg [dreg:$0x11];
	[sflag:s7] =	ssyncadd.s32 $0xFFFFFC00  }
0x60: {  	[tilespmem:s24], [sflag:$0xC] =	stream.linear.gather [hbm4b:s23+s31], $0x400, $0x38;
	[tilespmem:$0x1FC00] =	vst v63  }
0x61: {  	_ =	swait.ge [sflag:s7], $0x400  }
0x62: {  	[sflag:s7] =	ssyncset.done $0x0  }
0x63: {  	s25 =	rddreg [dreg:$0x1c];
	[sflag:s7] =	ssyncadd.s32 $0xFFFFFC00  }
0x64: {  	[tilespmem:s31], [sflag:$0xC] =	stream.linear.gather [hbm4b:s25+s31], $0x5000, $0x38;
	[tilespmem:$0x1FC00] =	vst v63  }
0x65: {  	_ =	swait.ge [sflag:s7], $0x5000  }
0x66: {  	[sflag:s7] =	ssyncset.done $0x0  }
0x67: {  	s28 =	simm.s32 $0x5000;
	s26 =	rddreg [dreg:$0x1d];
	[sflag:s7] =	ssyncadd.s32 $0xFFFFB000  }
0x68: {  	[tilespmem:s28], [sflag:$0xC] =	stream.linear.gather [hbm4b:s26+s31], $0x5000, $0x38;
	[tilespmem:$0x1FC00] =	vst v63  }
0x69: {  	_ =	swait.ge [sflag:s7], $0x5000  }
0x6a: {  	[sflag:s7] =	ssyncset.done $0x0  }
0x6b: {  	[sflag:s7] =	ssyncadd.s32 $0xFFFFB000  }
0x6c: {  	[bflag:$0x0] =	sbarrier.arrive $0xFFFF  }
0x6d: {  	[tilespmem:s6], [sflag:$0x1] =	stream.indirect.gather [hbm4b:s1+s9], $0x40, s31, s9, $0xb8;
	[tilespmem:$0x1FC00] =	vst v63  }
0x6e: {  	_ = 	snop  }
0x6f: {  	[tilespmem:s10], [sflag:$0x2] =	stream.indirect.gather [hbm4b:s1+s9], $0x40, s9, s9, $0xb8;
	[tilespmem:$0x1FC00] =	vst v63  }
0x70: {  	s29 =	simm.s32 $0x100  }
0x71: {  	[tilespmem:s11], [sflag:$0x3] =	stream.indirect.gather [hbm4b:s1+s9], $0x40, s29, s9, $0xb8;
	[tilespmem:$0x1FC00] =	vst v63  }
0x72: {  	s21 =	simm.s32 $0x0;
	s30 =	simm.s32 $0x180  }
0x73: {  	[tilespmem:s12], [sflag:$0x4] =	stream.indirect.gather [hbm4b:s1+s9], $0x40, s30, s9, $0xb8;
	[tilespmem:$0x1FC00] =	vst v63  }
0x74: {  	s22 =	simm.s32 $0x0;
	s15 =	simm.s32 $0x0;
	s31 =	simm.s32 $0x200  }
0x75: {  	[tilespmem:s13], [sflag:$0x5] =	stream.indirect.gather [hbm4b:s1+s9], $0x40, s31, s9, $0xb8;
	[tilespmem:$0x1FC00] =	vst v63  }
.LBB2_2:
0x76: {  	_ =	swait.ge [sflag:s14], $0x2000  }
0x77: {  	s23 =	sshra.s32 s22, $0x2;
	s24 =	sand.u32 $0x1, s21;
	[sflag:s14] =	ssyncset.done $0x0  }
0x78: {  	s26 =	sadd.s32 $0x5000, s23;
	p0 =	sne.s32 s24, s5;
	[sflag:s14] =	ssyncadd.s32 $0xFFFFE000  }
0x79: {  	[spmem:s3] =	stream.indirect.scatter.add.f32 [tilespmem:s6], [sflag:$0x6], $0x40, s26, s9, $0xb8;
	[tilespmem:$0x1FC00] =	vst v63  }
0x7a: {  	p1 =	seq.s32 s22, $0x13600;
	s24 =	simm.s32 @!p0 $0x80;
	s25 =	simm.s32 @!p0 $0x14000  }
0x7b: {  	[spmem:s4] =	stream.indirect.scatter.add.f32 @!p0 [tilespmem:s25], [sflag:$0xB], $0x8, s26, s24, $0xb8;
	[tilespmem:$0x1FC00] =	vst v63  }
0x7c: {  	s26 =	simm.s32 @!p1 $0x6  }
0x7d: {  	_ =	swait.ge @!p1 [sflag:s26], $0x2000  }
0x7e: {  	[sflag:s26] =	ssyncset.done @!p1 $0x0  }
0x7f: {  	[sflag:s26] =	ssyncadd.s32 @!p1 $0xFFFFE000;
	s26 =	sshra.s32 @!p1 s22, $0x2  }
0x80: {  	s29 =	simm.s32 @!p1 $0x80;
	s30 =	simm.s32 @!p1 $0xA000;
	s28 =	sadd.s32 @!p1 $0x280, s26  }
0x81: {  	[tilespmem:s30], [sflag:$0x1] =	stream.indirect.gather @!p1 [hbm4b:s1+s29], $0x40, s28, s29, $0xb8;
	[tilespmem:$0x1FC00] =	vst v63  }
0x82: {  	s20 =	sxor.u32 $0xFFFFFFFF, s21;
	_ =	swait.ge [sflag:s16], $0x2000  }
0x83: {  	s30 =	sand.u32 $0x1, s20;
	[sflag:s16] =	ssyncset.done $0x0  }
0x84: {  	s28 =	sadd.s32 $0x5080, s23;
	p2 =	sne.s32 s30, s5;
	[sflag:s16] =	ssyncadd.s32 $0xFFFFE000  }
0x85: {  	[spmem:s3] =	stream.indirect.scatter.add.f32 [tilespmem:s10], [sflag:$0x7], $0x40, s28, s9, $0xb8;
	[tilespmem:$0x1FC00] =	vst v63  }
0x86: {  	s30 =	simm.s32 @!p2 $0x80;
	s31 =	simm.s32 @!p2 $0x14000  }
0x87: {  	[spmem:s4] =	stream.indirect.scatter.add.f32 @!p2 [tilespmem:s31], [sflag:$0xB], $0x8, s28, s30, $0xb8;
	[tilespmem:$0x1FC00] =	vst v63  }
0x88: {  	s28 =	simm.s32 @!p1 $0x7  }
0x89: {  	_ =	swait.ge @!p1 [sflag:s28], $0x2000  }
0x8a: {  	[sflag:s28] =	ssyncset.done @!p1 $0x0  }
0x8b: {  	s30 =	simm.s32 @!p1 $0xC000;
	[sflag:s28] =	ssyncadd.s32 @!p1 $0xFFFFE000;
	s28 =	sadd.s32 @!p1 $0x300, s26  }
0x8c: {  	[tilespmem:s30], [sflag:$0x2] =	stream.indirect.gather @!p1 [hbm4b:s1+s29], $0x40, s28, s29, $0xb8;
	[tilespmem:$0x1FC00] =	vst v63  }
0x8d: {  	_ =	swait.ge [sflag:s17], $0x2000  }
0x8e: {  	[sflag:s17] =	ssyncset.done $0x0  }
0x8f: {  	s28 =	sadd.s32 $0x5100, s23;
	[sflag:s17] =	ssyncadd.s32 $0xFFFFE000  }
0x90: {  	[spmem:s3] =	stream.indirect.scatter.add.f32 [tilespmem:s11], [sflag:$0x8], $0x40, s28, s9, $0xb8;
	[tilespmem:$0x1FC00] =	vst v63  }
0x91: {  	_ = 	snop  }
0x92: {  	[spmem:s4] =	stream.indirect.scatter.add.f32 @!p0 [tilespmem:s25], [sflag:$0xB], $0x8, s28, s24, $0xb8;
	[tilespmem:$0x1FC00] =	vst v63  }
0x93: {  	s28 =	simm.s32 @!p1 $0x8  }
0x94: {  	_ =	swait.ge @!p1 [sflag:s28], $0x2000  }
0x95: {  	[sflag:s28] =	ssyncset.done @!p1 $0x0  }
0x96: {  	s30 =	simm.s32 @!p1 $0xE000;
	[sflag:s28] =	ssyncadd.s32 @!p1 $0xFFFFE000;
	s28 =	sadd.s32 @!p1 $0x380, s26  }
0x97: {  	[tilespmem:s30], [sflag:$0x3] =	stream.indirect.gather @!p1 [hbm4b:s1+s29], $0x40, s28, s29, $0xb8;
	[tilespmem:$0x1FC00] =	vst v63  }
0x98: {  	s31 =	sadd.s32 $0xFFFFFFFF, s21;
	_ =	swait.ge [sflag:s18], $0x2000  }
0x99: {  	s28 =	sand.u32 $0x1, s31;
	[sflag:s18] =	ssyncset.done $0x0  }
0x9a: {  	s30 =	sadd.s32 $0x5180, s23;
	p2 =	sne.s32 s28, s5;
	[sflag:s18] =	ssyncadd.s32 $0xFFFFE000  }
0x9b: {  	[spmem:s3] =	stream.indirect.scatter.add.f32 [tilespmem:s12], [sflag:$0x9], $0x40, s30, s9, $0xb8;
	[tilespmem:$0x1FC00] =	vst v63  }
0x9c: {  	s28 =	simm.s32 @!p2 $0x80;
	s31 =	simm.s32 @!p2 $0x14000  }
0x9d: {  	[spmem:s4] =	stream.indirect.scatter.add.f32 @!p2 [tilespmem:s31], [sflag:$0xB], $0x8, s30, s28, $0xb8;
	[tilespmem:$0x1FC00] =	vst v63  }
0x9e: {  	s28 =	simm.s32 @!p1 $0x9  }
0x9f: {  	_ =	swait.ge @!p1 [sflag:s28], $0x2000  }
0xa0: {  	[sflag:s28] =	ssyncset.done @!p1 $0x0  }
0xa1: {  	s26 =	sadd.s32 @!p1 $0x400, s26;
	[sflag:s28] =	ssyncadd.s32 @!p1 $0xFFFFE000;
	s28 =	simm.s32 @!p1 $0x10000  }
0xa2: {  	[tilespmem:s28], [sflag:$0x4] =	stream.indirect.gather @!p1 [hbm4b:s1+s29], $0x40, s26, s29, $0xb8;
	[tilespmem:$0x1FC00] =	vst v63  }
0xa3: {  	_ =	swait.ge [sflag:s19], $0x2000  }
.Ltmp0:
0xa4: {  	[sflag:s19] =	ssyncset.done $0x0;
	(pc) =	sbr.rel @p1 .LBB2_4-.Ltmp0, $4  }
0xa5: {  	s26 =	sadd.s32 $0x5200, s23;
	[sflag:s19] =	ssyncadd.s32 $0xFFFFE000  }
0xa6: {  	[spmem:s3] =	stream.indirect.scatter.add.f32 [tilespmem:s13], [sflag:$0xA], $0x40, s26, s9, $0xb8;
	[tilespmem:$0x1FC00] =	vst v63  }
0xa7: {  	_ = 	snop  }
0xa8: {  	[spmem:s4] =	stream.indirect.scatter.add.f32 @!p0 [tilespmem:s25], [sflag:$0xB], $0x8, s26, s24, $0xb8;
	[tilespmem:$0x1FC00] =	vst v63  }
.Ltmp1:
0xa9: {  	(pc) =	sbr.rel .LBB2_2-.Ltmp1, $4  }
0xaa: {  	_ =	swait.ge [sflag:s2], $0x2000  }
0xab: {  	s23 =	sadd.s32 $0x480, s23;
	[sflag:s2] =	ssyncset.done $0x0  }
0xac: {  	s22 =	sadd.s32 $0xA00, s22;
	s21 =	sadd.s32 $0x5, s21;
	[sflag:s2] =	ssyncadd.s32 $0xFFFFE000  }
0xad: {  	[tilespmem:s13], [sflag:$0x5] =	stream.indirect.gather [hbm4b:s1+s9], $0x40, s23, s9, $0xb8;
	[tilespmem:$0x1FC00] =	vst v63  }
.LBB2_4:
0xae: {  	s21 =	simm.s32 $0x6  }
0xaf: {  	_ =	swait.ge [sflag:s21], $0x2000  }
0xb0: {  	[sflag:s21] =	ssyncset.done $0x0  }
0xb1: {  	s25 =	simm.s32 $0x7;
	[sflag:s21] =	ssyncadd.s32 $0xFFFFE000  }
0xb2: {  	_ =	swait.ge [sflag:s25], $0x2000  }
0xb3: {  	[sflag:s25] =	ssyncset.done $0x0  }
0xb4: {  	s26 =	simm.s32 $0x8;
	[sflag:s25] =	ssyncadd.s32 $0xFFFFE000  }
0xb5: {  	_ =	swait.ge [sflag:s26], $0x2000  }
0xb6: {  	[sflag:s26] =	ssyncset.done $0x0  }
0xb7: {  	s31 =	simm.s32 $0x9;
	[sflag:s26] =	ssyncadd.s32 $0xFFFFE000  }
0xb8: {  	_ =	swait.ge [sflag:s31], $0x2000  }
0xb9: {  	[sflag:s31] =	ssyncset.done $0x0  }
0xba: {  	[sflag:s31] =	ssyncadd.s32 $0xFFFFE000  }
0xbb: {  	_ =	swait.ge [sflag:s2], $0x2000  }
0xbc: {  	[sflag:s2] =	ssyncset.done $0x0  }
0xbd: {  	[sflag:s2] =	ssyncadd.s32 $0xFFFFE000  }
0xbe: {  	_ =	swait.ge [sflag:s0], $0x400  }
0xbf: {  	s20 =	rddreg [dreg:$0x14]  }
0xc0: {  	s24 =	rddreg [dreg:$0x15]  }
0xc1: {  	s25 =	rddreg [dreg:$0x16]  }
0xc2: {  	s26 =	rddreg [dreg:$0x17]  }
0xc3: {  	s28 =	rddreg [dreg:$0x18]  }
0xc4: {  	s29 =	rddreg [dreg:$0x19]  }
0xc5: {  	s21 =	simm.s32 $0x4F;
	[sflag:s0] =	ssyncset.done $0x0;
	s30 =	rddreg [dreg:$0x1a]  }
.LBB2_5:
0xc6: {  	p0 =	sne.s32 s21, $0x1;
	s21 =	sadd.s32 $0xFFFFFFFF, s21;
	[sflag:s0] =	ssyncadd.s32 $0xFFFFFC00  }
.Ltmp2:
0xc7: {  	(pc) =	sbr.rel @p0 .LBB2_5-.Ltmp2, $3  }
0xc8: {  	_ =	sdelay $0x1  }
0xc9: {  	_ =	swait.ge [sflag:s0], $0x400  }
0xca: {  	[sflag:s0] =	ssyncset.done $0x0  }
0xcb: {  	[sflag:s0] =	ssyncadd.s32 $0xFFFFFC00  }
0xcc: {  	[bflag:$0x0] =	sbarrier.arrive $0xFFFF  }
0xcd: {  	s22 =	rddreg [dreg:$0x12]  }
0xce: {  	[tilespmem:s6], [sflag:$0xC] =	stream.linear.gather [spmem:s22], $0x2000, $0x38;
	[tilespmem:$0x1FC00] =	vst v63  }
0xcf: {  	_ =	swait.ge [sflag:s7], $0x2000  }
0xd0: {  	[sflag:s7] =	ssyncset.done $0x0  }
0xd1: {  	s31 =	simm.s32 $0x40;
	s21 =	rddreg [dreg:$0x5];
	[sflag:s7] =	ssyncadd.s32 $0xFFFFE000  }
0xd2: {  	[hbm4b:s21+s31] =	stream.strided.scatter [tilespmem:s6], [sflag:$0xC], $0x2000, s9, s31, $0x38;
	[tilespmem:$0x1FC00] =	vst v63  }
0xd3: {  	_ =	swait.ge [sflag:s7], $0x2000  }
0xd4: {  	[sflag:s7] =	ssyncset.done $0x0  }
0xd5: {  	s23 =	rddreg [dreg:$0x13];
	[sflag:s7] =	ssyncadd.s32 $0xFFFFE000  }
0xd6: {  	[tilespmem:s8], [sflag:$0xC] =	stream.linear.gather [spmem:s23], $0x400, $0x38;
	[tilespmem:$0x1FC00] =	vst v63  }
0xd7: {  	_ =	swait.ge [sflag:s7], $0x400  }
0xd8: {  	[sflag:s7] =	ssyncset.done $0x0  }
0xd9: {  	s21 =	rddreg [dreg:$0x6];
	[sflag:s7] =	ssyncadd.s32 $0xFFFFFC00  }
0xda: {  	[hbm4b:s21+s15] =	stream.linear.scatter [tilespmem:s8], [sflag:$0xC], $0x400, $0x38;
	[tilespmem:$0x1FC00] =	vst v63  }
0xdb: {  	_ =	swait.ge [sflag:s7], $0x400  }
0xdc: {  	[sflag:s7] =	ssyncset.done $0x0  }
0xdd: {  	[sflag:s7] =	ssyncadd.s32 $0xFFFFFC00  }
0xde: {  	[tilespmem:s6], [sflag:$0xC] =	stream.linear.gather [spmem:s20], $0x2000, $0x38;
	[tilespmem:$0x1FC00] =	vst v63  }
0xdf: {  	_ =	swait.ge [sflag:s7], $0x2000  }
0xe0: {  	[sflag:s7] =	ssyncset.done $0x0  }
0xe1: {  	s21 =	rddreg [dreg:$0x7];
	[sflag:s7] =	ssyncadd.s32 $0xFFFFE000  }
0xe2: {  	[hbm4b:s21+s31] =	stream.strided.scatter [tilespmem:s6], [sflag:$0xC], $0x2000, s9, s31, $0x38;
	[tilespmem:$0x1FC00] =	vst v63  }
0xe3: {  	_ =	swait.ge [sflag:s7], $0x2000  }
0xe4: {  	[sflag:s7] =	ssyncset.done $0x0  }
0xe5: {  	[sflag:s7] =	ssyncadd.s32 $0xFFFFE000  }
0xe6: {  	[tilespmem:s8], [sflag:$0xC] =	stream.linear.gather [spmem:s24], $0x400, $0x38;
	[tilespmem:$0x1FC00] =	vst v63  }
0xe7: {  	_ =	swait.ge [sflag:s7], $0x400  }
0xe8: {  	[sflag:s7] =	ssyncset.done $0x0  }
0xe9: {  	s21 =	rddreg [dreg:$0x8];
	[sflag:s7] =	ssyncadd.s32 $0xFFFFFC00  }
0xea: {  	[hbm4b:s21+s15] =	stream.linear.scatter [tilespmem:s8], [sflag:$0xC], $0x400, $0x38;
	[tilespmem:$0x1FC00] =	vst v63  }
0xeb: {  	_ =	swait.ge [sflag:s7], $0x400  }
0xec: {  	[sflag:s7] =	ssyncset.done $0x0  }
0xed: {  	[sflag:s7] =	ssyncadd.s32 $0xFFFFFC00  }
0xee: {  	[tilespmem:s6], [sflag:$0xC] =	stream.linear.gather [spmem:s25], $0x2000, $0x38;
	[tilespmem:$0x1FC00] =	vst v63  }
0xef: {  	_ =	swait.ge [sflag:s7], $0x2000  }
0xf0: {  	[sflag:s7] =	ssyncset.done $0x0  }
0xf1: {  	s21 =	rddreg [dreg:$0x9];
	[sflag:s7] =	ssyncadd.s32 $0xFFFFE000  }
0xf2: {  	[hbm4b:s21+s31] =	stream.strided.scatter [tilespmem:s6], [sflag:$0xC], $0x2000, s9, s31, $0x38;
	[tilespmem:$0x1FC00] =	vst v63  }
0xf3: {  	_ =	swait.ge [sflag:s7], $0x2000  }
0xf4: {  	[sflag:s7] =	ssyncset.done $0x0  }
0xf5: {  	[sflag:s7] =	ssyncadd.s32 $0xFFFFE000  }
0xf6: {  	[tilespmem:s8], [sflag:$0xC] =	stream.linear.gather [spmem:s26], $0x400, $0x38;
	[tilespmem:$0x1FC00] =	vst v63  }
0xf7: {  	_ =	swait.ge [sflag:s7], $0x400  }
0xf8: {  	[sflag:s7] =	ssyncset.done $0x0  }
0xf9: {  	s21 =	rddreg [dreg:$0xa];
	[sflag:s7] =	ssyncadd.s32 $0xFFFFFC00  }
0xfa: {  	[hbm4b:s21+s15] =	stream.linear.scatter [tilespmem:s8], [sflag:$0xC], $0x400, $0x38;
	[tilespmem:$0x1FC00] =	vst v63  }
0xfb: {  	_ =	swait.ge [sflag:s7], $0x400  }
0xfc: {  	[sflag:s7] =	ssyncset.done $0x0  }
0xfd: {  	[sflag:s7] =	ssyncadd.s32 $0xFFFFFC00  }
0xfe: {  	[tilespmem:s6], [sflag:$0xC] =	stream.linear.gather [spmem:s28], $0x2000, $0x38;
	[tilespmem:$0x1FC00] =	vst v63  }
0xff: {  	_ =	swait.ge [sflag:s7], $0x2000  }
0x100: {  	[sflag:s7] =	ssyncset.done $0x0  }
0x101: {  	s21 =	rddreg [dreg:$0xb];
	[sflag:s7] =	ssyncadd.s32 $0xFFFFE000  }
0x102: {  	[hbm4b:s21+s31] =	stream.strided.scatter [tilespmem:s6], [sflag:$0xC], $0x2000, s9, s31, $0x38;
	[tilespmem:$0x1FC00] =	vst v63  }
0x103: {  	_ =	swait.ge [sflag:s7], $0x2000  }
0x104: {  	[sflag:s7] =	ssyncset.done $0x0  }
0x105: {  	[sflag:s7] =	ssyncadd.s32 $0xFFFFE000  }
0x106: {  	[tilespmem:s8], [sflag:$0xC] =	stream.linear.gather [spmem:s29], $0x400, $0x38;
	[tilespmem:$0x1FC00] =	vst v63  }
0x107: {  	_ =	swait.ge [sflag:s7], $0x400  }
0x108: {  	[sflag:s7] =	ssyncset.done $0x0  }
0x109: {  	s21 =	rddreg [dreg:$0xd];
	[sflag:s7] =	ssyncadd.s32 $0xFFFFFC00  }
0x10a: {  	[hbm4b:s21+s15] =	stream.linear.scatter [tilespmem:s8], [sflag:$0xC], $0x400, $0x38;
	[tilespmem:$0x1FC00] =	vst v63  }
0x10b: {  	_ =	swait.ge [sflag:s7], $0x400  }
0x10c: {  	[sflag:s7] =	ssyncset.done $0x0  }
0x10d: {  	[sflag:s7] =	ssyncadd.s32 $0xFFFFFC00  }
0x10e: {  	[tilespmem:s6], [sflag:$0xC] =	stream.linear.gather [spmem:s30], $0x2000, $0x38;
	[tilespmem:$0x1FC00] =	vst v63  }
0x10f: {  	_ =	swait.ge [sflag:s7], $0x2000  }
0x110: {  	[sflag:s7] =	ssyncset.done $0x0  }
0x111: {  	s15 =	rddreg [dreg:$0xc];
	[sflag:s7] =	ssyncadd.s32 $0xFFFFE000  }
0x112: {  	[hbm4b:s15+s31] =	stream.strided.scatter [tilespmem:s6], [sflag:$0xC], $0x2000, s9, s31, $0x38;
	[tilespmem:$0x1FC00] =	vst v63  }
0x113: {  	_ =	swait.ge [sflag:s7], $0x2000  }
0x114: {  	[sflag:s7] =	ssyncset.done $0x0  }
0x115: {  	s15 =	rddreg [dreg:$0x1b];
	[sflag:s7] =	ssyncadd.s32 $0xFFFFE000  }
0x116: {  	[tilespmem:s8], [sflag:$0xC] =	stream.linear.gather [spmem:s15], $0x400, $0x38;
	[tilespmem:$0x1FC00] =	vst v63  }
0x117: {  	_ =	swait.ge [sflag:s7], $0x400  }
0x118: {  	[sflag:s7] =	ssyncset.done $0x0  }
0x119: {  	s31 =	simm.s32 $0x0;
	s21 =	rddreg [dreg:$0xe];
	[sflag:s7] =	ssyncadd.s32 $0xFFFFFC00  }
0x11a: {  	[hbm4b:s21+s31] =	stream.linear.scatter [tilespmem:s8], [sflag:$0xC], $0x400, $0x38;
	[tilespmem:$0x1FC00] =	vst v63  }
0x11b: {  	_ =	swait.ge [sflag:s7], $0x400  }
0x11c: {  	s21 =	rddreg [dreg:$0x1f]  }
0x11d: {  	s8 =	sadd.s32 $0x1, s21;
	s21 =	rddreg [dreg:$0x1e]  }
0x11e: {  	p0 =	sne.s32 s8, s21  }
.Ltmp3:
0x11f: {  	_ = 	snop;
	(pc) =	sbr.rel @p0 .LBB2_1-.Ltmp3, $3  }
0x120: {  	_ =	sdelay $0x1  }
0x121: {  	[sflag:s7] =	ssyncset.done $0x0  }
0x122: {  	[sflag:s7] =	ssyncadd.s32 $0xFFFFFC00;
	[dreg:$0x1f] =	wrdreg s8;
	s8 =	simm.s32 $0x14400  }
0x123: {  	_ =	sfence.sel $0x180000  }
0x124: {  	[bflag:$0x0] =	sbarrier.arrive $0xFFFF  }
0x125: {  	_ =	strace $0x90000047  }
0x126: {  	s0 =	stileid.u32;
	[bflag:$0x2] =	sbarrier.arrive $0xFFFF  }
0x127: {  	p0 =	sne.s32 s0, $0x0;
	s0 =	rddreg [dreg:$0x4]  }
0x128: {  	s0 =	sadd.s32 @!p0 $0x100000, s0  }
0x129: {  	[sflag:s0] =	ssyncadd.tile.s32 @!p0 $0x1;
	_ =	shalt  }
.Lfunc_end2:
_tile_overlayer_lowered:
.L_overlay_start_2:
0x12a: {  	(tag) =	ssettag $0x2  }
0x12b: {  	s0 =	rddreg [dreg:$0x0];
	s2 =	stileid.u32  }
0x12c: {  	s1 =	rddreg [dreg:$0x1];
	p0 =	sne.s32 s2, $0x0  }
0x12d: {  	s3 =	rddreg [dreg:$0x2];
	[bflag:$0x3] =	sbarrier.arrive $0xFFFF;
	s2 =	simm.s32 @!p0 $0x1C0C  }
0x12e: {  	[timem:s3], [sflag:s2] =	dma.local @!p0 [hbm:s0], s1  }
0x12f: {  	s0 =	simm.s32 @!p0 $0xC  }
0x130: {  	_ =	swait.ge @!p0 [sflag:s0], s1  }
0x131: {  	s1 =	ssub.s32 @!p0 $0x0, s1;
	[sflag:s0] =	ssyncset.done @!p0 $0x0  }
0x132: {  	[sflag:s0] =	ssyncadd.s32 @!p0 s1  }
0x133: {  	[bflag:$0x3] =	sbarrier.arrive $0xFFFF  }
0x134: {  	_ =	shalt  }

</sc_bundles>
